<compile_context>
chip_gen: v7x
topology: tpu7x:2x2x1
jax: 0.10.2.dev20260603
libtpu: 0.0.44.dev20260713+nightly
codegen_flags: <defaults>
</compile_context>

<pallas_src>
import functools

import jax
import jax.numpy as jnp
from jax import lax
from jax.experimental import pallas as pl
from jax.experimental.pallas import tpu as pltpu
from jax.experimental.pallas import tpu_sc as plsc

B, Q, C, K = 64, 900, 91, 50
CP = 128
CS = 96
NBLK = Q // 2
NBLKP = 464
KP = 64
NEG_BIG = 1 << 30


def _shuf(x, iota, sft):
    return x.at[iota ^ sft].get(mode="promise_in_bounds")


def _hmax(x, iota):
    for sft in (1, 2, 4, 8):
        x = jnp.maximum(x, _shuf(x, iota, sft))
    return x


def _hmin(x, iota):
    for sft in (1, 2, 4, 8):
        x = jnp.minimum(x, _shuf(x, iota, sft))
    return x


def _tec_body(prob_hbm, boxes_hbm, ts_hbm,
              scores_hbm, labels_hbm, boxeso_hbm,
              data_v, boxes_v, m_v, vals_v, q_v, ts_v, lab_v, box_v):
    c = lax.axis_index("c")
    s = lax.axis_index("s")
    wid = s * 2 + c
    iota = lax.iota(jnp.int32, 16)
    zero16 = jnp.zeros((16,), jnp.int32)
    neg3 = jnp.full((16,), -3.0, jnp.float32)

    for g in range(4):
        q_v[pl.ds(g * 16, 16)] = zero16

    pltpu.sync_copy(ts_hbm, ts_v)

    def _blk_max(i):
        acc = data_v[2 * i, pl.ds(0, 16)]
        for t in range(1, 12):
            dt, ct = divmod(t, 6)
            acc = jnp.maximum(acc, data_v[2 * i + dt, pl.ds(ct * 16, 16)])
        return acc

    for r in range(2):
        b = wid * 2 + r
        pltpu.sync_copy(prob_hbm.at[b], data_v)
        pltpu.sync_copy(boxes_hbm.at[b], boxes_v)

        m_v[pl.ds(NBLKP - 16, 16)] = neg3

        def blk_body(i, _):
            mx = _hmax(_blk_max(i), iota)
            ilane = i & 15
            ioff = i - ilane
            mvec = m_v[pl.ds(ioff, 16)]
            m_v[pl.ds(ioff, 16)] = jnp.where(iota == ilane, mx, mvec)
            return 0

        lax.fori_loop(0, NBLK, blk_body, 0)

        def extract(k, _):
            def scanm(j, carry):
                accc, bidx = carry
                v = m_v[pl.ds(j * 16, 16)]
                m = v > accc
                return (jnp.where(m, v, accc),
                        jnp.where(m, j * 16 + iota, bidx))

            acc, bidx = lax.fori_loop(0, NBLKP // 16, scanm, (neg3, zero16))
            gvec = _hmax(acc, iota)
            bstar = _hmin(jnp.where(acc == gvec, bidx, NEG_BIG), iota)[0]

            acc2 = neg3
            eidx = zero16
            for t in range(12):
                dt, ct = divmod(t, 6)
                v = data_v[2 * bstar + dt, pl.ds(ct * 16, 16)]
                m = v > acc2
                acc2 = jnp.where(m, v, acc2)
                eidx = jnp.where(m, t * 16 + iota, eidx)
            estar = _hmin(jnp.where(acc2 == gvec, eidx, NEG_BIG), iota)[0]
            top = (estar >= CS).astype(jnp.int32)
            rr = 2 * bstar + top
            cc = estar - CS * top

            lane = k & 15
            off = k - lane
            vv = vals_v[pl.ds(off, 16)]
            vals_v[pl.ds(off, 16)] = jnp.where(iota == lane, gvec, vv)
            qq = q_v[pl.ds(off, 16)]
            q_v[pl.ds(off, 16)] = jnp.where(iota == lane, rr, qq)
            ll = lab_v[pl.ds(off, 16)]
            lab_v[pl.ds(off, 16)] = jnp.where(iota == lane, cc, ll)

            cl = cc & 15
            coff = cc - cl
            dv = data_v[rr, pl.ds(coff, 16)]
            data_v[rr, pl.ds(coff, 16)] = jnp.where(
                iota == cl, jnp.float32(-2.0), dv)

            nm = _hmax(_blk_max(bstar), iota)
            bl = bstar & 15
            boff = bstar - bl
            mv = m_v[pl.ds(boff, 16)]
            m_v[pl.ds(boff, 16)] = jnp.where(iota == bl, nm, mv)
            return 0

        lax.fori_loop(0, K, extract, 0)

        img_h = plsc.load_gather(ts_v, [jnp.full((16,), 2 * b, jnp.int32)])
        img_w = plsc.load_gather(ts_v, [jnp.full((16,), 2 * b + 1, jnp.int32)])
        for g in range(4):
            q4 = q_v[pl.ds(g * 16, 16)] * 4
            cx = plsc.load_gather(boxes_v, [q4])
            cy = plsc.load_gather(boxes_v, [q4 + 1])
            w_ = plsc.load_gather(boxes_v, [q4 + 2])
            h_ = plsc.load_gather(boxes_v, [q4 + 3])
            x0 = (cx - 0.5 * w_) * img_w
            y0 = (cy - 0.5 * h_) * img_h
            x1 = (cx + 0.5 * w_) * img_w
            y1 = (cy + 0.5 * h_) * img_h
            k4 = (g * 16 + iota) * 4
            plsc.store_scatter(box_v, [k4], x0)
            plsc.store_scatter(box_v, [k4 + 1], y0)
            plsc.store_scatter(box_v, [k4 + 2], x1)
            plsc.store_scatter(box_v, [k4 + 3], y1)

        pltpu.sync_copy(vals_v, scores_hbm.at[b])
        pltpu.sync_copy(lab_v, labels_hbm.at[b])
        pltpu.sync_copy(box_v, boxeso_hbm.at[b])


_sc_call = functools.partial(
    pl.kernel,
    out_type=[
        jax.ShapeDtypeStruct((B, KP), jnp.float32),
        jax.ShapeDtypeStruct((B, KP), jnp.int32),
        jax.ShapeDtypeStruct((B, KP * 4), jnp.float32),
    ],
    mesh=plsc.VectorSubcoreMesh(core_axis_name="c", subcore_axis_name="s"),
    compiler_params=pltpu.CompilerParams(needs_layout_passes=False),
    scratch_types=[
        pltpu.VMEM((Q, CP), jnp.float32),
        pltpu.VMEM((Q * 4,), jnp.float32),
        pltpu.VMEM((NBLKP,), jnp.float32),
        pltpu.VMEM((KP,), jnp.float32),
        pltpu.VMEM((KP,), jnp.int32),
        pltpu.VMEM((B * 2,), jnp.float32),
        pltpu.VMEM((KP,), jnp.int32),
        pltpu.VMEM((KP * 4,), jnp.float32),
    ],
)(_tec_body)


def kernel(pred_logits, pred_boxes, pred_vectors, target_sizes):
    del pred_vectors
    logits_pad = jnp.pad(pred_logits, ((0, 0), (0, 0), (0, CP - C)),
                         constant_values=-1e9)
    probp = jax.nn.sigmoid(logits_pad)
    scores, labels, boxes = _sc_call(
        probp, pred_boxes.reshape(B, Q * 4), target_sizes.reshape(B * 2))
    return scores[:, :K], labels[:, :K], boxes.reshape(B, KP, 4)[:, :K, :]

# --- scband reference (transcript-rebuilt; emitter-appended) ---
"""Pipeline reference for scband-post-process-81604378624763 (READ-ONLY COPY).

The authoritative reference and input builder live on the scoring server;
editing this copy changes nothing except your own understanding.
"""

import jax, jax.numpy as jnp
import numpy as np


def box_cxcywh_to_xyxy(b):
    cx, cy, w, h = b[..., 0], b[..., 1], b[..., 2], b[..., 3]
    return jnp.stack([cx - 0.5 * w, cy - 0.5 * h, cx + 0.5 * w, cy + 0.5 * h], axis=-1)


def setup_inputs(seed: int = 0) -> dict:
    key = jax.random.key(seed)
    k1, k2, k3, k4 = jax.random.split(key, 4)
    B, Q, C, NK = 64, 900, 91, 128
    pred_logits = jax.random.normal(k1, (B, Q, C), dtype=jnp.float32)
    pred_boxes = jax.random.uniform(k2, (B, Q, 4), dtype=jnp.float32)
    pred_vectors = jax.random.normal(k3, (B, Q, NK), dtype=jnp.float32)
    target_sizes = jax.random.uniform(k4, (B, 2), dtype=jnp.float32) * 1000.0 + 200.0
    return {"pred_logits": pred_logits, "pred_boxes": pred_boxes, "pred_vectors": pred_vectors, "target_sizes": target_sizes}


def reference(pred_logits, pred_boxes, pred_vectors, target_sizes):
    # processor_dct is None, do_masks path skipped, args.do_predict_oop False,
    # return_features False -> core DETR postprocess path.
    B, Q, C = pred_logits.shape
    prob = jax.nn.sigmoid(pred_logits)
    topk_values, topk_indexes = jax.lax.top_k(prob.reshape(B, Q * C), 50)
    scores = topk_values
    topk_boxes = topk_indexes // C
    labels = topk_indexes % C
    boxes = box_cxcywh_to_xyxy(pred_boxes)
    boxes = jnp.take_along_axis(boxes, topk_boxes[:, :, None], axis=1)
    img_h = target_sizes[:, 0]
    img_w = target_sizes[:, 1]
    scale_fct = jnp.stack([img_w, img_h, img_w, img_h], axis=1)
    boxes = boxes * scale_fct[:, None, :]
    return scores, labels, boxes

if __name__ == "__main__":
    import jax
    _d = setup_inputs()
    print(jax.jit(kernel)(*tuple(_d.values())))

</pallas_src>

<mosaic_0001>
#map = affine_map<(d0, d1) -> (0, 0, 0)>
#map1 = affine_map<(d0, d1) -> (0, 0)>
#map2 = affine_map<(d0, d1) -> (0)>
module attributes {stable_mosaic.version = 14 : i64} {
  func.func @_tec_body(%arg0: i32, %arg1: i32, %arg2: memref<64x900x128xf32, #tpu.memory_space<hbm>>, %arg3: memref<64x3600xf32, #tpu.memory_space<hbm>>, %arg4: memref<128xf32, #tpu.memory_space<hbm>>, %arg5: memref<64x64xf32, #tpu.memory_space<hbm>>, %arg6: memref<64x64xi32, #tpu.memory_space<hbm>>, %arg7: memref<64x256xf32, #tpu.memory_space<hbm>>, %arg8: memref<900x128xf32, #tpu.memory_space<vmem>>, %arg9: memref<3600xf32, #tpu.memory_space<vmem>>, %arg10: memref<464xf32, #tpu.memory_space<vmem>>, %arg11: memref<64xf32, #tpu.memory_space<vmem>>, %arg12: memref<64xi32, #tpu.memory_space<vmem>>, %arg13: memref<128xf32, #tpu.memory_space<vmem>>, %arg14: memref<64xi32, #tpu.memory_space<vmem>>, %arg15: memref<256xf32, #tpu.memory_space<vmem>>) attributes {dimension_semantics = [#tpu.dimension_semantics<core_parallel>, #tpu.dimension_semantics<subcore_parallel>], iteration_bounds = array<i64: 2, 16>, scalar_prefetch = 0 : i64, scratch_operands = 8 : i64, tpu.core_type = #tpu.core_type<sc_vector_subcore>, window_params = [{transform_indices = #map}, {transform_indices = #map1}, {transform_indices = #map2}, {transform_indices = #map1}, {transform_indices = #map1}, {transform_indices = #map1}]} {
    %mul3A = arith.constant 2 : i32
    %mul3A_0 = arith.muli %arg1, %mul3A : i32
    %add3A = arith.addi %mul3A_0, %arg0 : i32
    %iota3A = tpu.iota {dimensions = array<i32: 0>} : vector<16xi32>
    %broadcast_in_dim3A = arith.constant 0 : i32
    %broadcast_in_dim3A_1 = vector.broadcast %broadcast_in_dim3A : i32 to vector<16xi32>
    %broadcast_in_dim3A_2 = arith.constant -3.000000e+00 : f32
    %broadcast_in_dim3A_3 = vector.broadcast %broadcast_in_dim3A_2 : f32 to vector<16xf32>
    %swap3A = arith.constant 0 : index
    %swap3A_4 = tpu.vector_load %arg12[%swap3A] {strides = array<i32>} : memref<64xi32, #tpu.memory_space<vmem>>, vector<16xi32>,
    tpu.vector_store %arg12[%swap3A], %broadcast_in_dim3A_1 {strides = array<i32>} : memref<64xi32, #tpu.memory_space<vmem>>, vector<16xi32>,
    %swap3A_5 = arith.constant 16 : index
    %swap3A_6 = tpu.vector_load %arg12[%swap3A_5] {strides = array<i32>} : memref<64xi32, #tpu.memory_space<vmem>>, vector<16xi32>,
    tpu.vector_store %arg12[%swap3A_5], %broadcast_in_dim3A_1 {strides = array<i32>} : memref<64xi32, #tpu.memory_space<vmem>>, vector<16xi32>,
    %swap3A_7 = arith.constant 32 : index
    %swap3A_8 = tpu.vector_load %arg12[%swap3A_7] {strides = array<i32>} : memref<64xi32, #tpu.memory_space<vmem>>, vector<16xi32>,
    tpu.vector_store %arg12[%swap3A_7], %broadcast_in_dim3A_1 {strides = array<i32>} : memref<64xi32, #tpu.memory_space<vmem>>, vector<16xi32>,
    %swap3A_9 = arith.constant 48 : index
    %swap3A_10 = tpu.vector_load %arg12[%swap3A_9] {strides = array<i32>} : memref<64xi32, #tpu.memory_space<vmem>>, vector<16xi32>,
    tpu.vector_store %arg12[%swap3A_9], %broadcast_in_dim3A_1 {strides = array<i32>} : memref<64xi32, #tpu.memory_space<vmem>>, vector<16xi32>,
    "tpu.region"() ({
      %run_scoped3A = tpu.sem_alloc : memref<!tpu.dma_semaphore, #tpu.memory_space<semaphore_mem>>
      tpu.enqueue_dma source(%arg4 : memref<128xf32, #tpu.memory_space<hbm>>) target(%arg13 : memref<128xf32, #tpu.memory_space<vmem>>) target_semaphore(%run_scoped3A : memref<!tpu.dma_semaphore, #tpu.memory_space<semaphore_mem>>)
      tpu.wait_dma2 semaphore(%run_scoped3A : memref<!tpu.dma_semaphore, #tpu.memory_space<semaphore_mem>>) src(%arg4 : memref<128xf32, #tpu.memory_space<hbm>>) dst(%arg13 : memref<128xf32, #tpu.memory_space<vmem>>)
      tpu.yield
    }) : () -> ()
    %mul3A_11 = arith.constant 2 : i32
    %mul3A_12 = arith.muli %add3A, %mul3A_11 : i32
    %add3A_13 = arith.constant 0 : i32
    %add3A_14 = arith.addi %mul3A_12, %add3A_13 : i32
    "tpu.region"() ({
      %run_scoped3A = tpu.sem_alloc : memref<!tpu.dma_semaphore, #tpu.memory_space<semaphore_mem>>
      %dma_start3A = arith.constant 0 : i32
      %dma_start3A_491 = arith.constant 0 : i32
      %dma_start3A_492 = tpu.memref_slice %arg2[%add3A_14, %dma_start3A, %dma_start3A_491] : memref<64x900x128xf32, #tpu.memory_space<hbm>> -> memref<1x900x128xf32, #tpu.memory_space<hbm>>
      %dma_start3A_493 = tpu.memref_squeeze %dma_start3A_492 : memref<1x900x128xf32, #tpu.memory_space<hbm>> -> memref<900x128xf32, #tpu.memory_space<hbm>>
      %dma_start3A_494 = arith.constant 0 : i32
      %dma_start3A_495 = arith.constant 0 : i32
      %dma_start3A_496 = tpu.memref_slice %arg2[%add3A_14, %dma_start3A_494, %dma_start3A_495] : memref<64x900x128xf32, #tpu.memory_space<hbm>> -> memref<1x900x128xf32, #tpu.memory_space<hbm>>
      %dma_start3A_497 = tpu.memref_squeeze %dma_start3A_496 : memref<1x900x128xf32, #tpu.memory_space<hbm>> -> memref<900x128xf32, #tpu.memory_space<hbm>>
      tpu.enqueue_dma source(%dma_start3A_497 : memref<900x128xf32, #tpu.memory_space<hbm>>) target(%arg8 : memref<900x128xf32, #tpu.memory_space<vmem>>) target_semaphore(%run_scoped3A : memref<!tpu.dma_semaphore, #tpu.memory_space<semaphore_mem>>)
      %dma_wait3A = arith.constant 0 : i32
      %dma_wait3A_498 = arith.constant 0 : i32
      %dma_wait3A_499 = tpu.memref_slice %arg2[%add3A_14, %dma_wait3A, %dma_wait3A_498] : memref<64x900x128xf32, #tpu.memory_space<hbm>> -> memref<1x900x128xf32, #tpu.memory_space<hbm>>
      %dma_wait3A_500 = tpu.memref_squeeze %dma_wait3A_499 : memref<1x900x128xf32, #tpu.memory_space<hbm>> -> memref<900x128xf32, #tpu.memory_space<hbm>>
      %dma_wait3A_501 = arith.constant 0 : i32
      %dma_wait3A_502 = arith.constant 0 : i32
      %dma_wait3A_503 = tpu.memref_slice %arg2[%add3A_14, %dma_wait3A_501, %dma_wait3A_502] : memref<64x900x128xf32, #tpu.memory_space<hbm>> -> memref<1x900x128xf32, #tpu.memory_space<hbm>>
      %dma_wait3A_504 = tpu.memref_squeeze %dma_wait3A_503 : memref<1x900x128xf32, #tpu.memory_space<hbm>> -> memref<900x128xf32, #tpu.memory_space<hbm>>
      tpu.wait_dma2 semaphore(%run_scoped3A : memref<!tpu.dma_semaphore, #tpu.memory_space<semaphore_mem>>) src(%dma_wait3A_504 : memref<900x128xf32, #tpu.memory_space<hbm>>) dst(%arg8 : memref<900x128xf32, #tpu.memory_space<vmem>>)
      tpu.yield
    }) : () -> ()
    "tpu.region"() ({
      %run_scoped3A = tpu.sem_alloc : memref<!tpu.dma_semaphore, #tpu.memory_space<semaphore_mem>>
      %dma_start3A = arith.constant 0 : i32
      %dma_start3A_491 = tpu.memref_slice %arg3[%add3A_14, %dma_start3A] : memref<64x3600xf32, #tpu.memory_space<hbm>> -> memref<1x3600xf32, #tpu.memory_space<hbm>>
      %dma_start3A_492 = tpu.memref_squeeze %dma_start3A_491 : memref<1x3600xf32, #tpu.memory_space<hbm>> -> memref<3600xf32, #tpu.memory_space<hbm>>
      %dma_start3A_493 = arith.constant 0 : i32
      %dma_start3A_494 = tpu.memref_slice %arg3[%add3A_14, %dma_start3A_493] : memref<64x3600xf32, #tpu.memory_space<hbm>> -> memref<1x3600xf32, #tpu.memory_space<hbm>>
      %dma_start3A_495 = tpu.memref_squeeze %dma_start3A_494 : memref<1x3600xf32, #tpu.memory_space<hbm>> -> memref<3600xf32, #tpu.memory_space<hbm>>
      tpu.enqueue_dma source(%dma_start3A_495 : memref<3600xf32, #tpu.memory_space<hbm>>) target(%arg9 : memref<3600xf32, #tpu.memory_space<vmem>>) target_semaphore(%run_scoped3A : memref<!tpu.dma_semaphore, #tpu.memory_space<semaphore_mem>>)
      %dma_wait3A = arith.constant 0 : i32
      %dma_wait3A_496 = tpu.memref_slice %arg3[%add3A_14, %dma_wait3A] : memref<64x3600xf32, #tpu.memory_space<hbm>> -> memref<1x3600xf32, #tpu.memory_space<hbm>>
      %dma_wait3A_497 = tpu.memref_squeeze %dma_wait3A_496 : memref<1x3600xf32, #tpu.memory_space<hbm>> -> memref<3600xf32, #tpu.memory_space<hbm>>
      %dma_wait3A_498 = arith.constant 0 : i32
      %dma_wait3A_499 = tpu.memref_slice %arg3[%add3A_14, %dma_wait3A_498] : memref<64x3600xf32, #tpu.memory_space<hbm>> -> memref<1x3600xf32, #tpu.memory_space<hbm>>
      %dma_wait3A_500 = tpu.memref_squeeze %dma_wait3A_499 : memref<1x3600xf32, #tpu.memory_space<hbm>> -> memref<3600xf32, #tpu.memory_space<hbm>>
      tpu.wait_dma2 semaphore(%run_scoped3A : memref<!tpu.dma_semaphore, #tpu.memory_space<semaphore_mem>>) src(%dma_wait3A_500 : memref<3600xf32, #tpu.memory_space<hbm>>) dst(%arg9 : memref<3600xf32, #tpu.memory_space<vmem>>)
      tpu.yield
    }) : () -> ()
    %swap3A_15 = arith.constant 448 : index
    %swap3A_16 = tpu.vector_load %arg10[%swap3A_15] {strides = array<i32>} : memref<464xf32, #tpu.memory_space<vmem>>, vector<16xf32>,
    tpu.vector_store %arg10[%swap3A_15], %broadcast_in_dim3A_3 {strides = array<i32>} : memref<464xf32, #tpu.memory_space<vmem>>, vector<16xf32>,
    %scan3A = arith.constant 0 : i32
    %scan3A_17 = arith.constant 0 : i32
    %scan3A_18 = arith.constant 450 : i32
    %scan3A_19 = arith.addi %scan3A_17, %scan3A_18 : i32
    %scan3A_20 = arith.constant 1 : i32
    %scan3A_21 = scf.for %scan3A_491 = %scan3A_17 to %scan3A_19 step %scan3A_20 iter_args(%scan3A_492 = %scan3A) -> (i32)  : i32 {
      %mul3A_493 = arith.constant 2 : i32
      %mul3A_494 = arith.muli %mul3A_493, %scan3A_491 : i32
      %get3A_495 = arith.index_cast %mul3A_494 : i32 to index
      %get3A_496 = arith.constant 0 : index
      %get3A_497 = tpu.vector_load %arg8[%get3A_495, %get3A_496] {strides = array<i32>} : memref<900x128xf32, #tpu.memory_space<vmem>>, vector<16xf32>,
      %mul3A_498 = arith.constant 2 : i32
      %mul3A_499 = arith.muli %mul3A_498, %scan3A_491 : i32
      %add3A_500 = arith.constant 0 : i32
      %add3A_501 = arith.addi %mul3A_499, %add3A_500 : i32
      %get3A_502 = arith.index_cast %add3A_501 : i32 to index
      %get3A_503 = arith.constant 16 : index
      %get3A_504 = tpu.vector_load %arg8[%get3A_502, %get3A_503] {strides = array<i32>} : memref<900x128xf32, #tpu.memory_space<vmem>>, vector<16xf32>,
      %max3A = arith.maximumf %get3A_497, %get3A_504 : vector<16xf32>
      %mul3A_505 = arith.constant 2 : i32
      %mul3A_506 = arith.muli %mul3A_505, %scan3A_491 : i32
      %add3A_507 = arith.constant 0 : i32
      %add3A_508 = arith.addi %mul3A_506, %add3A_507 : i32
      %get3A_509 = arith.index_cast %add3A_508 : i32 to index
      %get3A_510 = arith.constant 32 : index
      %get3A_511 = tpu.vector_load %arg8[%get3A_509, %get3A_510] {strides = array<i32>} : memref<900x128xf32, #tpu.memory_space<vmem>>, vector<16xf32>,
      %max3A_512 = arith.maximumf %max3A, %get3A_511 : vector<16xf32>
      %mul3A_513 = arith.constant 2 : i32
      %mul3A_514 = arith.muli %mul3A_513, %scan3A_491 : i32
      %add3A_515 = arith.constant 0 : i32
      %add3A_516 = arith.addi %mul3A_514, %add3A_515 : i32
      %get3A_517 = arith.index_cast %add3A_516 : i32 to index
      %get3A_518 = arith.constant 48 : index
      %get3A_519 = tpu.vector_load %arg8[%get3A_517, %get3A_518] {strides = array<i32>} : memref<900x128xf32, #tpu.memory_space<vmem>>, vector<16xf32>,
      %max3A_520 = arith.maximumf %max3A_512, %get3A_519 : vector<16xf32>
      %mul3A_521 = arith.constant 2 : i32
      %mul3A_522 = arith.muli %mul3A_521, %scan3A_491 : i32
      %add3A_523 = arith.constant 0 : i32
      %add3A_524 = arith.addi %mul3A_522, %add3A_523 : i32
      %get3A_525 = arith.index_cast %add3A_524 : i32 to index
      %get3A_526 = arith.constant 64 : index
      %get3A_527 = tpu.vector_load %arg8[%get3A_525, %get3A_526] {strides = array<i32>} : memref<900x128xf32, #tpu.memory_space<vmem>>, vector<16xf32>,
      %max3A_528 = arith.maximumf %max3A_520, %get3A_527 : vector<16xf32>
      %mul3A_529 = arith.constant 2 : i32
      %mul3A_530 = arith.muli %mul3A_529, %scan3A_491 : i32
      %add3A_531 = arith.constant 0 : i32
      %add3A_532 = arith.addi %mul3A_530, %add3A_531 : i32
      %get3A_533 = arith.index_cast %add3A_532 : i32 to index
      %get3A_534 = arith.constant 80 : index
      %get3A_535 = tpu.vector_load %arg8[%get3A_533, %get3A_534] {strides = array<i32>} : memref<900x128xf32, #tpu.memory_space<vmem>>, vector<16xf32>,
      %max3A_536 = arith.maximumf %max3A_528, %get3A_535 : vector<16xf32>
      %mul3A_537 = arith.constant 2 : i32
      %mul3A_538 = arith.muli %mul3A_537, %scan3A_491 : i32
      %add3A_539 = arith.constant 1 : i32
      %add3A_540 = arith.addi %mul3A_538, %add3A_539 : i32
      %get3A_541 = arith.index_cast %add3A_540 : i32 to index
      %get3A_542 = arith.constant 0 : index
      %get3A_543 = tpu.vector_load %arg8[%get3A_541, %get3A_542] {strides = array<i32>} : memref<900x128xf32, #tpu.memory_space<vmem>>, vector<16xf32>,
      %max3A_544 = arith.maximumf %max3A_536, %get3A_543 : vector<16xf32>
      %mul3A_545 = arith.constant 2 : i32
      %mul3A_546 = arith.muli %mul3A_545, %scan3A_491 : i32
      %add3A_547 = arith.constant 1 : i32
      %add3A_548 = arith.addi %mul3A_546, %add3A_547 : i32
      %get3A_549 = arith.index_cast %add3A_548 : i32 to index
      %get3A_550 = arith.constant 16 : index
      %get3A_551 = tpu.vector_load %arg8[%get3A_549, %get3A_550] {strides = array<i32>} : memref<900x128xf32, #tpu.memory_space<vmem>>, vector<16xf32>,
      %max3A_552 = arith.maximumf %max3A_544, %get3A_551 : vector<16xf32>
      %mul3A_553 = arith.constant 2 : i32
      %mul3A_554 = arith.muli %mul3A_553, %scan3A_491 : i32
      %add3A_555 = arith.constant 1 : i32
      %add3A_556 = arith.addi %mul3A_554, %add3A_555 : i32
      %get3A_557 = arith.index_cast %add3A_556 : i32 to index
      %get3A_558 = arith.constant 32 : index
      %get3A_559 = tpu.vector_load %arg8[%get3A_557, %get3A_558] {strides = array<i32>} : memref<900x128xf32, #tpu.memory_space<vmem>>, vector<16xf32>,
      %max3A_560 = arith.maximumf %max3A_552, %get3A_559 : vector<16xf32>
      %mul3A_561 = arith.constant 2 : i32
      %mul3A_562 = arith.muli %mul3A_561, %scan3A_491 : i32
      %add3A_563 = arith.constant 1 : i32
      %add3A_564 = arith.addi %mul3A_562, %add3A_563 : i32
      %get3A_565 = arith.index_cast %add3A_564 : i32 to index
      %get3A_566 = arith.constant 48 : index
      %get3A_567 = tpu.vector_load %arg8[%get3A_565, %get3A_566] {strides = array<i32>} : memref<900x128xf32, #tpu.memory_space<vmem>>, vector<16xf32>,
      %max3A_568 = arith.maximumf %max3A_560, %get3A_567 : vector<16xf32>
      %mul3A_569 = arith.constant 2 : i32
      %mul3A_570 = arith.muli %mul3A_569, %scan3A_491 : i32
      %add3A_571 = arith.constant 1 : i32
      %add3A_572 = arith.addi %mul3A_570, %add3A_571 : i32
      %get3A_573 = arith.index_cast %add3A_572 : i32 to index
      %get3A_574 = arith.constant 64 : index
      %get3A_575 = tpu.vector_load %arg8[%get3A_573, %get3A_574] {strides = array<i32>} : memref<900x128xf32, #tpu.memory_space<vmem>>, vector<16xf32>,
      %max3A_576 = arith.maximumf %max3A_568, %get3A_575 : vector<16xf32>
      %mul3A_577 = arith.constant 2 : i32
      %mul3A_578 = arith.muli %mul3A_577, %scan3A_491 : i32
      %add3A_579 = arith.constant 1 : i32
      %add3A_580 = arith.addi %mul3A_578, %add3A_579 : i32
      %get3A_581 = arith.index_cast %add3A_580 : i32 to index
      %get3A_582 = arith.constant 80 : index
      %get3A_583 = tpu.vector_load %arg8[%get3A_581, %get3A_582] {strides = array<i32>} : memref<900x128xf32, #tpu.memory_space<vmem>>, vector<16xf32>,
      %max3A_584 = arith.maximumf %max3A_576, %get3A_583 : vector<16xf32>
      %xor3A = arith.constant 1 : i32
      %xor3A_585 = vector.broadcast %xor3A : i32 to vector<16xi32>
      %xor3A_586 = arith.xori %iota3A, %xor3A_585 : vector<16xi32>
      %lt3A = arith.constant 0 : i32
      %lt3A_587 = vector.broadcast %lt3A : i32 to vector<16xi32>
      %lt3A_588 = arith.cmpi slt, %xor3A_586, %lt3A_587 : vector<16xi32>
      %add3A_589 = arith.constant 16 : i32
      %add3A_590 = vector.broadcast %add3A_589 : i32 to vector<16xi32>
      %add3A_591 = arith.addi %xor3A_586, %add3A_590 : vector<16xi32>
      %select_n3A = arith.select %lt3A_588, %add3A_591, %xor3A_586 : vector<16xi1>, vector<16xi32>
      %broadcast_in_dim3A_592 = vector.shape_cast %select_n3A : vector<16xi32> to vector<16x1xi32>
      %gather3A_593 = vector.shape_cast %broadcast_in_dim3A_592 : vector<16x1xi32> to vector<16xi32>
      %gather3A_594 = tpu.dynamic_gather %max3A_584[%gather3A_593] in [0] : vector<16xf32>, vector<16xi32> -> vector<16xf32>
      %max3A_595 = arith.maximumf %max3A_584, %gather3A_594 : vector<16xf32>
      %xor3A_596 = arith.constant 2 : i32
      %xor3A_597 = vector.broadcast %xor3A_596 : i32 to vector<16xi32>
      %xor3A_598 = arith.xori %iota3A, %xor3A_597 : vector<16xi32>
      %lt3A_599 = arith.constant 0 : i32
      %lt3A_600 = vector.broadcast %lt3A_599 : i32 to vector<16xi32>
      %lt3A_601 = arith.cmpi slt, %xor3A_598, %lt3A_600 : vector<16xi32>
      %add3A_602 = arith.constant 16 : i32
      %add3A_603 = vector.broadcast %add3A_602 : i32 to vector<16xi32>
      %add3A_604 = arith.addi %xor3A_598, %add3A_603 : vector<16xi32>
      %select_n3A_605 = arith.select %lt3A_601, %add3A_604, %xor3A_598 : vector<16xi1>, vector<16xi32>
      %broadcast_in_dim3A_606 = vector.shape_cast %select_n3A_605 : vector<16xi32> to vector<16x1xi32>
      %gather3A_607 = vector.shape_cast %broadcast_in_dim3A_606 : vector<16x1xi32> to vector<16xi32>
      %gather3A_608 = tpu.dynamic_gather %max3A_595[%gather3A_607] in [0] : vector<16xf32>, vector<16xi32> -> vector<16xf32>
      %max3A_609 = arith.maximumf %max3A_595, %gather3A_608 : vector<16xf32>
      %xor3A_610 = arith.constant 4 : i32
      %xor3A_611 = vector.broadcast %xor3A_610 : i32 to vector<16xi32>
      %xor3A_612 = arith.xori %iota3A, %xor3A_611 : vector<16xi32>
      %lt3A_613 = arith.constant 0 : i32
      %lt3A_614 = vector.broadcast %lt3A_613 : i32 to vector<16xi32>
      %lt3A_615 = arith.cmpi slt, %xor3A_612, %lt3A_614 : vector<16xi32>
      %add3A_616 = arith.constant 16 : i32
      %add3A_617 = vector.broadcast %add3A_616 : i32 to vector<16xi32>
      %add3A_618 = arith.addi %xor3A_612, %add3A_617 : vector<16xi32>
      %select_n3A_619 = arith.select %lt3A_615, %add3A_618, %xor3A_612 : vector<16xi1>, vector<16xi32>
      %broadcast_in_dim3A_620 = vector.shape_cast %select_n3A_619 : vector<16xi32> to vector<16x1xi32>
      %gather3A_621 = vector.shape_cast %broadcast_in_dim3A_620 : vector<16x1xi32> to vector<16xi32>
      %gather3A_622 = tpu.dynamic_gather %max3A_609[%gather3A_621] in [0] : vector<16xf32>, vector<16xi32> -> vector<16xf32>
      %max3A_623 = arith.maximumf %max3A_609, %gather3A_622 : vector<16xf32>
      %xor3A_624 = arith.constant 8 : i32
      %xor3A_625 = vector.broadcast %xor3A_624 : i32 to vector<16xi32>
      %xor3A_626 = arith.xori %iota3A, %xor3A_625 : vector<16xi32>
      %lt3A_627 = arith.constant 0 : i32
      %lt3A_628 = vector.broadcast %lt3A_627 : i32 to vector<16xi32>
      %lt3A_629 = arith.cmpi slt, %xor3A_626, %lt3A_628 : vector<16xi32>
      %add3A_630 = arith.constant 16 : i32
      %add3A_631 = vector.broadcast %add3A_630 : i32 to vector<16xi32>
      %add3A_632 = arith.addi %xor3A_626, %add3A_631 : vector<16xi32>
      %select_n3A_633 = arith.select %lt3A_629, %add3A_632, %xor3A_626 : vector<16xi1>, vector<16xi32>
      %broadcast_in_dim3A_634 = vector.shape_cast %select_n3A_633 : vector<16xi32> to vector<16x1xi32>
      %gather3A_635 = vector.shape_cast %broadcast_in_dim3A_634 : vector<16x1xi32> to vector<16xi32>
      %gather3A_636 = tpu.dynamic_gather %max3A_623[%gather3A_635] in [0] : vector<16xf32>, vector<16xi32> -> vector<16xf32>
      %max3A_637 = arith.maximumf %max3A_623, %gather3A_636 : vector<16xf32>
      %and3A = arith.constant 15 : i32
      %and3A_638 = arith.andi %scan3A_491, %and3A : i32
      %sub3A_639 = arith.subi %scan3A_491, %and3A_638 : i32
      %get3A_640 = arith.index_cast %sub3A_639 : i32 to index
      %get3A_641 = tpu.vector_load %arg10[%get3A_640] {strides = array<i32>} : memref<464xf32, #tpu.memory_space<vmem>>, vector<16xf32>,
      %eq3A = vector.broadcast %and3A_638 : i32 to vector<16xi32>
      %eq3A_642 = arith.cmpi eq, %iota3A, %eq3A : vector<16xi32>
      %select_n3A_643 = arith.select %eq3A_642, %max3A_637, %get3A_641 : vector<16xi1>, vector<16xf32>
      %swap3A_644 = arith.index_cast %sub3A_639 : i32 to index
      %swap3A_645 = tpu.vector_load %arg10[%swap3A_644] {strides = array<i32>} : memref<464xf32, #tpu.memory_space<vmem>>, vector<16xf32>,
      tpu.vector_store %arg10[%swap3A_644], %select_n3A_643 {strides = array<i32>} : memref<464xf32, #tpu.memory_space<vmem>>, vector<16xf32>,
      %scan3A_646 = arith.constant 0 : i32
      scf.yield %scan3A_646 : i32
    }
    %scan3A_22 = arith.constant 450 : i32
    %scan3A_23 = arith.constant 0 : i32
    %scan3A_24 = arith.constant 0 : i32
    %scan3A_25 = arith.constant 50 : i32
    %scan3A_26 = arith.addi %scan3A_24, %scan3A_25 : i32
    %scan3A_27 = arith.constant 1 : i32
    %scan3A_28 = scf.for %scan3A_491 = %scan3A_24 to %scan3A_26 step %scan3A_27 iter_args(%scan3A_492 = %scan3A_23) -> (i32)  : i32 {
      %scan3A_493 = arith.constant 0 : i32
      %scan3A_494 = arith.constant 29 : i32
      %scan3A_495 = arith.addi %scan3A_493, %scan3A_494 : i32
      %scan3A_496 = arith.constant 1 : i32
      %scan3A_497:2 = scf.for %scan3A_1031 = %scan3A_493 to %scan3A_495 step %scan3A_496 iter_args(%scan3A_1032 = %broadcast_in_dim3A_3, %scan3A_1033 = %broadcast_in_dim3A_1) -> (vector<16xf32>, vector<16xi32>)  : i32 {
        %mul3A_1034 = arith.constant 16 : i32
        %mul3A_1035 = arith.muli %scan3A_1031, %mul3A_1034 : i32
        %get3A_1036 = arith.index_cast %mul3A_1035 : i32 to index
        %get3A_1037 = tpu.vector_load %arg10[%get3A_1036] {strides = array<i32>} : memref<464xf32, #tpu.memory_space<vmem>>, vector<16xf32>,
        %gt3A_1038 = arith.cmpf ogt, %get3A_1037, %scan3A_1032 : vector<16xf32>
        %select_n3A_1039 = arith.select %gt3A_1038, %get3A_1037, %scan3A_1032 : vector<16xi1>, vector<16xf32>
        %mul3A_1040 = arith.constant 16 : i32
        %mul3A_1041 = arith.muli %scan3A_1031, %mul3A_1040 : i32
        %add3A_1042 = vector.broadcast %mul3A_1041 : i32 to vector<16xi32>
        %add3A_1043 = arith.addi %add3A_1042, %iota3A : vector<16xi32>
        %select_n3A_1044 = arith.select %gt3A_1038, %add3A_1043, %scan3A_1033 : vector<16xi1>, vector<16xi32>
        scf.yield %select_n3A_1039, %select_n3A_1044 : vector<16xf32>, vector<16xi32>
      }
      %scan3A_498 = arith.constant 29 : i32
      %xor3A = arith.constant 1 : i32
      %xor3A_499 = vector.broadcast %xor3A : i32 to vector<16xi32>
      %xor3A_500 = arith.xori %iota3A, %xor3A_499 : vector<16xi32>
      %lt3A = arith.constant 0 : i32
      %lt3A_501 = vector.broadcast %lt3A : i32 to vector<16xi32>
      %lt3A_502 = arith.cmpi slt, %xor3A_500, %lt3A_501 : vector<16xi32>
      %add3A_503 = arith.constant 16 : i32
      %add3A_504 = vector.broadcast %add3A_503 : i32 to vector<16xi32>
      %add3A_505 = arith.addi %xor3A_500, %add3A_504 : vector<16xi32>
      %select_n3A = arith.select %lt3A_502, %add3A_505, %xor3A_500 : vector<16xi1>, vector<16xi32>
      %broadcast_in_dim3A_506 = vector.shape_cast %select_n3A : vector<16xi32> to vector<16x1xi32>
      %gather3A_507 = vector.shape_cast %broadcast_in_dim3A_506 : vector<16x1xi32> to vector<16xi32>
      %gather3A_508 = tpu.dynamic_gather %scan3A_497#0[%gather3A_507] in [0] : vector<16xf32>, vector<16xi32> -> vector<16xf32>
      %max3A = arith.maximumf %scan3A_497#0, %gather3A_508 : vector<16xf32>
      %xor3A_509 = arith.constant 2 : i32
      %xor3A_510 = vector.broadcast %xor3A_509 : i32 to vector<16xi32>
      %xor3A_511 = arith.xori %iota3A, %xor3A_510 : vector<16xi32>
      %lt3A_512 = arith.constant 0 : i32
      %lt3A_513 = vector.broadcast %lt3A_512 : i32 to vector<16xi32>
      %lt3A_514 = arith.cmpi slt, %xor3A_511, %lt3A_513 : vector<16xi32>
      %add3A_515 = arith.constant 16 : i32
      %add3A_516 = vector.broadcast %add3A_515 : i32 to vector<16xi32>
      %add3A_517 = arith.addi %xor3A_511, %add3A_516 : vector<16xi32>
      %select_n3A_518 = arith.select %lt3A_514, %add3A_517, %xor3A_511 : vector<16xi1>, vector<16xi32>
      %broadcast_in_dim3A_519 = vector.shape_cast %select_n3A_518 : vector<16xi32> to vector<16x1xi32>
      %gather3A_520 = vector.shape_cast %broadcast_in_dim3A_519 : vector<16x1xi32> to vector<16xi32>
      %gather3A_521 = tpu.dynamic_gather %max3A[%gather3A_520] in [0] : vector<16xf32>, vector<16xi32> -> vector<16xf32>
      %max3A_522 = arith.maximumf %max3A, %gather3A_521 : vector<16xf32>
      %xor3A_523 = arith.constant 4 : i32
      %xor3A_524 = vector.broadcast %xor3A_523 : i32 to vector<16xi32>
      %xor3A_525 = arith.xori %iota3A, %xor3A_524 : vector<16xi32>
      %lt3A_526 = arith.constant 0 : i32
      %lt3A_527 = vector.broadcast %lt3A_526 : i32 to vector<16xi32>
      %lt3A_528 = arith.cmpi slt, %xor3A_525, %lt3A_527 : vector<16xi32>
      %add3A_529 = arith.constant 16 : i32
      %add3A_530 = vector.broadcast %add3A_529 : i32 to vector<16xi32>
      %add3A_531 = arith.addi %xor3A_525, %add3A_530 : vector<16xi32>
      %select_n3A_532 = arith.select %lt3A_528, %add3A_531, %xor3A_525 : vector<16xi1>, vector<16xi32>
      %broadcast_in_dim3A_533 = vector.shape_cast %select_n3A_532 : vector<16xi32> to vector<16x1xi32>
      %gather3A_534 = vector.shape_cast %broadcast_in_dim3A_533 : vector<16x1xi32> to vector<16xi32>
      %gather3A_535 = tpu.dynamic_gather %max3A_522[%gather3A_534] in [0] : vector<16xf32>, vector<16xi32> -> vector<16xf32>
      %max3A_536 = arith.maximumf %max3A_522, %gather3A_535 : vector<16xf32>
      %xor3A_537 = arith.constant 8 : i32
      %xor3A_538 = vector.broadcast %xor3A_537 : i32 to vector<16xi32>
      %xor3A_539 = arith.xori %iota3A, %xor3A_538 : vector<16xi32>
      %lt3A_540 = arith.constant 0 : i32
      %lt3A_541 = vector.broadcast %lt3A_540 : i32 to vector<16xi32>
      %lt3A_542 = arith.cmpi slt, %xor3A_539, %lt3A_541 : vector<16xi32>
      %add3A_543 = arith.constant 16 : i32
      %add3A_544 = vector.broadcast %add3A_543 : i32 to vector<16xi32>
      %add3A_545 = arith.addi %xor3A_539, %add3A_544 : vector<16xi32>
      %select_n3A_546 = arith.select %lt3A_542, %add3A_545, %xor3A_539 : vector<16xi1>, vector<16xi32>
      %broadcast_in_dim3A_547 = vector.shape_cast %select_n3A_546 : vector<16xi32> to vector<16x1xi32>
      %gather3A_548 = vector.shape_cast %broadcast_in_dim3A_547 : vector<16x1xi32> to vector<16xi32>
      %gather3A_549 = tpu.dynamic_gather %max3A_536[%gather3A_548] in [0] : vector<16xf32>, vector<16xi32> -> vector<16xf32>
      %max3A_550 = arith.maximumf %max3A_536, %gather3A_549 : vector<16xf32>
      %eq3A = arith.cmpf oeq, %scan3A_497#0, %max3A_550 : vector<16xf32>
      %jit3A = arith.constant 1073741824 : i32
      %broadcast_in_dim3A_551 = vector.broadcast %jit3A : i32 to vector<16xi32>
      %select_n3A_552 = arith.select %eq3A, %scan3A_497#1, %broadcast_in_dim3A_551 : vector<16xi1>, vector<16xi32>
      %xor3A_553 = arith.constant 1 : i32
      %xor3A_554 = vector.broadcast %xor3A_553 : i32 to vector<16xi32>
      %xor3A_555 = arith.xori %iota3A, %xor3A_554 : vector<16xi32>
      %lt3A_556 = arith.constant 0 : i32
      %lt3A_557 = vector.broadcast %lt3A_556 : i32 to vector<16xi32>
      %lt3A_558 = arith.cmpi slt, %xor3A_555, %lt3A_557 : vector<16xi32>
      %add3A_559 = arith.constant 16 : i32
      %add3A_560 = vector.broadcast %add3A_559 : i32 to vector<16xi32>
      %add3A_561 = arith.addi %xor3A_555, %add3A_560 : vector<16xi32>
      %select_n3A_562 = arith.select %lt3A_558, %add3A_561, %xor3A_555 : vector<16xi1>, vector<16xi32>
      %broadcast_in_dim3A_563 = vector.shape_cast %select_n3A_562 : vector<16xi32> to vector<16x1xi32>
      %gather3A_564 = vector.shape_cast %broadcast_in_dim3A_563 : vector<16x1xi32> to vector<16xi32>
      %gather3A_565 = tpu.dynamic_gather %select_n3A_552[%gather3A_564] in [0] : vector<16xi32>, vector<16xi32> -> vector<16xi32>
      %min3A = arith.minsi %select_n3A_552, %gather3A_565 : vector<16xi32>
      %xor3A_566 = arith.constant 2 : i32
      %xor3A_567 = vector.broadcast %xor3A_566 : i32 to vector<16xi32>
      %xor3A_568 = arith.xori %iota3A, %xor3A_567 : vector<16xi32>
      %lt3A_569 = arith.constant 0 : i32
      %lt3A_570 = vector.broadcast %lt3A_569 : i32 to vector<16xi32>
      %lt3A_571 = arith.cmpi slt, %xor3A_568, %lt3A_570 : vector<16xi32>
      %add3A_572 = arith.constant 16 : i32
      %add3A_573 = vector.broadcast %add3A_572 : i32 to vector<16xi32>
      %add3A_574 = arith.addi %xor3A_568, %add3A_573 : vector<16xi32>
      %select_n3A_575 = arith.select %lt3A_571, %add3A_574, %xor3A_568 : vector<16xi1>, vector<16xi32>
      %broadcast_in_dim3A_576 = vector.shape_cast %select_n3A_575 : vector<16xi32> to vector<16x1xi32>
      %gather3A_577 = vector.shape_cast %broadcast_in_dim3A_576 : vector<16x1xi32> to vector<16xi32>
      %gather3A_578 = tpu.dynamic_gather %min3A[%gather3A_577] in [0] : vector<16xi32>, vector<16xi32> -> vector<16xi32>
      %min3A_579 = arith.minsi %min3A, %gather3A_578 : vector<16xi32>
      %xor3A_580 = arith.constant 4 : i32
      %xor3A_581 = vector.broadcast %xor3A_580 : i32 to vector<16xi32>
      %xor3A_582 = arith.xori %iota3A, %xor3A_581 : vector<16xi32>
      %lt3A_583 = arith.constant 0 : i32
      %lt3A_584 = vector.broadcast %lt3A_583 : i32 to vector<16xi32>
      %lt3A_585 = arith.cmpi slt, %xor3A_582, %lt3A_584 : vector<16xi32>
      %add3A_586 = arith.constant 16 : i32
      %add3A_587 = vector.broadcast %add3A_586 : i32 to vector<16xi32>
      %add3A_588 = arith.addi %xor3A_582, %add3A_587 : vector<16xi32>
      %select_n3A_589 = arith.select %lt3A_585, %add3A_588, %xor3A_582 : vector<16xi1>, vector<16xi32>
      %broadcast_in_dim3A_590 = vector.shape_cast %select_n3A_589 : vector<16xi32> to vector<16x1xi32>
      %gather3A_591 = vector.shape_cast %broadcast_in_dim3A_590 : vector<16x1xi32> to vector<16xi32>
      %gather3A_592 = tpu.dynamic_gather %min3A_579[%gather3A_591] in [0] : vector<16xi32>, vector<16xi32> -> vector<16xi32>
      %min3A_593 = arith.minsi %min3A_579, %gather3A_592 : vector<16xi32>
      %xor3A_594 = arith.constant 8 : i32
      %xor3A_595 = vector.broadcast %xor3A_594 : i32 to vector<16xi32>
      %xor3A_596 = arith.xori %iota3A, %xor3A_595 : vector<16xi32>
      %lt3A_597 = arith.constant 0 : i32
      %lt3A_598 = vector.broadcast %lt3A_597 : i32 to vector<16xi32>
      %lt3A_599 = arith.cmpi slt, %xor3A_596, %lt3A_598 : vector<16xi32>
      %add3A_600 = arith.constant 16 : i32
      %add3A_601 = vector.broadcast %add3A_600 : i32 to vector<16xi32>
      %add3A_602 = arith.addi %xor3A_596, %add3A_601 : vector<16xi32>
      %select_n3A_603 = arith.select %lt3A_599, %add3A_602, %xor3A_596 : vector<16xi1>, vector<16xi32>
      %broadcast_in_dim3A_604 = vector.shape_cast %select_n3A_603 : vector<16xi32> to vector<16x1xi32>
      %gather3A_605 = vector.shape_cast %broadcast_in_dim3A_604 : vector<16x1xi32> to vector<16xi32>
      %gather3A_606 = tpu.dynamic_gather %min3A_593[%gather3A_605] in [0] : vector<16xi32>, vector<16xi32> -> vector<16xi32>
      %min3A_607 = arith.minsi %min3A_593, %gather3A_606 : vector<16xi32>
      %slice3A = vector.extract_strided_slice %min3A_607 {offsets = [0], sizes = [1], strides = [1]} : vector<16xi32> to vector<1xi32>
      %squeeze3A = vector.extract %slice3A[0] : i32 from vector<1xi32>
      %mul3A_608 = arith.constant 2 : i32
      %mul3A_609 = arith.muli %mul3A_608, %squeeze3A : i32
      %add3A_610 = arith.constant 0 : i32
      %add3A_611 = arith.addi %mul3A_609, %add3A_610 : i32
      %get3A_612 = arith.index_cast %add3A_611 : i32 to index
      %get3A_613 = arith.constant 0 : index
      %get3A_614 = tpu.vector_load %arg8[%get3A_612, %get3A_613] {strides = array<i32>} : memref<900x128xf32, #tpu.memory_space<vmem>>, vector<16xf32>,
      %gt3A = arith.cmpf ogt, %get3A_614, %broadcast_in_dim3A_3 : vector<16xf32>
      %select_n3A_615 = arith.select %gt3A, %get3A_614, %broadcast_in_dim3A_3 : vector<16xi1>, vector<16xf32>
      %add3A_616 = arith.constant 0 : i32
      %add3A_617 = vector.broadcast %add3A_616 : i32 to vector<16xi32>
      %add3A_618 = arith.addi %add3A_617, %iota3A : vector<16xi32>
      %select_n3A_619 = arith.select %gt3A, %add3A_618, %broadcast_in_dim3A_1 : vector<16xi1>, vector<16xi32>
      %mul3A_620 = arith.constant 2 : i32
      %mul3A_621 = arith.muli %mul3A_620, %squeeze3A : i32
      %add3A_622 = arith.constant 0 : i32
      %add3A_623 = arith.addi %mul3A_621, %add3A_622 : i32
      %get3A_624 = arith.index_cast %add3A_623 : i32 to index
      %get3A_625 = arith.constant 16 : index
      %get3A_626 = tpu.vector_load %arg8[%get3A_624, %get3A_625] {strides = array<i32>} : memref<900x128xf32, #tpu.memory_space<vmem>>, vector<16xf32>,
      %gt3A_627 = arith.cmpf ogt, %get3A_626, %select_n3A_615 : vector<16xf32>
      %select_n3A_628 = arith.select %gt3A_627, %get3A_626, %select_n3A_615 : vector<16xi1>, vector<16xf32>
      %add3A_629 = arith.constant 16 : i32
      %add3A_630 = vector.broadcast %add3A_629 : i32 to vector<16xi32>
      %add3A_631 = arith.addi %add3A_630, %iota3A : vector<16xi32>
      %select_n3A_632 = arith.select %gt3A_627, %add3A_631, %select_n3A_619 : vector<16xi1>, vector<16xi32>
      %mul3A_633 = arith.constant 2 : i32
      %mul3A_634 = arith.muli %mul3A_633, %squeeze3A : i32
      %add3A_635 = arith.constant 0 : i32
      %add3A_636 = arith.addi %mul3A_634, %add3A_635 : i32
      %get3A_637 = arith.index_cast %add3A_636 : i32 to index
      %get3A_638 = arith.constant 32 : index
      %get3A_639 = tpu.vector_load %arg8[%get3A_637, %get3A_638] {strides = array<i32>} : memref<900x128xf32, #tpu.memory_space<vmem>>, vector<16xf32>,
      %gt3A_640 = arith.cmpf ogt, %get3A_639, %select_n3A_628 : vector<16xf32>
      %select_n3A_641 = arith.select %gt3A_640, %get3A_639, %select_n3A_628 : vector<16xi1>, vector<16xf32>
      %add3A_642 = arith.constant 32 : i32
      %add3A_643 = vector.broadcast %add3A_642 : i32 to vector<16xi32>
      %add3A_644 = arith.addi %add3A_643, %iota3A : vector<16xi32>
      %select_n3A_645 = arith.select %gt3A_640, %add3A_644, %select_n3A_632 : vector<16xi1>, vector<16xi32>
      %mul3A_646 = arith.constant 2 : i32
      %mul3A_647 = arith.muli %mul3A_646, %squeeze3A : i32
      %add3A_648 = arith.constant 0 : i32
      %add3A_649 = arith.addi %mul3A_647, %add3A_648 : i32
      %get3A_650 = arith.index_cast %add3A_649 : i32 to index
      %get3A_651 = arith.constant 48 : index
      %get3A_652 = tpu.vector_load %arg8[%get3A_650, %get3A_651] {strides = array<i32>} : memref<900x128xf32, #tpu.memory_space<vmem>>, vector<16xf32>,
      %gt3A_653 = arith.cmpf ogt, %get3A_652, %select_n3A_641 : vector<16xf32>
      %select_n3A_654 = arith.select %gt3A_653, %get3A_652, %select_n3A_641 : vector<16xi1>, vector<16xf32>
      %add3A_655 = arith.constant 48 : i32
      %add3A_656 = vector.broadcast %add3A_655 : i32 to vector<16xi32>
      %add3A_657 = arith.addi %add3A_656, %iota3A : vector<16xi32>
      %select_n3A_658 = arith.select %gt3A_653, %add3A_657, %select_n3A_645 : vector<16xi1>, vector<16xi32>
      %mul3A_659 = arith.constant 2 : i32
      %mul3A_660 = arith.muli %mul3A_659, %squeeze3A : i32
      %add3A_661 = arith.constant 0 : i32
      %add3A_662 = arith.addi %mul3A_660, %add3A_661 : i32
      %get3A_663 = arith.index_cast %add3A_662 : i32 to index
      %get3A_664 = arith.constant 64 : index
      %get3A_665 = tpu.vector_load %arg8[%get3A_663, %get3A_664] {strides = array<i32>} : memref<900x128xf32, #tpu.memory_space<vmem>>, vector<16xf32>,
      %gt3A_666 = arith.cmpf ogt, %get3A_665, %select_n3A_654 : vector<16xf32>
      %select_n3A_667 = arith.select %gt3A_666, %get3A_665, %select_n3A_654 : vector<16xi1>, vector<16xf32>
      %add3A_668 = arith.constant 64 : i32
      %add3A_669 = vector.broadcast %add3A_668 : i32 to vector<16xi32>
      %add3A_670 = arith.addi %add3A_669, %iota3A : vector<16xi32>
      %select_n3A_671 = arith.select %gt3A_666, %add3A_670, %select_n3A_658 : vector<16xi1>, vector<16xi32>
      %mul3A_672 = arith.constant 2 : i32
      %mul3A_673 = arith.muli %mul3A_672, %squeeze3A : i32
      %add3A_674 = arith.constant 0 : i32
      %add3A_675 = arith.addi %mul3A_673, %add3A_674 : i32
      %get3A_676 = arith.index_cast %add3A_675 : i32 to index
      %get3A_677 = arith.constant 80 : index
      %get3A_678 = tpu.vector_load %arg8[%get3A_676, %get3A_677] {strides = array<i32>} : memref<900x128xf32, #tpu.memory_space<vmem>>, vector<16xf32>,
      %gt3A_679 = arith.cmpf ogt, %get3A_678, %select_n3A_667 : vector<16xf32>
      %select_n3A_680 = arith.select %gt3A_679, %get3A_678, %select_n3A_667 : vector<16xi1>, vector<16xf32>
      %add3A_681 = arith.constant 80 : i32
      %add3A_682 = vector.broadcast %add3A_681 : i32 to vector<16xi32>
      %add3A_683 = arith.addi %add3A_682, %iota3A : vector<16xi32>
      %select_n3A_684 = arith.select %gt3A_679, %add3A_683, %select_n3A_671 : vector<16xi1>, vector<16xi32>
      %mul3A_685 = arith.constant 2 : i32
      %mul3A_686 = arith.muli %mul3A_685, %squeeze3A : i32
      %add3A_687 = arith.constant 1 : i32
      %add3A_688 = arith.addi %mul3A_686, %add3A_687 : i32
      %get3A_689 = arith.index_cast %add3A_688 : i32 to index
      %get3A_690 = arith.constant 0 : index
      %get3A_691 = tpu.vector_load %arg8[%get3A_689, %get3A_690] {strides = array<i32>} : memref<900x128xf32, #tpu.memory_space<vmem>>, vector<16xf32>,
      %gt3A_692 = arith.cmpf ogt, %get3A_691, %select_n3A_680 : vector<16xf32>
      %select_n3A_693 = arith.select %gt3A_692, %get3A_691, %select_n3A_680 : vector<16xi1>, vector<16xf32>
      %add3A_694 = arith.constant 96 : i32
      %add3A_695 = vector.broadcast %add3A_694 : i32 to vector<16xi32>
      %add3A_696 = arith.addi %add3A_695, %iota3A : vector<16xi32>
      %select_n3A_697 = arith.select %gt3A_692, %add3A_696, %select_n3A_684 : vector<16xi1>, vector<16xi32>
      %mul3A_698 = arith.constant 2 : i32
      %mul3A_699 = arith.muli %mul3A_698, %squeeze3A : i32
      %add3A_700 = arith.constant 1 : i32
      %add3A_701 = arith.addi %mul3A_699, %add3A_700 : i32
      %get3A_702 = arith.index_cast %add3A_701 : i32 to index
      %get3A_703 = arith.constant 16 : index
      %get3A_704 = tpu.vector_load %arg8[%get3A_702, %get3A_703] {strides = array<i32>} : memref<900x128xf32, #tpu.memory_space<vmem>>, vector<16xf32>,
      %gt3A_705 = arith.cmpf ogt, %get3A_704, %select_n3A_693 : vector<16xf32>
      %select_n3A_706 = arith.select %gt3A_705, %get3A_704, %select_n3A_693 : vector<16xi1>, vector<16xf32>
      %add3A_707 = arith.constant 112 : i32
      %add3A_708 = vector.broadcast %add3A_707 : i32 to vector<16xi32>
      %add3A_709 = arith.addi %add3A_708, %iota3A : vector<16xi32>
      %select_n3A_710 = arith.select %gt3A_705, %add3A_709, %select_n3A_697 : vector<16xi1>, vector<16xi32>
      %mul3A_711 = arith.constant 2 : i32
      %mul3A_712 = arith.muli %mul3A_711, %squeeze3A : i32
      %add3A_713 = arith.constant 1 : i32
      %add3A_714 = arith.addi %mul3A_712, %add3A_713 : i32
      %get3A_715 = arith.index_cast %add3A_714 : i32 to index
      %get3A_716 = arith.constant 32 : index
      %get3A_717 = tpu.vector_load %arg8[%get3A_715, %get3A_716] {strides = array<i32>} : memref<900x128xf32, #tpu.memory_space<vmem>>, vector<16xf32>,
      %gt3A_718 = arith.cmpf ogt, %get3A_717, %select_n3A_706 : vector<16xf32>
      %select_n3A_719 = arith.select %gt3A_718, %get3A_717, %select_n3A_706 : vector<16xi1>, vector<16xf32>
      %add3A_720 = arith.constant 128 : i32
      %add3A_721 = vector.broadcast %add3A_720 : i32 to vector<16xi32>
      %add3A_722 = arith.addi %add3A_721, %iota3A : vector<16xi32>
      %select_n3A_723 = arith.select %gt3A_718, %add3A_722, %select_n3A_710 : vector<16xi1>, vector<16xi32>
      %mul3A_724 = arith.constant 2 : i32
      %mul3A_725 = arith.muli %mul3A_724, %squeeze3A : i32
      %add3A_726 = arith.constant 1 : i32
      %add3A_727 = arith.addi %mul3A_725, %add3A_726 : i32
      %get3A_728 = arith.index_cast %add3A_727 : i32 to index
      %get3A_729 = arith.constant 48 : index
      %get3A_730 = tpu.vector_load %arg8[%get3A_728, %get3A_729] {strides = array<i32>} : memref<900x128xf32, #tpu.memory_space<vmem>>, vector<16xf32>,
      %gt3A_731 = arith.cmpf ogt, %get3A_730, %select_n3A_719 : vector<16xf32>
      %select_n3A_732 = arith.select %gt3A_731, %get3A_730, %select_n3A_719 : vector<16xi1>, vector<16xf32>
      %add3A_733 = arith.constant 144 : i32
      %add3A_734 = vector.broadcast %add3A_733 : i32 to vector<16xi32>
      %add3A_735 = arith.addi %add3A_734, %iota3A : vector<16xi32>
      %select_n3A_736 = arith.select %gt3A_731, %add3A_735, %select_n3A_723 : vector<16xi1>, vector<16xi32>
      %mul3A_737 = arith.constant 2 : i32
      %mul3A_738 = arith.muli %mul3A_737, %squeeze3A : i32
      %add3A_739 = arith.constant 1 : i32
      %add3A_740 = arith.addi %mul3A_738, %add3A_739 : i32
      %get3A_741 = arith.index_cast %add3A_740 : i32 to index
      %get3A_742 = arith.constant 64 : index
      %get3A_743 = tpu.vector_load %arg8[%get3A_741, %get3A_742] {strides = array<i32>} : memref<900x128xf32, #tpu.memory_space<vmem>>, vector<16xf32>,
      %gt3A_744 = arith.cmpf ogt, %get3A_743, %select_n3A_732 : vector<16xf32>
      %select_n3A_745 = arith.select %gt3A_744, %get3A_743, %select_n3A_732 : vector<16xi1>, vector<16xf32>
      %add3A_746 = arith.constant 160 : i32
      %add3A_747 = vector.broadcast %add3A_746 : i32 to vector<16xi32>
      %add3A_748 = arith.addi %add3A_747, %iota3A : vector<16xi32>
      %select_n3A_749 = arith.select %gt3A_744, %add3A_748, %select_n3A_736 : vector<16xi1>, vector<16xi32>
      %mul3A_750 = arith.constant 2 : i32
      %mul3A_751 = arith.muli %mul3A_750, %squeeze3A : i32
      %add3A_752 = arith.constant 1 : i32
      %add3A_753 = arith.addi %mul3A_751, %add3A_752 : i32
      %get3A_754 = arith.index_cast %add3A_753 : i32 to index
      %get3A_755 = arith.constant 80 : index
      %get3A_756 = tpu.vector_load %arg8[%get3A_754, %get3A_755] {strides = array<i32>} : memref<900x128xf32, #tpu.memory_space<vmem>>, vector<16xf32>,
      %gt3A_757 = arith.cmpf ogt, %get3A_756, %select_n3A_745 : vector<16xf32>
      %select_n3A_758 = arith.select %gt3A_757, %get3A_756, %select_n3A_745 : vector<16xi1>, vector<16xf32>
      %add3A_759 = arith.constant 176 : i32
      %add3A_760 = vector.broadcast %add3A_759 : i32 to vector<16xi32>
      %add3A_761 = arith.addi %add3A_760, %iota3A : vector<16xi32>
      %select_n3A_762 = arith.select %gt3A_757, %add3A_761, %select_n3A_749 : vector<16xi1>, vector<16xi32>
      %eq3A_763 = arith.cmpf oeq, %select_n3A_758, %max3A_550 : vector<16xf32>
      %jit3A_764 = arith.constant 1073741824 : i32
      %broadcast_in_dim3A_765 = vector.broadcast %jit3A_764 : i32 to vector<16xi32>
      %select_n3A_766 = arith.select %eq3A_763, %select_n3A_762, %broadcast_in_dim3A_765 : vector<16xi1>, vector<16xi32>
      %xor3A_767 = arith.constant 1 : i32
      %xor3A_768 = vector.broadcast %xor3A_767 : i32 to vector<16xi32>
      %xor3A_769 = arith.xori %iota3A, %xor3A_768 : vector<16xi32>
      %lt3A_770 = arith.constant 0 : i32
      %lt3A_771 = vector.broadcast %lt3A_770 : i32 to vector<16xi32>
      %lt3A_772 = arith.cmpi slt, %xor3A_769, %lt3A_771 : vector<16xi32>
      %add3A_773 = arith.constant 16 : i32
      %add3A_774 = vector.broadcast %add3A_773 : i32 to vector<16xi32>
      %add3A_775 = arith.addi %xor3A_769, %add3A_774 : vector<16xi32>
      %select_n3A_776 = arith.select %lt3A_772, %add3A_775, %xor3A_769 : vector<16xi1>, vector<16xi32>
      %broadcast_in_dim3A_777 = vector.shape_cast %select_n3A_776 : vector<16xi32> to vector<16x1xi32>
      %gather3A_778 = vector.shape_cast %broadcast_in_dim3A_777 : vector<16x1xi32> to vector<16xi32>
      %gather3A_779 = tpu.dynamic_gather %select_n3A_766[%gather3A_778] in [0] : vector<16xi32>, vector<16xi32> -> vector<16xi32>
      %min3A_780 = arith.minsi %select_n3A_766, %gather3A_779 : vector<16xi32>
      %xor3A_781 = arith.constant 2 : i32
      %xor3A_782 = vector.broadcast %xor3A_781 : i32 to vector<16xi32>
      %xor3A_783 = arith.xori %iota3A, %xor3A_782 : vector<16xi32>
      %lt3A_784 = arith.constant 0 : i32
      %lt3A_785 = vector.broadcast %lt3A_784 : i32 to vector<16xi32>
      %lt3A_786 = arith.cmpi slt, %xor3A_783, %lt3A_785 : vector<16xi32>
      %add3A_787 = arith.constant 16 : i32
      %add3A_788 = vector.broadcast %add3A_787 : i32 to vector<16xi32>
      %add3A_789 = arith.addi %xor3A_783, %add3A_788 : vector<16xi32>
      %select_n3A_790 = arith.select %lt3A_786, %add3A_789, %xor3A_783 : vector<16xi1>, vector<16xi32>
      %broadcast_in_dim3A_791 = vector.shape_cast %select_n3A_790 : vector<16xi32> to vector<16x1xi32>
      %gather3A_792 = vector.shape_cast %broadcast_in_dim3A_791 : vector<16x1xi32> to vector<16xi32>
      %gather3A_793 = tpu.dynamic_gather %min3A_780[%gather3A_792] in [0] : vector<16xi32>, vector<16xi32> -> vector<16xi32>
      %min3A_794 = arith.minsi %min3A_780, %gather3A_793 : vector<16xi32>
      %xor3A_795 = arith.constant 4 : i32
      %xor3A_796 = vector.broadcast %xor3A_795 : i32 to vector<16xi32>
      %xor3A_797 = arith.xori %iota3A, %xor3A_796 : vector<16xi32>
      %lt3A_798 = arith.constant 0 : i32
      %lt3A_799 = vector.broadcast %lt3A_798 : i32 to vector<16xi32>
      %lt3A_800 = arith.cmpi slt, %xor3A_797, %lt3A_799 : vector<16xi32>
      %add3A_801 = arith.constant 16 : i32
      %add3A_802 = vector.broadcast %add3A_801 : i32 to vector<16xi32>
      %add3A_803 = arith.addi %xor3A_797, %add3A_802 : vector<16xi32>
      %select_n3A_804 = arith.select %lt3A_800, %add3A_803, %xor3A_797 : vector<16xi1>, vector<16xi32>
      %broadcast_in_dim3A_805 = vector.shape_cast %select_n3A_804 : vector<16xi32> to vector<16x1xi32>
      %gather3A_806 = vector.shape_cast %broadcast_in_dim3A_805 : vector<16x1xi32> to vector<16xi32>
      %gather3A_807 = tpu.dynamic_gather %min3A_794[%gather3A_806] in [0] : vector<16xi32>, vector<16xi32> -> vector<16xi32>
      %min3A_808 = arith.minsi %min3A_794, %gather3A_807 : vector<16xi32>
      %xor3A_809 = arith.constant 8 : i32
      %xor3A_810 = vector.broadcast %xor3A_809 : i32 to vector<16xi32>
      %xor3A_811 = arith.xori %iota3A, %xor3A_810 : vector<16xi32>
      %lt3A_812 = arith.constant 0 : i32
      %lt3A_813 = vector.broadcast %lt3A_812 : i32 to vector<16xi32>
      %lt3A_814 = arith.cmpi slt, %xor3A_811, %lt3A_813 : vector<16xi32>
      %add3A_815 = arith.constant 16 : i32
      %add3A_816 = vector.broadcast %add3A_815 : i32 to vector<16xi32>
      %add3A_817 = arith.addi %xor3A_811, %add3A_816 : vector<16xi32>
      %select_n3A_818 = arith.select %lt3A_814, %add3A_817, %xor3A_811 : vector<16xi1>, vector<16xi32>
      %broadcast_in_dim3A_819 = vector.shape_cast %select_n3A_818 : vector<16xi32> to vector<16x1xi32>
      %gather3A_820 = vector.shape_cast %broadcast_in_dim3A_819 : vector<16x1xi32> to vector<16xi32>
      %gather3A_821 = tpu.dynamic_gather %min3A_808[%gather3A_820] in [0] : vector<16xi32>, vector<16xi32> -> vector<16xi32>
      %min3A_822 = arith.minsi %min3A_808, %gather3A_821 : vector<16xi32>
      %slice3A_823 = vector.extract_strided_slice %min3A_822 {offsets = [0], sizes = [1], strides = [1]} : vector<16xi32> to vector<1xi32>
      %squeeze3A_824 = vector.extract %slice3A_823[0] : i32 from vector<1xi32>
      %ge3A = arith.constant 96 : i32
      %ge3A_825 = arith.cmpi sge, %squeeze3A_824, %ge3A : i32
      %convert_element_type3A = arith.extui %ge3A_825 : i1 to i32
      %mul3A_826 = arith.constant 2 : i32
      %mul3A_827 = arith.muli %mul3A_826, %squeeze3A : i32
      %add3A_828 = arith.addi %mul3A_827, %convert_element_type3A : i32
      %mul3A_829 = arith.constant 96 : i32
      %mul3A_830 = arith.muli %mul3A_829, %convert_element_type3A : i32
      %sub3A_831 = arith.subi %squeeze3A_824, %mul3A_830 : i32
      %and3A = arith.constant 15 : i32
      %and3A_832 = arith.andi %scan3A_491, %and3A : i32
      %sub3A_833 = arith.subi %scan3A_491, %and3A_832 : i32
      %get3A_834 = arith.index_cast %sub3A_833 : i32 to index
      %get3A_835 = tpu.vector_load %arg11[%get3A_834] {strides = array<i32>} : memref<64xf32, #tpu.memory_space<vmem>>, vector<16xf32>,
      %eq3A_836 = vector.broadcast %and3A_832 : i32 to vector<16xi32>
      %eq3A_837 = arith.cmpi eq, %iota3A, %eq3A_836 : vector<16xi32>
      %select_n3A_838 = arith.select %eq3A_837, %max3A_550, %get3A_835 : vector<16xi1>, vector<16xf32>
      %swap3A_839 = arith.index_cast %sub3A_833 : i32 to index
      %swap3A_840 = tpu.vector_load %arg11[%swap3A_839] {strides = array<i32>} : memref<64xf32, #tpu.memory_space<vmem>>, vector<16xf32>,
      tpu.vector_store %arg11[%swap3A_839], %select_n3A_838 {strides = array<i32>} : memref<64xf32, #tpu.memory_space<vmem>>, vector<16xf32>,
      %get3A_841 = arith.index_cast %sub3A_833 : i32 to index
      %get3A_842 = tpu.vector_load %arg12[%get3A_841] {strides = array<i32>} : memref<64xi32, #tpu.memory_space<vmem>>, vector<16xi32>,
      %eq3A_843 = vector.broadcast %and3A_832 : i32 to vector<16xi32>
      %eq3A_844 = arith.cmpi eq, %iota3A, %eq3A_843 : vector<16xi32>
      %broadcast_in_dim3A_845 = vector.broadcast %add3A_828 : i32 to vector<16xi32>
      %select_n3A_846 = arith.select %eq3A_844, %broadcast_in_dim3A_845, %get3A_842 : vector<16xi1>, vector<16xi32>
      %swap3A_847 = arith.index_cast %sub3A_833 : i32 to index
      %swap3A_848 = tpu.vector_load %arg12[%swap3A_847] {strides = array<i32>} : memref<64xi32, #tpu.memory_space<vmem>>, vector<16xi32>,
      tpu.vector_store %arg12[%swap3A_847], %select_n3A_846 {strides = array<i32>} : memref<64xi32, #tpu.memory_space<vmem>>, vector<16xi32>,
      %get3A_849 = arith.index_cast %sub3A_833 : i32 to index
      %get3A_850 = tpu.vector_load %arg14[%get3A_849] {strides = array<i32>} : memref<64xi32, #tpu.memory_space<vmem>>, vector<16xi32>,
      %eq3A_851 = vector.broadcast %and3A_832 : i32 to vector<16xi32>
      %eq3A_852 = arith.cmpi eq, %iota3A, %eq3A_851 : vector<16xi32>
      %broadcast_in_dim3A_853 = vector.broadcast %sub3A_831 : i32 to vector<16xi32>
      %select_n3A_854 = arith.select %eq3A_852, %broadcast_in_dim3A_853, %get3A_850 : vector<16xi1>, vector<16xi32>
      %swap3A_855 = arith.index_cast %sub3A_833 : i32 to index
      %swap3A_856 = tpu.vector_load %arg14[%swap3A_855] {strides = array<i32>} : memref<64xi32, #tpu.memory_space<vmem>>, vector<16xi32>,
      tpu.vector_store %arg14[%swap3A_855], %select_n3A_854 {strides = array<i32>} : memref<64xi32, #tpu.memory_space<vmem>>, vector<16xi32>,
      %and3A_857 = arith.constant 15 : i32
      %and3A_858 = arith.andi %sub3A_831, %and3A_857 : i32
      %sub3A_859 = arith.subi %sub3A_831, %and3A_858 : i32
      %get3A_860 = arith.index_cast %add3A_828 : i32 to index
      %get3A_861 = arith.index_cast %sub3A_859 : i32 to index
      %get3A_862 = tpu.vector_load %arg8[%get3A_860, %get3A_861] {strides = array<i32>} : memref<900x128xf32, #tpu.memory_space<vmem>>, vector<16xf32>,
      %eq3A_863 = vector.broadcast %and3A_858 : i32 to vector<16xi32>
      %eq3A_864 = arith.cmpi eq, %iota3A, %eq3A_863 : vector<16xi32>
      %jit3A_865 = arith.constant -2.000000e+00 : f32
      %broadcast_in_dim3A_866 = vector.broadcast %jit3A_865 : f32 to vector<16xf32>
      %select_n3A_867 = arith.select %eq3A_864, %broadcast_in_dim3A_866, %get3A_862 : vector<16xi1>, vector<16xf32>
      %swap3A_868 = arith.index_cast %add3A_828 : i32 to index
      %swap3A_869 = arith.index_cast %sub3A_859 : i32 to index
      %swap3A_870 = tpu.vector_load %arg8[%swap3A_868, %swap3A_869] {strides = array<i32>} : memref<900x128xf32, #tpu.memory_space<vmem>>, vector<16xf32>,
      tpu.vector_store %arg8[%swap3A_868, %swap3A_869], %select_n3A_867 {strides = array<i32>} : memref<900x128xf32, #tpu.memory_space<vmem>>, vector<16xf32>,
      %mul3A_871 = arith.constant 2 : i32
      %mul3A_872 = arith.muli %mul3A_871, %squeeze3A : i32
      %get3A_873 = arith.index_cast %mul3A_872 : i32 to index
      %get3A_874 = arith.constant 0 : index
      %get3A_875 = tpu.vector_load %arg8[%get3A_873, %get3A_874] {strides = array<i32>} : memref<900x128xf32, #tpu.memory_space<vmem>>, vector<16xf32>,
      %mul3A_876 = arith.constant 2 : i32
      %mul3A_877 = arith.muli %mul3A_876, %squeeze3A : i32
      %add3A_878 = arith.constant 0 : i32
      %add3A_879 = arith.addi %mul3A_877, %add3A_878 : i32
      %get3A_880 = arith.index_cast %add3A_879 : i32 to index
      %get3A_881 = arith.constant 16 : index
      %get3A_882 = tpu.vector_load %arg8[%get3A_880, %get3A_881] {strides = array<i32>} : memref<900x128xf32, #tpu.memory_space<vmem>>, vector<16xf32>,
      %max3A_883 = arith.maximumf %get3A_875, %get3A_882 : vector<16xf32>
      %mul3A_884 = arith.constant 2 : i32
      %mul3A_885 = arith.muli %mul3A_884, %squeeze3A : i32
      %add3A_886 = arith.constant 0 : i32
      %add3A_887 = arith.addi %mul3A_885, %add3A_886 : i32
      %get3A_888 = arith.index_cast %add3A_887 : i32 to index
      %get3A_889 = arith.constant 32 : index
      %get3A_890 = tpu.vector_load %arg8[%get3A_888, %get3A_889] {strides = array<i32>} : memref<900x128xf32, #tpu.memory_space<vmem>>, vector<16xf32>,
      %max3A_891 = arith.maximumf %max3A_883, %get3A_890 : vector<16xf32>
      %mul3A_892 = arith.constant 2 : i32
      %mul3A_893 = arith.muli %mul3A_892, %squeeze3A : i32
      %add3A_894 = arith.constant 0 : i32
      %add3A_895 = arith.addi %mul3A_893, %add3A_894 : i32
      %get3A_896 = arith.index_cast %add3A_895 : i32 to index
      %get3A_897 = arith.constant 48 : index
      %get3A_898 = tpu.vector_load %arg8[%get3A_896, %get3A_897] {strides = array<i32>} : memref<900x128xf32, #tpu.memory_space<vmem>>, vector<16xf32>,
      %max3A_899 = arith.maximumf %max3A_891, %get3A_898 : vector<16xf32>
      %mul3A_900 = arith.constant 2 : i32
      %mul3A_901 = arith.muli %mul3A_900, %squeeze3A : i32
      %add3A_902 = arith.constant 0 : i32
      %add3A_903 = arith.addi %mul3A_901, %add3A_902 : i32
      %get3A_904 = arith.index_cast %add3A_903 : i32 to index
      %get3A_905 = arith.constant 64 : index
      %get3A_906 = tpu.vector_load %arg8[%get3A_904, %get3A_905] {strides = array<i32>} : memref<900x128xf32, #tpu.memory_space<vmem>>, vector<16xf32>,
      %max3A_907 = arith.maximumf %max3A_899, %get3A_906 : vector<16xf32>
      %mul3A_908 = arith.constant 2 : i32
      %mul3A_909 = arith.muli %mul3A_908, %squeeze3A : i32
      %add3A_910 = arith.constant 0 : i32
      %add3A_911 = arith.addi %mul3A_909, %add3A_910 : i32
      %get3A_912 = arith.index_cast %add3A_911 : i32 to index
      %get3A_913 = arith.constant 80 : index
      %get3A_914 = tpu.vector_load %arg8[%get3A_912, %get3A_913] {strides = array<i32>} : memref<900x128xf32, #tpu.memory_space<vmem>>, vector<16xf32>,
      %max3A_915 = arith.maximumf %max3A_907, %get3A_914 : vector<16xf32>
      %mul3A_916 = arith.constant 2 : i32
      %mul3A_917 = arith.muli %mul3A_916, %squeeze3A : i32
      %add3A_918 = arith.constant 1 : i32
      %add3A_919 = arith.addi %mul3A_917, %add3A_918 : i32
      %get3A_920 = arith.index_cast %add3A_919 : i32 to index
      %get3A_921 = arith.constant 0 : index
      %get3A_922 = tpu.vector_load %arg8[%get3A_920, %get3A_921] {strides = array<i32>} : memref<900x128xf32, #tpu.memory_space<vmem>>, vector<16xf32>,
      %max3A_923 = arith.maximumf %max3A_915, %get3A_922 : vector<16xf32>
      %mul3A_924 = arith.constant 2 : i32
      %mul3A_925 = arith.muli %mul3A_924, %squeeze3A : i32
      %add3A_926 = arith.constant 1 : i32
      %add3A_927 = arith.addi %mul3A_925, %add3A_926 : i32
      %get3A_928 = arith.index_cast %add3A_927 : i32 to index
      %get3A_929 = arith.constant 16 : index
      %get3A_930 = tpu.vector_load %arg8[%get3A_928, %get3A_929] {strides = array<i32>} : memref<900x128xf32, #tpu.memory_space<vmem>>, vector<16xf32>,
      %max3A_931 = arith.maximumf %max3A_923, %get3A_930 : vector<16xf32>
      %mul3A_932 = arith.constant 2 : i32
      %mul3A_933 = arith.muli %mul3A_932, %squeeze3A : i32
      %add3A_934 = arith.constant 1 : i32
      %add3A_935 = arith.addi %mul3A_933, %add3A_934 : i32
      %get3A_936 = arith.index_cast %add3A_935 : i32 to index
      %get3A_937 = arith.constant 32 : index
      %get3A_938 = tpu.vector_load %arg8[%get3A_936, %get3A_937] {strides = array<i32>} : memref<900x128xf32, #tpu.memory_space<vmem>>, vector<16xf32>,
      %max3A_939 = arith.maximumf %max3A_931, %get3A_938 : vector<16xf32>
      %mul3A_940 = arith.constant 2 : i32
      %mul3A_941 = arith.muli %mul3A_940, %squeeze3A : i32
      %add3A_942 = arith.constant 1 : i32
      %add3A_943 = arith.addi %mul3A_941, %add3A_942 : i32
      %get3A_944 = arith.index_cast %add3A_943 : i32 to index
      %get3A_945 = arith.constant 48 : index
      %get3A_946 = tpu.vector_load %arg8[%get3A_944, %get3A_945] {strides = array<i32>} : memref<900x128xf32, #tpu.memory_space<vmem>>, vector<16xf32>,
      %max3A_947 = arith.maximumf %max3A_939, %get3A_946 : vector<16xf32>
      %mul3A_948 = arith.constant 2 : i32
      %mul3A_949 = arith.muli %mul3A_948, %squeeze3A : i32
      %add3A_950 = arith.constant 1 : i32
      %add3A_951 = arith.addi %mul3A_949, %add3A_950 : i32
      %get3A_952 = arith.index_cast %add3A_951 : i32 to index
      %get3A_953 = arith.constant 64 : index
      %get3A_954 = tpu.vector_load %arg8[%get3A_952, %get3A_953] {strides = array<i32>} : memref<900x128xf32, #tpu.memory_space<vmem>>, vector<16xf32>,
      %max3A_955 = arith.maximumf %max3A_947, %get3A_954 : vector<16xf32>
      %mul3A_956 = arith.constant 2 : i32
      %mul3A_957 = arith.muli %mul3A_956, %squeeze3A : i32
      %add3A_958 = arith.constant 1 : i32
      %add3A_959 = arith.addi %mul3A_957, %add3A_958 : i32
      %get3A_960 = arith.index_cast %add3A_959 : i32 to index
      %get3A_961 = arith.constant 80 : index
      %get3A_962 = tpu.vector_load %arg8[%get3A_960, %get3A_961] {strides = array<i32>} : memref<900x128xf32, #tpu.memory_space<vmem>>, vector<16xf32>,
      %max3A_963 = arith.maximumf %max3A_955, %get3A_962 : vector<16xf32>
      %xor3A_964 = arith.constant 1 : i32
      %xor3A_965 = vector.broadcast %xor3A_964 : i32 to vector<16xi32>
      %xor3A_966 = arith.xori %iota3A, %xor3A_965 : vector<16xi32>
      %lt3A_967 = arith.constant 0 : i32
      %lt3A_968 = vector.broadcast %lt3A_967 : i32 to vector<16xi32>
      %lt3A_969 = arith.cmpi slt, %xor3A_966, %lt3A_968 : vector<16xi32>
      %add3A_970 = arith.constant 16 : i32
      %add3A_971 = vector.broadcast %add3A_970 : i32 to vector<16xi32>
      %add3A_972 = arith.addi %xor3A_966, %add3A_971 : vector<16xi32>
      %select_n3A_973 = arith.select %lt3A_969, %add3A_972, %xor3A_966 : vector<16xi1>, vector<16xi32>
      %broadcast_in_dim3A_974 = vector.shape_cast %select_n3A_973 : vector<16xi32> to vector<16x1xi32>
      %gather3A_975 = vector.shape_cast %broadcast_in_dim3A_974 : vector<16x1xi32> to vector<16xi32>
      %gather3A_976 = tpu.dynamic_gather %max3A_963[%gather3A_975] in [0] : vector<16xf32>, vector<16xi32> -> vector<16xf32>
      %max3A_977 = arith.maximumf %max3A_963, %gather3A_976 : vector<16xf32>
      %xor3A_978 = arith.constant 2 : i32
      %xor3A_979 = vector.broadcast %xor3A_978 : i32 to vector<16xi32>
      %xor3A_980 = arith.xori %iota3A, %xor3A_979 : vector<16xi32>
      %lt3A_981 = arith.constant 0 : i32
      %lt3A_982 = vector.broadcast %lt3A_981 : i32 to vector<16xi32>
      %lt3A_983 = arith.cmpi slt, %xor3A_980, %lt3A_982 : vector<16xi32>
      %add3A_984 = arith.constant 16 : i32
      %add3A_985 = vector.broadcast %add3A_984 : i32 to vector<16xi32>
      %add3A_986 = arith.addi %xor3A_980, %add3A_985 : vector<16xi32>
      %select_n3A_987 = arith.select %lt3A_983, %add3A_986, %xor3A_980 : vector<16xi1>, vector<16xi32>
      %broadcast_in_dim3A_988 = vector.shape_cast %select_n3A_987 : vector<16xi32> to vector<16x1xi32>
      %gather3A_989 = vector.shape_cast %broadcast_in_dim3A_988 : vector<16x1xi32> to vector<16xi32>
      %gather3A_990 = tpu.dynamic_gather %max3A_977[%gather3A_989] in [0] : vector<16xf32>, vector<16xi32> -> vector<16xf32>
      %max3A_991 = arith.maximumf %max3A_977, %gather3A_990 : vector<16xf32>
      %xor3A_992 = arith.constant 4 : i32
      %xor3A_993 = vector.broadcast %xor3A_992 : i32 to vector<16xi32>
      %xor3A_994 = arith.xori %iota3A, %xor3A_993 : vector<16xi32>
      %lt3A_995 = arith.constant 0 : i32
      %lt3A_996 = vector.broadcast %lt3A_995 : i32 to vector<16xi32>
      %lt3A_997 = arith.cmpi slt, %xor3A_994, %lt3A_996 : vector<16xi32>
      %add3A_998 = arith.constant 16 : i32
      %add3A_999 = vector.broadcast %add3A_998 : i32 to vector<16xi32>
      %add3A_1000 = arith.addi %xor3A_994, %add3A_999 : vector<16xi32>
      %select_n3A_1001 = arith.select %lt3A_997, %add3A_1000, %xor3A_994 : vector<16xi1>, vector<16xi32>
      %broadcast_in_dim3A_1002 = vector.shape_cast %select_n3A_1001 : vector<16xi32> to vector<16x1xi32>
      %gather3A_1003 = vector.shape_cast %broadcast_in_dim3A_1002 : vector<16x1xi32> to vector<16xi32>
      %gather3A_1004 = tpu.dynamic_gather %max3A_991[%gather3A_1003] in [0] : vector<16xf32>, vector<16xi32> -> vector<16xf32>
      %max3A_1005 = arith.maximumf %max3A_991, %gather3A_1004 : vector<16xf32>
      %xor3A_1006 = arith.constant 8 : i32
      %xor3A_1007 = vector.broadcast %xor3A_1006 : i32 to vector<16xi32>
      %xor3A_1008 = arith.xori %iota3A, %xor3A_1007 : vector<16xi32>
      %lt3A_1009 = arith.constant 0 : i32
      %lt3A_1010 = vector.broadcast %lt3A_1009 : i32 to vector<16xi32>
      %lt3A_1011 = arith.cmpi slt, %xor3A_1008, %lt3A_1010 : vector<16xi32>
      %add3A_1012 = arith.constant 16 : i32
      %add3A_1013 = vector.broadcast %add3A_1012 : i32 to vector<16xi32>
      %add3A_1014 = arith.addi %xor3A_1008, %add3A_1013 : vector<16xi32>
      %select_n3A_1015 = arith.select %lt3A_1011, %add3A_1014, %xor3A_1008 : vector<16xi1>, vector<16xi32>
      %broadcast_in_dim3A_1016 = vector.shape_cast %select_n3A_1015 : vector<16xi32> to vector<16x1xi32>
      %gather3A_1017 = vector.shape_cast %broadcast_in_dim3A_1016 : vector<16x1xi32> to vector<16xi32>
      %gather3A_1018 = tpu.dynamic_gather %max3A_1005[%gather3A_1017] in [0] : vector<16xf32>, vector<16xi32> -> vector<16xf32>
      %max3A_1019 = arith.maximumf %max3A_1005, %gather3A_1018 : vector<16xf32>
      %and3A_1020 = arith.constant 15 : i32
      %and3A_1021 = arith.andi %squeeze3A, %and3A_1020 : i32
      %sub3A_1022 = arith.subi %squeeze3A, %and3A_1021 : i32
      %get3A_1023 = arith.index_cast %sub3A_1022 : i32 to index
      %get3A_1024 = tpu.vector_load %arg10[%get3A_1023] {strides = array<i32>} : memref<464xf32, #tpu.memory_space<vmem>>, vector<16xf32>,
      %eq3A_1025 = vector.broadcast %and3A_1021 : i32 to vector<16xi32>
      %eq3A_1026 = arith.cmpi eq, %iota3A, %eq3A_1025 : vector<16xi32>
      %select_n3A_1027 = arith.select %eq3A_1026, %max3A_1019, %get3A_1024 : vector<16xi1>, vector<16xf32>
      %swap3A_1028 = arith.index_cast %sub3A_1022 : i32 to index
      %swap3A_1029 = tpu.vector_load %arg10[%swap3A_1028] {strides = array<i32>} : memref<464xf32, #tpu.memory_space<vmem>>, vector<16xf32>,
      tpu.vector_store %arg10[%swap3A_1028], %select_n3A_1027 {strides = array<i32>} : memref<464xf32, #tpu.memory_space<vmem>>, vector<16xf32>,
      %scan3A_1030 = arith.constant 0 : i32
      scf.yield %scan3A_1030 : i32
    }
    %scan3A_29 = arith.constant 50 : i32
    %mul3A_30 = arith.constant 2 : i32
    %mul3A_31 = arith.muli %mul3A_30, %add3A_14 : i32
    %broadcast_in_dim3A_32 = vector.broadcast %mul3A_31 : i32 to vector<16xi32>
    %gather3A = tpu.vector_load_idx %arg13[%broadcast_in_dim3A_32] : memref<128xf32, #tpu.memory_space<vmem>>[vector<16xi32>], vector<16xf32>,
    %mul3A_33 = arith.constant 2 : i32
    %mul3A_34 = arith.muli %mul3A_33, %add3A_14 : i32
    %add3A_35 = arith.constant 1 : i32
    %add3A_36 = arith.addi %mul3A_34, %add3A_35 : i32
    %broadcast_in_dim3A_37 = vector.broadcast %add3A_36 : i32 to vector<16xi32>
    %gather3A_38 = tpu.vector_load_idx %arg13[%broadcast_in_dim3A_37] : memref<128xf32, #tpu.memory_space<vmem>>[vector<16xi32>], vector<16xf32>,
    %get3A = arith.constant 0 : index
    %get3A_39 = tpu.vector_load %arg12[%get3A] {strides = array<i32>} : memref<64xi32, #tpu.memory_space<vmem>>, vector<16xi32>,
    %mul3A_40 = arith.constant 4 : i32
    %mul3A_41 = vector.broadcast %mul3A_40 : i32 to vector<16xi32>
    %mul3A_42 = arith.muli %get3A_39, %mul3A_41 : vector<16xi32>
    %gather3A_43 = tpu.vector_load_idx %arg9[%mul3A_42] : memref<3600xf32, #tpu.memory_space<vmem>>[vector<16xi32>], vector<16xf32>,
    %add3A_44 = arith.constant 1 : i32
    %add3A_45 = vector.broadcast %add3A_44 : i32 to vector<16xi32>
    %add3A_46 = arith.addi %mul3A_42, %add3A_45 : vector<16xi32>
    %gather3A_47 = tpu.vector_load_idx %arg9[%add3A_46] : memref<3600xf32, #tpu.memory_space<vmem>>[vector<16xi32>], vector<16xf32>,
    %add3A_48 = arith.constant 2 : i32
    %add3A_49 = vector.broadcast %add3A_48 : i32 to vector<16xi32>
    %add3A_50 = arith.addi %mul3A_42, %add3A_49 : vector<16xi32>
    %gather3A_51 = tpu.vector_load_idx %arg9[%add3A_50] : memref<3600xf32, #tpu.memory_space<vmem>>[vector<16xi32>], vector<16xf32>,
    %add3A_52 = arith.constant 3 : i32
    %add3A_53 = vector.broadcast %add3A_52 : i32 to vector<16xi32>
    %add3A_54 = arith.addi %mul3A_42, %add3A_53 : vector<16xi32>
    %gather3A_55 = tpu.vector_load_idx %arg9[%add3A_54] : memref<3600xf32, #tpu.memory_space<vmem>>[vector<16xi32>], vector<16xf32>,
    %mul3A_56 = arith.constant 5.000000e-01 : f32
    %mul3A_57 = vector.broadcast %mul3A_56 : f32 to vector<16xf32>
    %mul3A_58 = arith.mulf %mul3A_57, %gather3A_51 : vector<16xf32>
    %sub3A = arith.subf %gather3A_43, %mul3A_58 : vector<16xf32>
    %mul3A_59 = arith.mulf %sub3A, %gather3A_38 : vector<16xf32>
    %mul3A_60 = arith.constant 5.000000e-01 : f32
    %mul3A_61 = vector.broadcast %mul3A_60 : f32 to vector<16xf32>
    %mul3A_62 = arith.mulf %mul3A_61, %gather3A_55 : vector<16xf32>
    %sub3A_63 = arith.subf %gather3A_47, %mul3A_62 : vector<16xf32>
    %mul3A_64 = arith.mulf %sub3A_63, %gather3A : vector<16xf32>
    %mul3A_65 = arith.constant 5.000000e-01 : f32
    %mul3A_66 = vector.broadcast %mul3A_65 : f32 to vector<16xf32>
    %mul3A_67 = arith.mulf %mul3A_66, %gather3A_51 : vector<16xf32>
    %add3A_68 = arith.addf %gather3A_43, %mul3A_67 : vector<16xf32>
    %mul3A_69 = arith.mulf %add3A_68, %gather3A_38 : vector<16xf32>
    %mul3A_70 = arith.constant 5.000000e-01 : f32
    %mul3A_71 = vector.broadcast %mul3A_70 : f32 to vector<16xf32>
    %mul3A_72 = arith.mulf %mul3A_71, %gather3A_55 : vector<16xf32>
    %add3A_73 = arith.addf %gather3A_47, %mul3A_72 : vector<16xf32>
    %mul3A_74 = arith.mulf %add3A_73, %gather3A : vector<16xf32>
    %add3A_75 = arith.constant 0 : i32
    %add3A_76 = vector.broadcast %add3A_75 : i32 to vector<16xi32>
    %add3A_77 = arith.addi %add3A_76, %iota3A : vector<16xi32>
    %mul3A_78 = arith.constant 4 : i32
    %mul3A_79 = vector.broadcast %mul3A_78 : i32 to vector<16xi32>
    %mul3A_80 = arith.muli %add3A_77, %mul3A_79 : vector<16xi32>
    tpu.vector_store_idx %arg15[%mul3A_80], %mul3A_59 : memref<256xf32, #tpu.memory_space<vmem>>[vector<16xi32>], vector<16xf32>,
    %add3A_81 = arith.constant 1 : i32
    %add3A_82 = vector.broadcast %add3A_81 : i32 to vector<16xi32>
    %add3A_83 = arith.addi %mul3A_80, %add3A_82 : vector<16xi32>
    tpu.vector_store_idx %arg15[%add3A_83], %mul3A_64 : memref<256xf32, #tpu.memory_space<vmem>>[vector<16xi32>], vector<16xf32>,
    %add3A_84 = arith.constant 2 : i32
    %add3A_85 = vector.broadcast %add3A_84 : i32 to vector<16xi32>
    %add3A_86 = arith.addi %mul3A_80, %add3A_85 : vector<16xi32>
    tpu.vector_store_idx %arg15[%add3A_86], %mul3A_69 : memref<256xf32, #tpu.memory_space<vmem>>[vector<16xi32>], vector<16xf32>,
    %add3A_87 = arith.constant 3 : i32
    %add3A_88 = vector.broadcast %add3A_87 : i32 to vector<16xi32>
    %add3A_89 = arith.addi %mul3A_80, %add3A_88 : vector<16xi32>
    tpu.vector_store_idx %arg15[%add3A_89], %mul3A_74 : memref<256xf32, #tpu.memory_space<vmem>>[vector<16xi32>], vector<16xf32>,
    %get3A_90 = arith.constant 16 : index
    %get3A_91 = tpu.vector_load %arg12[%get3A_90] {strides = array<i32>} : memref<64xi32, #tpu.memory_space<vmem>>, vector<16xi32>,
    %mul3A_92 = arith.constant 4 : i32
    %mul3A_93 = vector.broadcast %mul3A_92 : i32 to vector<16xi32>
    %mul3A_94 = arith.muli %get3A_91, %mul3A_93 : vector<16xi32>
    %gather3A_95 = tpu.vector_load_idx %arg9[%mul3A_94] : memref<3600xf32, #tpu.memory_space<vmem>>[vector<16xi32>], vector<16xf32>,
    %add3A_96 = arith.constant 1 : i32
    %add3A_97 = vector.broadcast %add3A_96 : i32 to vector<16xi32>
    %add3A_98 = arith.addi %mul3A_94, %add3A_97 : vector<16xi32>
    %gather3A_99 = tpu.vector_load_idx %arg9[%add3A_98] : memref<3600xf32, #tpu.memory_space<vmem>>[vector<16xi32>], vector<16xf32>,
    %add3A_100 = arith.constant 2 : i32
    %add3A_101 = vector.broadcast %add3A_100 : i32 to vector<16xi32>
    %add3A_102 = arith.addi %mul3A_94, %add3A_101 : vector<16xi32>
    %gather3A_103 = tpu.vector_load_idx %arg9[%add3A_102] : memref<3600xf32, #tpu.memory_space<vmem>>[vector<16xi32>], vector<16xf32>,
    %add3A_104 = arith.constant 3 : i32
    %add3A_105 = vector.broadcast %add3A_104 : i32 to vector<16xi32>
    %add3A_106 = arith.addi %mul3A_94, %add3A_105 : vector<16xi32>
    %gather3A_107 = tpu.vector_load_idx %arg9[%add3A_106] : memref<3600xf32, #tpu.memory_space<vmem>>[vector<16xi32>], vector<16xf32>,
    %mul3A_108 = arith.constant 5.000000e-01 : f32
    %mul3A_109 = vector.broadcast %mul3A_108 : f32 to vector<16xf32>
    %mul3A_110 = arith.mulf %mul3A_109, %gather3A_103 : vector<16xf32>
    %sub3A_111 = arith.subf %gather3A_95, %mul3A_110 : vector<16xf32>
    %mul3A_112 = arith.mulf %sub3A_111, %gather3A_38 : vector<16xf32>
    %mul3A_113 = arith.constant 5.000000e-01 : f32
    %mul3A_114 = vector.broadcast %mul3A_113 : f32 to vector<16xf32>
    %mul3A_115 = arith.mulf %mul3A_114, %gather3A_107 : vector<16xf32>
    %sub3A_116 = arith.subf %gather3A_99, %mul3A_115 : vector<16xf32>
    %mul3A_117 = arith.mulf %sub3A_116, %gather3A : vector<16xf32>
    %mul3A_118 = arith.constant 5.000000e-01 : f32
    %mul3A_119 = vector.broadcast %mul3A_118 : f32 to vector<16xf32>
    %mul3A_120 = arith.mulf %mul3A_119, %gather3A_103 : vector<16xf32>
    %add3A_121 = arith.addf %gather3A_95, %mul3A_120 : vector<16xf32>
    %mul3A_122 = arith.mulf %add3A_121, %gather3A_38 : vector<16xf32>
    %mul3A_123 = arith.constant 5.000000e-01 : f32
    %mul3A_124 = vector.broadcast %mul3A_123 : f32 to vector<16xf32>
    %mul3A_125 = arith.mulf %mul3A_124, %gather3A_107 : vector<16xf32>
    %add3A_126 = arith.addf %gather3A_99, %mul3A_125 : vector<16xf32>
    %mul3A_127 = arith.mulf %add3A_126, %gather3A : vector<16xf32>
    %add3A_128 = arith.constant 16 : i32
    %add3A_129 = vector.broadcast %add3A_128 : i32 to vector<16xi32>
    %add3A_130 = arith.addi %add3A_129, %iota3A : vector<16xi32>
    %mul3A_131 = arith.constant 4 : i32
    %mul3A_132 = vector.broadcast %mul3A_131 : i32 to vector<16xi32>
    %mul3A_133 = arith.muli %add3A_130, %mul3A_132 : vector<16xi32>
    tpu.vector_store_idx %arg15[%mul3A_133], %mul3A_112 : memref<256xf32, #tpu.memory_space<vmem>>[vector<16xi32>], vector<16xf32>,
    %add3A_134 = arith.constant 1 : i32
    %add3A_135 = vector.broadcast %add3A_134 : i32 to vector<16xi32>
    %add3A_136 = arith.addi %mul3A_133, %add3A_135 : vector<16xi32>
    tpu.vector_store_idx %arg15[%add3A_136], %mul3A_117 : memref<256xf32, #tpu.memory_space<vmem>>[vector<16xi32>], vector<16xf32>,
    %add3A_137 = arith.constant 2 : i32
    %add3A_138 = vector.broadcast %add3A_137 : i32 to vector<16xi32>
    %add3A_139 = arith.addi %mul3A_133, %add3A_138 : vector<16xi32>
    tpu.vector_store_idx %arg15[%add3A_139], %mul3A_122 : memref<256xf32, #tpu.memory_space<vmem>>[vector<16xi32>], vector<16xf32>,
    %add3A_140 = arith.constant 3 : i32
    %add3A_141 = vector.broadcast %add3A_140 : i32 to vector<16xi32>
    %add3A_142 = arith.addi %mul3A_133, %add3A_141 : vector<16xi32>
    tpu.vector_store_idx %arg15[%add3A_142], %mul3A_127 : memref<256xf32, #tpu.memory_space<vmem>>[vector<16xi32>], vector<16xf32>,
    %get3A_143 = arith.constant 32 : index
    %get3A_144 = tpu.vector_load %arg12[%get3A_143] {strides = array<i32>} : memref<64xi32, #tpu.memory_space<vmem>>, vector<16xi32>,
    %mul3A_145 = arith.constant 4 : i32
    %mul3A_146 = vector.broadcast %mul3A_145 : i32 to vector<16xi32>
    %mul3A_147 = arith.muli %get3A_144, %mul3A_146 : vector<16xi32>
    %gather3A_148 = tpu.vector_load_idx %arg9[%mul3A_147] : memref<3600xf32, #tpu.memory_space<vmem>>[vector<16xi32>], vector<16xf32>,
    %add3A_149 = arith.constant 1 : i32
    %add3A_150 = vector.broadcast %add3A_149 : i32 to vector<16xi32>
    %add3A_151 = arith.addi %mul3A_147, %add3A_150 : vector<16xi32>
    %gather3A_152 = tpu.vector_load_idx %arg9[%add3A_151] : memref<3600xf32, #tpu.memory_space<vmem>>[vector<16xi32>], vector<16xf32>,
    %add3A_153 = arith.constant 2 : i32
    %add3A_154 = vector.broadcast %add3A_153 : i32 to vector<16xi32>
    %add3A_155 = arith.addi %mul3A_147, %add3A_154 : vector<16xi32>
    %gather3A_156 = tpu.vector_load_idx %arg9[%add3A_155] : memref<3600xf32, #tpu.memory_space<vmem>>[vector<16xi32>], vector<16xf32>,
    %add3A_157 = arith.constant 3 : i32
    %add3A_158 = vector.broadcast %add3A_157 : i32 to vector<16xi32>
    %add3A_159 = arith.addi %mul3A_147, %add3A_158 : vector<16xi32>
    %gather3A_160 = tpu.vector_load_idx %arg9[%add3A_159] : memref<3600xf32, #tpu.memory_space<vmem>>[vector<16xi32>], vector<16xf32>,
    %mul3A_161 = arith.constant 5.000000e-01 : f32
    %mul3A_162 = vector.broadcast %mul3A_161 : f32 to vector<16xf32>
    %mul3A_163 = arith.mulf %mul3A_162, %gather3A_156 : vector<16xf32>
    %sub3A_164 = arith.subf %gather3A_148, %mul3A_163 : vector<16xf32>
    %mul3A_165 = arith.mulf %sub3A_164, %gather3A_38 : vector<16xf32>
    %mul3A_166 = arith.constant 5.000000e-01 : f32
    %mul3A_167 = vector.broadcast %mul3A_166 : f32 to vector<16xf32>
    %mul3A_168 = arith.mulf %mul3A_167, %gather3A_160 : vector<16xf32>
    %sub3A_169 = arith.subf %gather3A_152, %mul3A_168 : vector<16xf32>
    %mul3A_170 = arith.mulf %sub3A_169, %gather3A : vector<16xf32>
    %mul3A_171 = arith.constant 5.000000e-01 : f32
    %mul3A_172 = vector.broadcast %mul3A_171 : f32 to vector<16xf32>
    %mul3A_173 = arith.mulf %mul3A_172, %gather3A_156 : vector<16xf32>
    %add3A_174 = arith.addf %gather3A_148, %mul3A_173 : vector<16xf32>
    %mul3A_175 = arith.mulf %add3A_174, %gather3A_38 : vector<16xf32>
    %mul3A_176 = arith.constant 5.000000e-01 : f32
    %mul3A_177 = vector.broadcast %mul3A_176 : f32 to vector<16xf32>
    %mul3A_178 = arith.mulf %mul3A_177, %gather3A_160 : vector<16xf32>
    %add3A_179 = arith.addf %gather3A_152, %mul3A_178 : vector<16xf32>
    %mul3A_180 = arith.mulf %add3A_179, %gather3A : vector<16xf32>
    %add3A_181 = arith.constant 32 : i32
    %add3A_182 = vector.broadcast %add3A_181 : i32 to vector<16xi32>
    %add3A_183 = arith.addi %add3A_182, %iota3A : vector<16xi32>
    %mul3A_184 = arith.constant 4 : i32
    %mul3A_185 = vector.broadcast %mul3A_184 : i32 to vector<16xi32>
    %mul3A_186 = arith.muli %add3A_183, %mul3A_185 : vector<16xi32>
    tpu.vector_store_idx %arg15[%mul3A_186], %mul3A_165 : memref<256xf32, #tpu.memory_space<vmem>>[vector<16xi32>], vector<16xf32>,
    %add3A_187 = arith.constant 1 : i32
    %add3A_188 = vector.broadcast %add3A_187 : i32 to vector<16xi32>
    %add3A_189 = arith.addi %mul3A_186, %add3A_188 : vector<16xi32>
    tpu.vector_store_idx %arg15[%add3A_189], %mul3A_170 : memref<256xf32, #tpu.memory_space<vmem>>[vector<16xi32>], vector<16xf32>,
    %add3A_190 = arith.constant 2 : i32
    %add3A_191 = vector.broadcast %add3A_190 : i32 to vector<16xi32>
    %add3A_192 = arith.addi %mul3A_186, %add3A_191 : vector<16xi32>
    tpu.vector_store_idx %arg15[%add3A_192], %mul3A_175 : memref<256xf32, #tpu.memory_space<vmem>>[vector<16xi32>], vector<16xf32>,
    %add3A_193 = arith.constant 3 : i32
    %add3A_194 = vector.broadcast %add3A_193 : i32 to vector<16xi32>
    %add3A_195 = arith.addi %mul3A_186, %add3A_194 : vector<16xi32>
    tpu.vector_store_idx %arg15[%add3A_195], %mul3A_180 : memref<256xf32, #tpu.memory_space<vmem>>[vector<16xi32>], vector<16xf32>,
    %get3A_196 = arith.constant 48 : index
    %get3A_197 = tpu.vector_load %arg12[%get3A_196] {strides = array<i32>} : memref<64xi32, #tpu.memory_space<vmem>>, vector<16xi32>,
    %mul3A_198 = arith.constant 4 : i32
    %mul3A_199 = vector.broadcast %mul3A_198 : i32 to vector<16xi32>
    %mul3A_200 = arith.muli %get3A_197, %mul3A_199 : vector<16xi32>
    %gather3A_201 = tpu.vector_load_idx %arg9[%mul3A_200] : memref<3600xf32, #tpu.memory_space<vmem>>[vector<16xi32>], vector<16xf32>,
    %add3A_202 = arith.constant 1 : i32
    %add3A_203 = vector.broadcast %add3A_202 : i32 to vector<16xi32>
    %add3A_204 = arith.addi %mul3A_200, %add3A_203 : vector<16xi32>
    %gather3A_205 = tpu.vector_load_idx %arg9[%add3A_204] : memref<3600xf32, #tpu.memory_space<vmem>>[vector<16xi32>], vector<16xf32>,
    %add3A_206 = arith.constant 2 : i32
    %add3A_207 = vector.broadcast %add3A_206 : i32 to vector<16xi32>
    %add3A_208 = arith.addi %mul3A_200, %add3A_207 : vector<16xi32>
    %gather3A_209 = tpu.vector_load_idx %arg9[%add3A_208] : memref<3600xf32, #tpu.memory_space<vmem>>[vector<16xi32>], vector<16xf32>,
    %add3A_210 = arith.constant 3 : i32
    %add3A_211 = vector.broadcast %add3A_210 : i32 to vector<16xi32>
    %add3A_212 = arith.addi %mul3A_200, %add3A_211 : vector<16xi32>
    %gather3A_213 = tpu.vector_load_idx %arg9[%add3A_212] : memref<3600xf32, #tpu.memory_space<vmem>>[vector<16xi32>], vector<16xf32>,
    %mul3A_214 = arith.constant 5.000000e-01 : f32
    %mul3A_215 = vector.broadcast %mul3A_214 : f32 to vector<16xf32>
    %mul3A_216 = arith.mulf %mul3A_215, %gather3A_209 : vector<16xf32>
    %sub3A_217 = arith.subf %gather3A_201, %mul3A_216 : vector<16xf32>
    %mul3A_218 = arith.mulf %sub3A_217, %gather3A_38 : vector<16xf32>
    %mul3A_219 = arith.constant 5.000000e-01 : f32
    %mul3A_220 = vector.broadcast %mul3A_219 : f32 to vector<16xf32>
    %mul3A_221 = arith.mulf %mul3A_220, %gather3A_213 : vector<16xf32>
    %sub3A_222 = arith.subf %gather3A_205, %mul3A_221 : vector<16xf32>
    %mul3A_223 = arith.mulf %sub3A_222, %gather3A : vector<16xf32>
    %mul3A_224 = arith.constant 5.000000e-01 : f32
    %mul3A_225 = vector.broadcast %mul3A_224 : f32 to vector<16xf32>
    %mul3A_226 = arith.mulf %mul3A_225, %gather3A_209 : vector<16xf32>
    %add3A_227 = arith.addf %gather3A_201, %mul3A_226 : vector<16xf32>
    %mul3A_228 = arith.mulf %add3A_227, %gather3A_38 : vector<16xf32>
    %mul3A_229 = arith.constant 5.000000e-01 : f32
    %mul3A_230 = vector.broadcast %mul3A_229 : f32 to vector<16xf32>
    %mul3A_231 = arith.mulf %mul3A_230, %gather3A_213 : vector<16xf32>
    %add3A_232 = arith.addf %gather3A_205, %mul3A_231 : vector<16xf32>
    %mul3A_233 = arith.mulf %add3A_232, %gather3A : vector<16xf32>
    %add3A_234 = arith.constant 48 : i32
    %add3A_235 = vector.broadcast %add3A_234 : i32 to vector<16xi32>
    %add3A_236 = arith.addi %add3A_235, %iota3A : vector<16xi32>
    %mul3A_237 = arith.constant 4 : i32
    %mul3A_238 = vector.broadcast %mul3A_237 : i32 to vector<16xi32>
    %mul3A_239 = arith.muli %add3A_236, %mul3A_238 : vector<16xi32>
    tpu.vector_store_idx %arg15[%mul3A_239], %mul3A_218 : memref<256xf32, #tpu.memory_space<vmem>>[vector<16xi32>], vector<16xf32>,
    %add3A_240 = arith.constant 1 : i32
    %add3A_241 = vector.broadcast %add3A_240 : i32 to vector<16xi32>
    %add3A_242 = arith.addi %mul3A_239, %add3A_241 : vector<16xi32>
    tpu.vector_store_idx %arg15[%add3A_242], %mul3A_223 : memref<256xf32, #tpu.memory_space<vmem>>[vector<16xi32>], vector<16xf32>,
    %add3A_243 = arith.constant 2 : i32
    %add3A_244 = vector.broadcast %add3A_243 : i32 to vector<16xi32>
    %add3A_245 = arith.addi %mul3A_239, %add3A_244 : vector<16xi32>
    tpu.vector_store_idx %arg15[%add3A_245], %mul3A_228 : memref<256xf32, #tpu.memory_space<vmem>>[vector<16xi32>], vector<16xf32>,
    %add3A_246 = arith.constant 3 : i32
    %add3A_247 = vector.broadcast %add3A_246 : i32 to vector<16xi32>
    %add3A_248 = arith.addi %mul3A_239, %add3A_247 : vector<16xi32>
    tpu.vector_store_idx %arg15[%add3A_248], %mul3A_233 : memref<256xf32, #tpu.memory_space<vmem>>[vector<16xi32>], vector<16xf32>,
    "tpu.region"() ({
      %run_scoped3A = tpu.sem_alloc : memref<!tpu.dma_semaphore, #tpu.memory_space<semaphore_mem>>
      %dma_start3A = arith.constant 0 : i32
      %dma_start3A_491 = tpu.memref_slice %arg5[%add3A_14, %dma_start3A] : memref<64x64xf32, #tpu.memory_space<hbm>> -> memref<1x64xf32, #tpu.memory_space<hbm>>
      %dma_start3A_492 = tpu.memref_squeeze %dma_start3A_491 : memref<1x64xf32, #tpu.memory_space<hbm>> -> memref<64xf32, #tpu.memory_space<hbm>>
      %dma_start3A_493 = arith.constant 0 : i32
      %dma_start3A_494 = tpu.memref_slice %arg5[%add3A_14, %dma_start3A_493] : memref<64x64xf32, #tpu.memory_space<hbm>> -> memref<1x64xf32, #tpu.memory_space<hbm>>
      %dma_start3A_495 = tpu.memref_squeeze %dma_start3A_494 : memref<1x64xf32, #tpu.memory_space<hbm>> -> memref<64xf32, #tpu.memory_space<hbm>>
      tpu.enqueue_dma source(%arg11 : memref<64xf32, #tpu.memory_space<vmem>>) target(%dma_start3A_495 : memref<64xf32, #tpu.memory_space<hbm>>) target_semaphore(%run_scoped3A : memref<!tpu.dma_semaphore, #tpu.memory_space<semaphore_mem>>)
      %dma_wait3A = arith.constant 0 : i32
      %dma_wait3A_496 = tpu.memref_slice %arg5[%add3A_14, %dma_wait3A] : memref<64x64xf32, #tpu.memory_space<hbm>> -> memref<1x64xf32, #tpu.memory_space<hbm>>
      %dma_wait3A_497 = tpu.memref_squeeze %dma_wait3A_496 : memref<1x64xf32, #tpu.memory_space<hbm>> -> memref<64xf32, #tpu.memory_space<hbm>>
      %dma_wait3A_498 = arith.constant 0 : i32
      %dma_wait3A_499 = tpu.memref_slice %arg5[%add3A_14, %dma_wait3A_498] : memref<64x64xf32, #tpu.memory_space<hbm>> -> memref<1x64xf32, #tpu.memory_space<hbm>>
      %dma_wait3A_500 = tpu.memref_squeeze %dma_wait3A_499 : memref<1x64xf32, #tpu.memory_space<hbm>> -> memref<64xf32, #tpu.memory_space<hbm>>
      tpu.wait_dma2 semaphore(%run_scoped3A : memref<!tpu.dma_semaphore, #tpu.memory_space<semaphore_mem>>) src(%arg11 : memref<64xf32, #tpu.memory_space<vmem>>) dst(%dma_wait3A_500 : memref<64xf32, #tpu.memory_space<hbm>>)
      tpu.yield
    }) : () -> ()
    "tpu.region"() ({
      %run_scoped3A = tpu.sem_alloc : memref<!tpu.dma_semaphore, #tpu.memory_space<semaphore_mem>>
      %dma_start3A = arith.constant 0 : i32
      %dma_start3A_491 = tpu.memref_slice %arg6[%add3A_14, %dma_start3A] : memref<64x64xi32, #tpu.memory_space<hbm>> -> memref<1x64xi32, #tpu.memory_space<hbm>>
      %dma_start3A_492 = tpu.memref_squeeze %dma_start3A_491 : memref<1x64xi32, #tpu.memory_space<hbm>> -> memref<64xi32, #tpu.memory_space<hbm>>
      %dma_start3A_493 = arith.constant 0 : i32
      %dma_start3A_494 = tpu.memref_slice %arg6[%add3A_14, %dma_start3A_493] : memref<64x64xi32, #tpu.memory_space<hbm>> -> memref<1x64xi32, #tpu.memory_space<hbm>>
      %dma_start3A_495 = tpu.memref_squeeze %dma_start3A_494 : memref<1x64xi32, #tpu.memory_space<hbm>> -> memref<64xi32, #tpu.memory_space<hbm>>
      tpu.enqueue_dma source(%arg14 : memref<64xi32, #tpu.memory_space<vmem>>) target(%dma_start3A_495 : memref<64xi32, #tpu.memory_space<hbm>>) target_semaphore(%run_scoped3A : memref<!tpu.dma_semaphore, #tpu.memory_space<semaphore_mem>>)
      %dma_wait3A = arith.constant 0 : i32
      %dma_wait3A_496 = tpu.memref_slice %arg6[%add3A_14, %dma_wait3A] : memref<64x64xi32, #tpu.memory_space<hbm>> -> memref<1x64xi32, #tpu.memory_space<hbm>>
      %dma_wait3A_497 = tpu.memref_squeeze %dma_wait3A_496 : memref<1x64xi32, #tpu.memory_space<hbm>> -> memref<64xi32, #tpu.memory_space<hbm>>
      %dma_wait3A_498 = arith.constant 0 : i32
      %dma_wait3A_499 = tpu.memref_slice %arg6[%add3A_14, %dma_wait3A_498] : memref<64x64xi32, #tpu.memory_space<hbm>> -> memref<1x64xi32, #tpu.memory_space<hbm>>
      %dma_wait3A_500 = tpu.memref_squeeze %dma_wait3A_499 : memref<1x64xi32, #tpu.memory_space<hbm>> -> memref<64xi32, #tpu.memory_space<hbm>>
      tpu.wait_dma2 semaphore(%run_scoped3A : memref<!tpu.dma_semaphore, #tpu.memory_space<semaphore_mem>>) src(%arg14 : memref<64xi32, #tpu.memory_space<vmem>>) dst(%dma_wait3A_500 : memref<64xi32, #tpu.memory_space<hbm>>)
      tpu.yield
    }) : () -> ()
    "tpu.region"() ({
      %run_scoped3A = tpu.sem_alloc : memref<!tpu.dma_semaphore, #tpu.memory_space<semaphore_mem>>
      %dma_start3A = arith.constant 0 : i32
      %dma_start3A_491 = tpu.memref_slice %arg7[%add3A_14, %dma_start3A] : memref<64x256xf32, #tpu.memory_space<hbm>> -> memref<1x256xf32, #tpu.memory_space<hbm>>
      %dma_start3A_492 = tpu.memref_squeeze %dma_start3A_491 : memref<1x256xf32, #tpu.memory_space<hbm>> -> memref<256xf32, #tpu.memory_space<hbm>>
      %dma_start3A_493 = arith.constant 0 : i32
      %dma_start3A_494 = tpu.memref_slice %arg7[%add3A_14, %dma_start3A_493] : memref<64x256xf32, #tpu.memory_space<hbm>> -> memref<1x256xf32, #tpu.memory_space<hbm>>
      %dma_start3A_495 = tpu.memref_squeeze %dma_start3A_494 : memref<1x256xf32, #tpu.memory_space<hbm>> -> memref<256xf32, #tpu.memory_space<hbm>>
      tpu.enqueue_dma source(%arg15 : memref<256xf32, #tpu.memory_space<vmem>>) target(%dma_start3A_495 : memref<256xf32, #tpu.memory_space<hbm>>) target_semaphore(%run_scoped3A : memref<!tpu.dma_semaphore, #tpu.memory_space<semaphore_mem>>)
      %dma_wait3A = arith.constant 0 : i32
      %dma_wait3A_496 = tpu.memref_slice %arg7[%add3A_14, %dma_wait3A] : memref<64x256xf32, #tpu.memory_space<hbm>> -> memref<1x256xf32, #tpu.memory_space<hbm>>
      %dma_wait3A_497 = tpu.memref_squeeze %dma_wait3A_496 : memref<1x256xf32, #tpu.memory_space<hbm>> -> memref<256xf32, #tpu.memory_space<hbm>>
      %dma_wait3A_498 = arith.constant 0 : i32
      %dma_wait3A_499 = tpu.memref_slice %arg7[%add3A_14, %dma_wait3A_498] : memref<64x256xf32, #tpu.memory_space<hbm>> -> memref<1x256xf32, #tpu.memory_space<hbm>>
      %dma_wait3A_500 = tpu.memref_squeeze %dma_wait3A_499 : memref<1x256xf32, #tpu.memory_space<hbm>> -> memref<256xf32, #tpu.memory_space<hbm>>
      tpu.wait_dma2 semaphore(%run_scoped3A : memref<!tpu.dma_semaphore, #tpu.memory_space<semaphore_mem>>) src(%arg15 : memref<256xf32, #tpu.memory_space<vmem>>) dst(%dma_wait3A_500 : memref<256xf32, #tpu.memory_space<hbm>>)
      tpu.yield
    }) : () -> ()
    %mul3A_249 = arith.constant 2 : i32
    %mul3A_250 = arith.muli %add3A, %mul3A_249 : i32
    %add3A_251 = arith.constant 1 : i32
    %add3A_252 = arith.addi %mul3A_250, %add3A_251 : i32
    "tpu.region"() ({
      %run_scoped3A = tpu.sem_alloc : memref<!tpu.dma_semaphore, #tpu.memory_space<semaphore_mem>>
      %dma_start3A = arith.constant 0 : i32
      %dma_start3A_491 = arith.constant 0 : i32
      %dma_start3A_492 = tpu.memref_slice %arg2[%add3A_252, %dma_start3A, %dma_start3A_491] : memref<64x900x128xf32, #tpu.memory_space<hbm>> -> memref<1x900x128xf32, #tpu.memory_space<hbm>>
      %dma_start3A_493 = tpu.memref_squeeze %dma_start3A_492 : memref<1x900x128xf32, #tpu.memory_space<hbm>> -> memref<900x128xf32, #tpu.memory_space<hbm>>
      %dma_start3A_494 = arith.constant 0 : i32
      %dma_start3A_495 = arith.constant 0 : i32
      %dma_start3A_496 = tpu.memref_slice %arg2[%add3A_252, %dma_start3A_494, %dma_start3A_495] : memref<64x900x128xf32, #tpu.memory_space<hbm>> -> memref<1x900x128xf32, #tpu.memory_space<hbm>>
      %dma_start3A_497 = tpu.memref_squeeze %dma_start3A_496 : memref<1x900x128xf32, #tpu.memory_space<hbm>> -> memref<900x128xf32, #tpu.memory_space<hbm>>
      tpu.enqueue_dma source(%dma_start3A_497 : memref<900x128xf32, #tpu.memory_space<hbm>>) target(%arg8 : memref<900x128xf32, #tpu.memory_space<vmem>>) target_semaphore(%run_scoped3A : memref<!tpu.dma_semaphore, #tpu.memory_space<semaphore_mem>>)
      %dma_wait3A = arith.constant 0 : i32
      %dma_wait3A_498 = arith.constant 0 : i32
      %dma_wait3A_499 = tpu.memref_slice %arg2[%add3A_252, %dma_wait3A, %dma_wait3A_498] : memref<64x900x128xf32, #tpu.memory_space<hbm>> -> memref<1x900x128xf32, #tpu.memory_space<hbm>>
      %dma_wait3A_500 = tpu.memref_squeeze %dma_wait3A_499 : memref<1x900x128xf32, #tpu.memory_space<hbm>> -> memref<900x128xf32, #tpu.memory_space<hbm>>
      %dma_wait3A_501 = arith.constant 0 : i32
      %dma_wait3A_502 = arith.constant 0 : i32
      %dma_wait3A_503 = tpu.memref_slice %arg2[%add3A_252, %dma_wait3A_501, %dma_wait3A_502] : memref<64x900x128xf32, #tpu.memory_space<hbm>> -> memref<1x900x128xf32, #tpu.memory_space<hbm>>
      %dma_wait3A_504 = tpu.memref_squeeze %dma_wait3A_503 : memref<1x900x128xf32, #tpu.memory_space<hbm>> -> memref<900x128xf32, #tpu.memory_space<hbm>>
      tpu.wait_dma2 semaphore(%run_scoped3A : memref<!tpu.dma_semaphore, #tpu.memory_space<semaphore_mem>>) src(%dma_wait3A_504 : memref<900x128xf32, #tpu.memory_space<hbm>>) dst(%arg8 : memref<900x128xf32, #tpu.memory_space<vmem>>)
      tpu.yield
    }) : () -> ()
    "tpu.region"() ({
      %run_scoped3A = tpu.sem_alloc : memref<!tpu.dma_semaphore, #tpu.memory_space<semaphore_mem>>
      %dma_start3A = arith.constant 0 : i32
      %dma_start3A_491 = tpu.memref_slice %arg3[%add3A_252, %dma_start3A] : memref<64x3600xf32, #tpu.memory_space<hbm>> -> memref<1x3600xf32, #tpu.memory_space<hbm>>
      %dma_start3A_492 = tpu.memref_squeeze %dma_start3A_491 : memref<1x3600xf32, #tpu.memory_space<hbm>> -> memref<3600xf32, #tpu.memory_space<hbm>>
      %dma_start3A_493 = arith.constant 0 : i32
      %dma_start3A_494 = tpu.memref_slice %arg3[%add3A_252, %dma_start3A_493] : memref<64x3600xf32, #tpu.memory_space<hbm>> -> memref<1x3600xf32, #tpu.memory_space<hbm>>
      %dma_start3A_495 = tpu.memref_squeeze %dma_start3A_494 : memref<1x3600xf32, #tpu.memory_space<hbm>> -> memref<3600xf32, #tpu.memory_space<hbm>>
      tpu.enqueue_dma source(%dma_start3A_495 : memref<3600xf32, #tpu.memory_space<hbm>>) target(%arg9 : memref<3600xf32, #tpu.memory_space<vmem>>) target_semaphore(%run_scoped3A : memref<!tpu.dma_semaphore, #tpu.memory_space<semaphore_mem>>)
      %dma_wait3A = arith.constant 0 : i32
      %dma_wait3A_496 = tpu.memref_slice %arg3[%add3A_252, %dma_wait3A] : memref<64x3600xf32, #tpu.memory_space<hbm>> -> memref<1x3600xf32, #tpu.memory_space<hbm>>
      %dma_wait3A_497 = tpu.memref_squeeze %dma_wait3A_496 : memref<1x3600xf32, #tpu.memory_space<hbm>> -> memref<3600xf32, #tpu.memory_space<hbm>>
      %dma_wait3A_498 = arith.constant 0 : i32
      %dma_wait3A_499 = tpu.memref_slice %arg3[%add3A_252, %dma_wait3A_498] : memref<64x3600xf32, #tpu.memory_space<hbm>> -> memref<1x3600xf32, #tpu.memory_space<hbm>>
      %dma_wait3A_500 = tpu.memref_squeeze %dma_wait3A_499 : memref<1x3600xf32, #tpu.memory_space<hbm>> -> memref<3600xf32, #tpu.memory_space<hbm>>
      tpu.wait_dma2 semaphore(%run_scoped3A : memref<!tpu.dma_semaphore, #tpu.memory_space<semaphore_mem>>) src(%dma_wait3A_500 : memref<3600xf32, #tpu.memory_space<hbm>>) dst(%arg9 : memref<3600xf32, #tpu.memory_space<vmem>>)
      tpu.yield
    }) : () -> ()
    %swap3A_253 = arith.constant 448 : index
    %swap3A_254 = tpu.vector_load %arg10[%swap3A_253] {strides = array<i32>} : memref<464xf32, #tpu.memory_space<vmem>>, vector<16xf32>,
    tpu.vector_store %arg10[%swap3A_253], %broadcast_in_dim3A_3 {strides = array<i32>} : memref<464xf32, #tpu.memory_space<vmem>>, vector<16xf32>,
    %scan3A_255 = arith.constant 0 : i32
    %scan3A_256 = arith.constant 0 : i32
    %scan3A_257 = arith.constant 450 : i32
    %scan3A_258 = arith.addi %scan3A_256, %scan3A_257 : i32
    %scan3A_259 = arith.constant 1 : i32
    %scan3A_260 = scf.for %scan3A_491 = %scan3A_256 to %scan3A_258 step %scan3A_259 iter_args(%scan3A_492 = %scan3A_255) -> (i32)  : i32 {
      %mul3A_493 = arith.constant 2 : i32
      %mul3A_494 = arith.muli %mul3A_493, %scan3A_491 : i32
      %get3A_495 = arith.index_cast %mul3A_494 : i32 to index
      %get3A_496 = arith.constant 0 : index
      %get3A_497 = tpu.vector_load %arg8[%get3A_495, %get3A_496] {strides = array<i32>} : memref<900x128xf32, #tpu.memory_space<vmem>>, vector<16xf32>,
      %mul3A_498 = arith.constant 2 : i32
      %mul3A_499 = arith.muli %mul3A_498, %scan3A_491 : i32
      %add3A_500 = arith.constant 0 : i32
      %add3A_501 = arith.addi %mul3A_499, %add3A_500 : i32
      %get3A_502 = arith.index_cast %add3A_501 : i32 to index
      %get3A_503 = arith.constant 16 : index
      %get3A_504 = tpu.vector_load %arg8[%get3A_502, %get3A_503] {strides = array<i32>} : memref<900x128xf32, #tpu.memory_space<vmem>>, vector<16xf32>,
      %max3A = arith.maximumf %get3A_497, %get3A_504 : vector<16xf32>
      %mul3A_505 = arith.constant 2 : i32
      %mul3A_506 = arith.muli %mul3A_505, %scan3A_491 : i32
      %add3A_507 = arith.constant 0 : i32
      %add3A_508 = arith.addi %mul3A_506, %add3A_507 : i32
      %get3A_509 = arith.index_cast %add3A_508 : i32 to index
      %get3A_510 = arith.constant 32 : index
      %get3A_511 = tpu.vector_load %arg8[%get3A_509, %get3A_510] {strides = array<i32>} : memref<900x128xf32, #tpu.memory_space<vmem>>, vector<16xf32>,
      %max3A_512 = arith.maximumf %max3A, %get3A_511 : vector<16xf32>
      %mul3A_513 = arith.constant 2 : i32
      %mul3A_514 = arith.muli %mul3A_513, %scan3A_491 : i32
      %add3A_515 = arith.constant 0 : i32
      %add3A_516 = arith.addi %mul3A_514, %add3A_515 : i32
      %get3A_517 = arith.index_cast %add3A_516 : i32 to index
      %get3A_518 = arith.constant 48 : index
      %get3A_519 = tpu.vector_load %arg8[%get3A_517, %get3A_518] {strides = array<i32>} : memref<900x128xf32, #tpu.memory_space<vmem>>, vector<16xf32>,
      %max3A_520 = arith.maximumf %max3A_512, %get3A_519 : vector<16xf32>
      %mul3A_521 = arith.constant 2 : i32
      %mul3A_522 = arith.muli %mul3A_521, %scan3A_491 : i32
      %add3A_523 = arith.constant 0 : i32
      %add3A_524 = arith.addi %mul3A_522, %add3A_523 : i32
      %get3A_525 = arith.index_cast %add3A_524 : i32 to index
      %get3A_526 = arith.constant 64 : index
      %get3A_527 = tpu.vector_load %arg8[%get3A_525, %get3A_526] {strides = array<i32>} : memref<900x128xf32, #tpu.memory_space<vmem>>, vector<16xf32>,
      %max3A_528 = arith.maximumf %max3A_520, %get3A_527 : vector<16xf32>
      %mul3A_529 = arith.constant 2 : i32
      %mul3A_530 = arith.muli %mul3A_529, %scan3A_491 : i32
      %add3A_531 = arith.constant 0 : i32
      %add3A_532 = arith.addi %mul3A_530, %add3A_531 : i32
      %get3A_533 = arith.index_cast %add3A_532 : i32 to index
      %get3A_534 = arith.constant 80 : index
      %get3A_535 = tpu.vector_load %arg8[%get3A_533, %get3A_534] {strides = array<i32>} : memref<900x128xf32, #tpu.memory_space<vmem>>, vector<16xf32>,
      %max3A_536 = arith.maximumf %max3A_528, %get3A_535 : vector<16xf32>
      %mul3A_537 = arith.constant 2 : i32
      %mul3A_538 = arith.muli %mul3A_537, %scan3A_491 : i32
      %add3A_539 = arith.constant 1 : i32
      %add3A_540 = arith.addi %mul3A_538, %add3A_539 : i32
      %get3A_541 = arith.index_cast %add3A_540 : i32 to index
      %get3A_542 = arith.constant 0 : index
      %get3A_543 = tpu.vector_load %arg8[%get3A_541, %get3A_542] {strides = array<i32>} : memref<900x128xf32, #tpu.memory_space<vmem>>, vector<16xf32>,
      %max3A_544 = arith.maximumf %max3A_536, %get3A_543 : vector<16xf32>
      %mul3A_545 = arith.constant 2 : i32
      %mul3A_546 = arith.muli %mul3A_545, %scan3A_491 : i32
      %add3A_547 = arith.constant 1 : i32
      %add3A_548 = arith.addi %mul3A_546, %add3A_547 : i32
      %get3A_549 = arith.index_cast %add3A_548 : i32 to index
      %get3A_550 = arith.constant 16 : index
      %get3A_551 = tpu.vector_load %arg8[%get3A_549, %get3A_550] {strides = array<i32>} : memref<900x128xf32, #tpu.memory_space<vmem>>, vector<16xf32>,
      %max3A_552 = arith.maximumf %max3A_544, %get3A_551 : vector<16xf32>
      %mul3A_553 = arith.constant 2 : i32
      %mul3A_554 = arith.muli %mul3A_553, %scan3A_491 : i32
      %add3A_555 = arith.constant 1 : i32
      %add3A_556 = arith.addi %mul3A_554, %add3A_555 : i32
      %get3A_557 = arith.index_cast %add3A_556 : i32 to index
      %get3A_558 = arith.constant 32 : index
      %get3A_559 = tpu.vector_load %arg8[%get3A_557, %get3A_558] {strides = array<i32>} : memref<900x128xf32, #tpu.memory_space<vmem>>, vector<16xf32>,
      %max3A_560 = arith.maximumf %max3A_552, %get3A_559 : vector<16xf32>
      %mul3A_561 = arith.constant 2 : i32
      %mul3A_562 = arith.muli %mul3A_561, %scan3A_491 : i32
      %add3A_563 = arith.constant 1 : i32
      %add3A_564 = arith.addi %mul3A_562, %add3A_563 : i32
      %get3A_565 = arith.index_cast %add3A_564 : i32 to index
      %get3A_566 = arith.constant 48 : index
      %get3A_567 = tpu.vector_load %arg8[%get3A_565, %get3A_566] {strides = array<i32>} : memref<900x128xf32, #tpu.memory_space<vmem>>, vector<16xf32>,
      %max3A_568 = arith.maximumf %max3A_560, %get3A_567 : vector<16xf32>
      %mul3A_569 = arith.constant 2 : i32
      %mul3A_570 = arith.muli %mul3A_569, %scan3A_491 : i32
      %add3A_571 = arith.constant 1 : i32
      %add3A_572 = arith.addi %mul3A_570, %add3A_571 : i32
      %get3A_573 = arith.index_cast %add3A_572 : i32 to index
      %get3A_574 = arith.constant 64 : index
      %get3A_575 = tpu.vector_load %arg8[%get3A_573, %get3A_574] {strides = array<i32>} : memref<900x128xf32, #tpu.memory_space<vmem>>, vector<16xf32>,
      %max3A_576 = arith.maximumf %max3A_568, %get3A_575 : vector<16xf32>
      %mul3A_577 = arith.constant 2 : i32
      %mul3A_578 = arith.muli %mul3A_577, %scan3A_491 : i32
      %add3A_579 = arith.constant 1 : i32
      %add3A_580 = arith.addi %mul3A_578, %add3A_579 : i32
      %get3A_581 = arith.index_cast %add3A_580 : i32 to index
      %get3A_582 = arith.constant 80 : index
      %get3A_583 = tpu.vector_load %arg8[%get3A_581, %get3A_582] {strides = array<i32>} : memref<900x128xf32, #tpu.memory_space<vmem>>, vector<16xf32>,
      %max3A_584 = arith.maximumf %max3A_576, %get3A_583 : vector<16xf32>
      %xor3A = arith.constant 1 : i32
      %xor3A_585 = vector.broadcast %xor3A : i32 to vector<16xi32>
      %xor3A_586 = arith.xori %iota3A, %xor3A_585 : vector<16xi32>
      %lt3A = arith.constant 0 : i32
      %lt3A_587 = vector.broadcast %lt3A : i32 to vector<16xi32>
      %lt3A_588 = arith.cmpi slt, %xor3A_586, %lt3A_587 : vector<16xi32>
      %add3A_589 = arith.constant 16 : i32
      %add3A_590 = vector.broadcast %add3A_589 : i32 to vector<16xi32>
      %add3A_591 = arith.addi %xor3A_586, %add3A_590 : vector<16xi32>
      %select_n3A = arith.select %lt3A_588, %add3A_591, %xor3A_586 : vector<16xi1>, vector<16xi32>
      %broadcast_in_dim3A_592 = vector.shape_cast %select_n3A : vector<16xi32> to vector<16x1xi32>
      %gather3A_593 = vector.shape_cast %broadcast_in_dim3A_592 : vector<16x1xi32> to vector<16xi32>
      %gather3A_594 = tpu.dynamic_gather %max3A_584[%gather3A_593] in [0] : vector<16xf32>, vector<16xi32> -> vector<16xf32>
      %max3A_595 = arith.maximumf %max3A_584, %gather3A_594 : vector<16xf32>
      %xor3A_596 = arith.constant 2 : i32
      %xor3A_597 = vector.broadcast %xor3A_596 : i32 to vector<16xi32>
      %xor3A_598 = arith.xori %iota3A, %xor3A_597 : vector<16xi32>
      %lt3A_599 = arith.constant 0 : i32
      %lt3A_600 = vector.broadcast %lt3A_599 : i32 to vector<16xi32>
      %lt3A_601 = arith.cmpi slt, %xor3A_598, %lt3A_600 : vector<16xi32>
      %add3A_602 = arith.constant 16 : i32
      %add3A_603 = vector.broadcast %add3A_602 : i32 to vector<16xi32>
      %add3A_604 = arith.addi %xor3A_598, %add3A_603 : vector<16xi32>
      %select_n3A_605 = arith.select %lt3A_601, %add3A_604, %xor3A_598 : vector<16xi1>, vector<16xi32>
      %broadcast_in_dim3A_606 = vector.shape_cast %select_n3A_605 : vector<16xi32> to vector<16x1xi32>
      %gather3A_607 = vector.shape_cast %broadcast_in_dim3A_606 : vector<16x1xi32> to vector<16xi32>
      %gather3A_608 = tpu.dynamic_gather %max3A_595[%gather3A_607] in [0] : vector<16xf32>, vector<16xi32> -> vector<16xf32>
      %max3A_609 = arith.maximumf %max3A_595, %gather3A_608 : vector<16xf32>
      %xor3A_610 = arith.constant 4 : i32
      %xor3A_611 = vector.broadcast %xor3A_610 : i32 to vector<16xi32>
      %xor3A_612 = arith.xori %iota3A, %xor3A_611 : vector<16xi32>
      %lt3A_613 = arith.constant 0 : i32
      %lt3A_614 = vector.broadcast %lt3A_613 : i32 to vector<16xi32>
      %lt3A_615 = arith.cmpi slt, %xor3A_612, %lt3A_614 : vector<16xi32>
      %add3A_616 = arith.constant 16 : i32
      %add3A_617 = vector.broadcast %add3A_616 : i32 to vector<16xi32>
      %add3A_618 = arith.addi %xor3A_612, %add3A_617 : vector<16xi32>
      %select_n3A_619 = arith.select %lt3A_615, %add3A_618, %xor3A_612 : vector<16xi1>, vector<16xi32>
      %broadcast_in_dim3A_620 = vector.shape_cast %select_n3A_619 : vector<16xi32> to vector<16x1xi32>
      %gather3A_621 = vector.shape_cast %broadcast_in_dim3A_620 : vector<16x1xi32> to vector<16xi32>
      %gather3A_622 = tpu.dynamic_gather %max3A_609[%gather3A_621] in [0] : vector<16xf32>, vector<16xi32> -> vector<16xf32>
      %max3A_623 = arith.maximumf %max3A_609, %gather3A_622 : vector<16xf32>
      %xor3A_624 = arith.constant 8 : i32
      %xor3A_625 = vector.broadcast %xor3A_624 : i32 to vector<16xi32>
      %xor3A_626 = arith.xori %iota3A, %xor3A_625 : vector<16xi32>
      %lt3A_627 = arith.constant 0 : i32
      %lt3A_628 = vector.broadcast %lt3A_627 : i32 to vector<16xi32>
      %lt3A_629 = arith.cmpi slt, %xor3A_626, %lt3A_628 : vector<16xi32>
      %add3A_630 = arith.constant 16 : i32
      %add3A_631 = vector.broadcast %add3A_630 : i32 to vector<16xi32>
      %add3A_632 = arith.addi %xor3A_626, %add3A_631 : vector<16xi32>
      %select_n3A_633 = arith.select %lt3A_629, %add3A_632, %xor3A_626 : vector<16xi1>, vector<16xi32>
      %broadcast_in_dim3A_634 = vector.shape_cast %select_n3A_633 : vector<16xi32> to vector<16x1xi32>
      %gather3A_635 = vector.shape_cast %broadcast_in_dim3A_634 : vector<16x1xi32> to vector<16xi32>
      %gather3A_636 = tpu.dynamic_gather %max3A_623[%gather3A_635] in [0] : vector<16xf32>, vector<16xi32> -> vector<16xf32>
      %max3A_637 = arith.maximumf %max3A_623, %gather3A_636 : vector<16xf32>
      %and3A = arith.constant 15 : i32
      %and3A_638 = arith.andi %scan3A_491, %and3A : i32
      %sub3A_639 = arith.subi %scan3A_491, %and3A_638 : i32
      %get3A_640 = arith.index_cast %sub3A_639 : i32 to index
      %get3A_641 = tpu.vector_load %arg10[%get3A_640] {strides = array<i32>} : memref<464xf32, #tpu.memory_space<vmem>>, vector<16xf32>,
      %eq3A = vector.broadcast %and3A_638 : i32 to vector<16xi32>
      %eq3A_642 = arith.cmpi eq, %iota3A, %eq3A : vector<16xi32>
      %select_n3A_643 = arith.select %eq3A_642, %max3A_637, %get3A_641 : vector<16xi1>, vector<16xf32>
      %swap3A_644 = arith.index_cast %sub3A_639 : i32 to index
      %swap3A_645 = tpu.vector_load %arg10[%swap3A_644] {strides = array<i32>} : memref<464xf32, #tpu.memory_space<vmem>>, vector<16xf32>,
      tpu.vector_store %arg10[%swap3A_644], %select_n3A_643 {strides = array<i32>} : memref<464xf32, #tpu.memory_space<vmem>>, vector<16xf32>,
      %scan3A_646 = arith.constant 0 : i32
      scf.yield %scan3A_646 : i32
    }
    %scan3A_261 = arith.constant 450 : i32
    %scan3A_262 = arith.constant 0 : i32
    %scan3A_263 = arith.constant 0 : i32
    %scan3A_264 = arith.constant 50 : i32
    %scan3A_265 = arith.addi %scan3A_263, %scan3A_264 : i32
    %scan3A_266 = arith.constant 1 : i32
    %scan3A_267 = scf.for %scan3A_491 = %scan3A_263 to %scan3A_265 step %scan3A_266 iter_args(%scan3A_492 = %scan3A_262) -> (i32)  : i32 {
      %scan3A_493 = arith.constant 0 : i32
      %scan3A_494 = arith.constant 29 : i32
      %scan3A_495 = arith.addi %scan3A_493, %scan3A_494 : i32
      %scan3A_496 = arith.constant 1 : i32
      %scan3A_497:2 = scf.for %scan3A_1031 = %scan3A_493 to %scan3A_495 step %scan3A_496 iter_args(%scan3A_1032 = %broadcast_in_dim3A_3, %scan3A_1033 = %broadcast_in_dim3A_1) -> (vector<16xf32>, vector<16xi32>)  : i32 {
        %mul3A_1034 = arith.constant 16 : i32
        %mul3A_1035 = arith.muli %scan3A_1031, %mul3A_1034 : i32
        %get3A_1036 = arith.index_cast %mul3A_1035 : i32 to index
        %get3A_1037 = tpu.vector_load %arg10[%get3A_1036] {strides = array<i32>} : memref<464xf32, #tpu.memory_space<vmem>>, vector<16xf32>,
        %gt3A_1038 = arith.cmpf ogt, %get3A_1037, %scan3A_1032 : vector<16xf32>
        %select_n3A_1039 = arith.select %gt3A_1038, %get3A_1037, %scan3A_1032 : vector<16xi1>, vector<16xf32>
        %mul3A_1040 = arith.constant 16 : i32
        %mul3A_1041 = arith.muli %scan3A_1031, %mul3A_1040 : i32
        %add3A_1042 = vector.broadcast %mul3A_1041 : i32 to vector<16xi32>
        %add3A_1043 = arith.addi %add3A_1042, %iota3A : vector<16xi32>
        %select_n3A_1044 = arith.select %gt3A_1038, %add3A_1043, %scan3A_1033 : vector<16xi1>, vector<16xi32>
        scf.yield %select_n3A_1039, %select_n3A_1044 : vector<16xf32>, vector<16xi32>
      }
      %scan3A_498 = arith.constant 29 : i32
      %xor3A = arith.constant 1 : i32
      %xor3A_499 = vector.broadcast %xor3A : i32 to vector<16xi32>
      %xor3A_500 = arith.xori %iota3A, %xor3A_499 : vector<16xi32>
      %lt3A = arith.constant 0 : i32
      %lt3A_501 = vector.broadcast %lt3A : i32 to vector<16xi32>
      %lt3A_502 = arith.cmpi slt, %xor3A_500, %lt3A_501 : vector<16xi32>
      %add3A_503 = arith.constant 16 : i32
      %add3A_504 = vector.broadcast %add3A_503 : i32 to vector<16xi32>
      %add3A_505 = arith.addi %xor3A_500, %add3A_504 : vector<16xi32>
      %select_n3A = arith.select %lt3A_502, %add3A_505, %xor3A_500 : vector<16xi1>, vector<16xi32>
      %broadcast_in_dim3A_506 = vector.shape_cast %select_n3A : vector<16xi32> to vector<16x1xi32>
      %gather3A_507 = vector.shape_cast %broadcast_in_dim3A_506 : vector<16x1xi32> to vector<16xi32>
      %gather3A_508 = tpu.dynamic_gather %scan3A_497#0[%gather3A_507] in [0] : vector<16xf32>, vector<16xi32> -> vector<16xf32>
      %max3A = arith.maximumf %scan3A_497#0, %gather3A_508 : vector<16xf32>
      %xor3A_509 = arith.constant 2 : i32
      %xor3A_510 = vector.broadcast %xor3A_509 : i32 to vector<16xi32>
      %xor3A_511 = arith.xori %iota3A, %xor3A_510 : vector<16xi32>
      %lt3A_512 = arith.constant 0 : i32
      %lt3A_513 = vector.broadcast %lt3A_512 : i32 to vector<16xi32>
      %lt3A_514 = arith.cmpi slt, %xor3A_511, %lt3A_513 : vector<16xi32>
      %add3A_515 = arith.constant 16 : i32
      %add3A_516 = vector.broadcast %add3A_515 : i32 to vector<16xi32>
      %add3A_517 = arith.addi %xor3A_511, %add3A_516 : vector<16xi32>
      %select_n3A_518 = arith.select %lt3A_514, %add3A_517, %xor3A_511 : vector<16xi1>, vector<16xi32>
      %broadcast_in_dim3A_519 = vector.shape_cast %select_n3A_518 : vector<16xi32> to vector<16x1xi32>
      %gather3A_520 = vector.shape_cast %broadcast_in_dim3A_519 : vector<16x1xi32> to vector<16xi32>
      %gather3A_521 = tpu.dynamic_gather %max3A[%gather3A_520] in [0] : vector<16xf32>, vector<16xi32> -> vector<16xf32>
      %max3A_522 = arith.maximumf %max3A, %gather3A_521 : vector<16xf32>
      %xor3A_523 = arith.constant 4 : i32
      %xor3A_524 = vector.broadcast %xor3A_523 : i32 to vector<16xi32>
      %xor3A_525 = arith.xori %iota3A, %xor3A_524 : vector<16xi32>
      %lt3A_526 = arith.constant 0 : i32
      %lt3A_527 = vector.broadcast %lt3A_526 : i32 to vector<16xi32>
      %lt3A_528 = arith.cmpi slt, %xor3A_525, %lt3A_527 : vector<16xi32>
      %add3A_529 = arith.constant 16 : i32
      %add3A_530 = vector.broadcast %add3A_529 : i32 to vector<16xi32>
      %add3A_531 = arith.addi %xor3A_525, %add3A_530 : vector<16xi32>
      %select_n3A_532 = arith.select %lt3A_528, %add3A_531, %xor3A_525 : vector<16xi1>, vector<16xi32>
      %broadcast_in_dim3A_533 = vector.shape_cast %select_n3A_532 : vector<16xi32> to vector<16x1xi32>
      %gather3A_534 = vector.shape_cast %broadcast_in_dim3A_533 : vector<16x1xi32> to vector<16xi32>
      %gather3A_535 = tpu.dynamic_gather %max3A_522[%gather3A_534] in [0] : vector<16xf32>, vector<16xi32> -> vector<16xf32>
      %max3A_536 = arith.maximumf %max3A_522, %gather3A_535 : vector<16xf32>
      %xor3A_537 = arith.constant 8 : i32
      %xor3A_538 = vector.broadcast %xor3A_537 : i32 to vector<16xi32>
      %xor3A_539 = arith.xori %iota3A, %xor3A_538 : vector<16xi32>
      %lt3A_540 = arith.constant 0 : i32
      %lt3A_541 = vector.broadcast %lt3A_540 : i32 to vector<16xi32>
      %lt3A_542 = arith.cmpi slt, %xor3A_539, %lt3A_541 : vector<16xi32>
      %add3A_543 = arith.constant 16 : i32
      %add3A_544 = vector.broadcast %add3A_543 : i32 to vector<16xi32>
      %add3A_545 = arith.addi %xor3A_539, %add3A_544 : vector<16xi32>
      %select_n3A_546 = arith.select %lt3A_542, %add3A_545, %xor3A_539 : vector<16xi1>, vector<16xi32>
      %broadcast_in_dim3A_547 = vector.shape_cast %select_n3A_546 : vector<16xi32> to vector<16x1xi32>
      %gather3A_548 = vector.shape_cast %broadcast_in_dim3A_547 : vector<16x1xi32> to vector<16xi32>
      %gather3A_549 = tpu.dynamic_gather %max3A_536[%gather3A_548] in [0] : vector<16xf32>, vector<16xi32> -> vector<16xf32>
      %max3A_550 = arith.maximumf %max3A_536, %gather3A_549 : vector<16xf32>
      %eq3A = arith.cmpf oeq, %scan3A_497#0, %max3A_550 : vector<16xf32>
      %jit3A = arith.constant 1073741824 : i32
      %broadcast_in_dim3A_551 = vector.broadcast %jit3A : i32 to vector<16xi32>
      %select_n3A_552 = arith.select %eq3A, %scan3A_497#1, %broadcast_in_dim3A_551 : vector<16xi1>, vector<16xi32>
      %xor3A_553 = arith.constant 1 : i32
      %xor3A_554 = vector.broadcast %xor3A_553 : i32 to vector<16xi32>
      %xor3A_555 = arith.xori %iota3A, %xor3A_554 : vector<16xi32>
      %lt3A_556 = arith.constant 0 : i32
      %lt3A_557 = vector.broadcast %lt3A_556 : i32 to vector<16xi32>
      %lt3A_558 = arith.cmpi slt, %xor3A_555, %lt3A_557 : vector<16xi32>
      %add3A_559 = arith.constant 16 : i32
      %add3A_560 = vector.broadcast %add3A_559 : i32 to vector<16xi32>
      %add3A_561 = arith.addi %xor3A_555, %add3A_560 : vector<16xi32>
      %select_n3A_562 = arith.select %lt3A_558, %add3A_561, %xor3A_555 : vector<16xi1>, vector<16xi32>
      %broadcast_in_dim3A_563 = vector.shape_cast %select_n3A_562 : vector<16xi32> to vector<16x1xi32>
      %gather3A_564 = vector.shape_cast %broadcast_in_dim3A_563 : vector<16x1xi32> to vector<16xi32>
      %gather3A_565 = tpu.dynamic_gather %select_n3A_552[%gather3A_564] in [0] : vector<16xi32>, vector<16xi32> -> vector<16xi32>
      %min3A = arith.minsi %select_n3A_552, %gather3A_565 : vector<16xi32>
      %xor3A_566 = arith.constant 2 : i32
      %xor3A_567 = vector.broadcast %xor3A_566 : i32 to vector<16xi32>
      %xor3A_568 = arith.xori %iota3A, %xor3A_567 : vector<16xi32>
      %lt3A_569 = arith.constant 0 : i32
      %lt3A_570 = vector.broadcast %lt3A_569 : i32 to vector<16xi32>
      %lt3A_571 = arith.cmpi slt, %xor3A_568, %lt3A_570 : vector<16xi32>
      %add3A_572 = arith.constant 16 : i32
      %add3A_573 = vector.broadcast %add3A_572 : i32 to vector<16xi32>
      %add3A_574 = arith.addi %xor3A_568, %add3A_573 : vector<16xi32>
      %select_n3A_575 = arith.select %lt3A_571, %add3A_574, %xor3A_568 : vector<16xi1>, vector<16xi32>
      %broadcast_in_dim3A_576 = vector.shape_cast %select_n3A_575 : vector<16xi32> to vector<16x1xi32>
      %gather3A_577 = vector.shape_cast %broadcast_in_dim3A_576 : vector<16x1xi32> to vector<16xi32>
      %gather3A_578 = tpu.dynamic_gather %min3A[%gather3A_577] in [0] : vector<16xi32>, vector<16xi32> -> vector<16xi32>
      %min3A_579 = arith.minsi %min3A, %gather3A_578 : vector<16xi32>
      %xor3A_580 = arith.constant 4 : i32
      %xor3A_581 = vector.broadcast %xor3A_580 : i32 to vector<16xi32>
      %xor3A_582 = arith.xori %iota3A, %xor3A_581 : vector<16xi32>
      %lt3A_583 = arith.constant 0 : i32
      %lt3A_584 = vector.broadcast %lt3A_583 : i32 to vector<16xi32>
      %lt3A_585 = arith.cmpi slt, %xor3A_582, %lt3A_584 : vector<16xi32>
      %add3A_586 = arith.constant 16 : i32
      %add3A_587 = vector.broadcast %add3A_586 : i32 to vector<16xi32>
      %add3A_588 = arith.addi %xor3A_582, %add3A_587 : vector<16xi32>
      %select_n3A_589 = arith.select %lt3A_585, %add3A_588, %xor3A_582 : vector<16xi1>, vector<16xi32>
      %broadcast_in_dim3A_590 = vector.shape_cast %select_n3A_589 : vector<16xi32> to vector<16x1xi32>
      %gather3A_591 = vector.shape_cast %broadcast_in_dim3A_590 : vector<16x1xi32> to vector<16xi32>
      %gather3A_592 = tpu.dynamic_gather %min3A_579[%gather3A_591] in [0] : vector<16xi32>, vector<16xi32> -> vector<16xi32>
      %min3A_593 = arith.minsi %min3A_579, %gather3A_592 : vector<16xi32>
      %xor3A_594 = arith.constant 8 : i32
      %xor3A_595 = vector.broadcast %xor3A_594 : i32 to vector<16xi32>
      %xor3A_596 = arith.xori %iota3A, %xor3A_595 : vector<16xi32>
      %lt3A_597 = arith.constant 0 : i32
      %lt3A_598 = vector.broadcast %lt3A_597 : i32 to vector<16xi32>
      %lt3A_599 = arith.cmpi slt, %xor3A_596, %lt3A_598 : vector<16xi32>
      %add3A_600 = arith.constant 16 : i32
      %add3A_601 = vector.broadcast %add3A_600 : i32 to vector<16xi32>
      %add3A_602 = arith.addi %xor3A_596, %add3A_601 : vector<16xi32>
      %select_n3A_603 = arith.select %lt3A_599, %add3A_602, %xor3A_596 : vector<16xi1>, vector<16xi32>
      %broadcast_in_dim3A_604 = vector.shape_cast %select_n3A_603 : vector<16xi32> to vector<16x1xi32>
      %gather3A_605 = vector.shape_cast %broadcast_in_dim3A_604 : vector<16x1xi32> to vector<16xi32>
      %gather3A_606 = tpu.dynamic_gather %min3A_593[%gather3A_605] in [0] : vector<16xi32>, vector<16xi32> -> vector<16xi32>
      %min3A_607 = arith.minsi %min3A_593, %gather3A_606 : vector<16xi32>
      %slice3A = vector.extract_strided_slice %min3A_607 {offsets = [0], sizes = [1], strides = [1]} : vector<16xi32> to vector<1xi32>
      %squeeze3A = vector.extract %slice3A[0] : i32 from vector<1xi32>
      %mul3A_608 = arith.constant 2 : i32
      %mul3A_609 = arith.muli %mul3A_608, %squeeze3A : i32
      %add3A_610 = arith.constant 0 : i32
      %add3A_611 = arith.addi %mul3A_609, %add3A_610 : i32
      %get3A_612 = arith.index_cast %add3A_611 : i32 to index
      %get3A_613 = arith.constant 0 : index
      %get3A_614 = tpu.vector_load %arg8[%get3A_612, %get3A_613] {strides = array<i32>} : memref<900x128xf32, #tpu.memory_space<vmem>>, vector<16xf32>,
      %gt3A = arith.cmpf ogt, %get3A_614, %broadcast_in_dim3A_3 : vector<16xf32>
      %select_n3A_615 = arith.select %gt3A, %get3A_614, %broadcast_in_dim3A_3 : vector<16xi1>, vector<16xf32>
      %add3A_616 = arith.constant 0 : i32
      %add3A_617 = vector.broadcast %add3A_616 : i32 to vector<16xi32>
      %add3A_618 = arith.addi %add3A_617, %iota3A : vector<16xi32>
      %select_n3A_619 = arith.select %gt3A, %add3A_618, %broadcast_in_dim3A_1 : vector<16xi1>, vector<16xi32>
      %mul3A_620 = arith.constant 2 : i32
      %mul3A_621 = arith.muli %mul3A_620, %squeeze3A : i32
      %add3A_622 = arith.constant 0 : i32
      %add3A_623 = arith.addi %mul3A_621, %add3A_622 : i32
      %get3A_624 = arith.index_cast %add3A_623 : i32 to index
      %get3A_625 = arith.constant 16 : index
      %get3A_626 = tpu.vector_load %arg8[%get3A_624, %get3A_625] {strides = array<i32>} : memref<900x128xf32, #tpu.memory_space<vmem>>, vector<16xf32>,
      %gt3A_627 = arith.cmpf ogt, %get3A_626, %select_n3A_615 : vector<16xf32>
      %select_n3A_628 = arith.select %gt3A_627, %get3A_626, %select_n3A_615 : vector<16xi1>, vector<16xf32>
      %add3A_629 = arith.constant 16 : i32
      %add3A_630 = vector.broadcast %add3A_629 : i32 to vector<16xi32>
      %add3A_631 = arith.addi %add3A_630, %iota3A : vector<16xi32>
      %select_n3A_632 = arith.select %gt3A_627, %add3A_631, %select_n3A_619 : vector<16xi1>, vector<16xi32>
      %mul3A_633 = arith.constant 2 : i32
      %mul3A_634 = arith.muli %mul3A_633, %squeeze3A : i32
      %add3A_635 = arith.constant 0 : i32
      %add3A_636 = arith.addi %mul3A_634, %add3A_635 : i32
      %get3A_637 = arith.index_cast %add3A_636 : i32 to index
      %get3A_638 = arith.constant 32 : index
      %get3A_639 = tpu.vector_load %arg8[%get3A_637, %get3A_638] {strides = array<i32>} : memref<900x128xf32, #tpu.memory_space<vmem>>, vector<16xf32>,
      %gt3A_640 = arith.cmpf ogt, %get3A_639, %select_n3A_628 : vector<16xf32>
      %select_n3A_641 = arith.select %gt3A_640, %get3A_639, %select_n3A_628 : vector<16xi1>, vector<16xf32>
      %add3A_642 = arith.constant 32 : i32
      %add3A_643 = vector.broadcast %add3A_642 : i32 to vector<16xi32>
      %add3A_644 = arith.addi %add3A_643, %iota3A : vector<16xi32>
      %select_n3A_645 = arith.select %gt3A_640, %add3A_644, %select_n3A_632 : vector<16xi1>, vector<16xi32>
      %mul3A_646 = arith.constant 2 : i32
      %mul3A_647 = arith.muli %mul3A_646, %squeeze3A : i32
      %add3A_648 = arith.constant 0 : i32
      %add3A_649 = arith.addi %mul3A_647, %add3A_648 : i32
      %get3A_650 = arith.index_cast %add3A_649 : i32 to index
      %get3A_651 = arith.constant 48 : index
      %get3A_652 = tpu.vector_load %arg8[%get3A_650, %get3A_651] {strides = array<i32>} : memref<900x128xf32, #tpu.memory_space<vmem>>, vector<16xf32>,
      %gt3A_653 = arith.cmpf ogt, %get3A_652, %select_n3A_641 : vector<16xf32>
      %select_n3A_654 = arith.select %gt3A_653, %get3A_652, %select_n3A_641 : vector<16xi1>, vector<16xf32>
      %add3A_655 = arith.constant 48 : i32
      %add3A_656 = vector.broadcast %add3A_655 : i32 to vector<16xi32>
      %add3A_657 = arith.addi %add3A_656, %iota3A : vector<16xi32>
      %select_n3A_658 = arith.select %gt3A_653, %add3A_657, %select_n3A_645 : vector<16xi1>, vector<16xi32>
      %mul3A_659 = arith.constant 2 : i32
      %mul3A_660 = arith.muli %mul3A_659, %squeeze3A : i32
      %add3A_661 = arith.constant 0 : i32
      %add3A_662 = arith.addi %mul3A_660, %add3A_661 : i32
      %get3A_663 = arith.index_cast %add3A_662 : i32 to index
      %get3A_664 = arith.constant 64 : index
      %get3A_665 = tpu.vector_load %arg8[%get3A_663, %get3A_664] {strides = array<i32>} : memref<900x128xf32, #tpu.memory_space<vmem>>, vector<16xf32>,
      %gt3A_666 = arith.cmpf ogt, %get3A_665, %select_n3A_654 : vector<16xf32>
      %select_n3A_667 = arith.select %gt3A_666, %get3A_665, %select_n3A_654 : vector<16xi1>, vector<16xf32>
      %add3A_668 = arith.constant 64 : i32
      %add3A_669 = vector.broadcast %add3A_668 : i32 to vector<16xi32>
      %add3A_670 = arith.addi %add3A_669, %iota3A : vector<16xi32>
      %select_n3A_671 = arith.select %gt3A_666, %add3A_670, %select_n3A_658 : vector<16xi1>, vector<16xi32>
      %mul3A_672 = arith.constant 2 : i32
      %mul3A_673 = arith.muli %mul3A_672, %squeeze3A : i32
      %add3A_674 = arith.constant 0 : i32
      %add3A_675 = arith.addi %mul3A_673, %add3A_674 : i32
      %get3A_676 = arith.index_cast %add3A_675 : i32 to index
      %get3A_677 = arith.constant 80 : index
      %get3A_678 = tpu.vector_load %arg8[%get3A_676, %get3A_677] {strides = array<i32>} : memref<900x128xf32, #tpu.memory_space<vmem>>, vector<16xf32>,
      %gt3A_679 = arith.cmpf ogt, %get3A_678, %select_n3A_667 : vector<16xf32>
      %select_n3A_680 = arith.select %gt3A_679, %get3A_678, %select_n3A_667 : vector<16xi1>, vector<16xf32>
      %add3A_681 = arith.constant 80 : i32
      %add3A_682 = vector.broadcast %add3A_681 : i32 to vector<16xi32>
      %add3A_683 = arith.addi %add3A_682, %iota3A : vector<16xi32>
      %select_n3A_684 = arith.select %gt3A_679, %add3A_683, %select_n3A_671 : vector<16xi1>, vector<16xi32>
      %mul3A_685 = arith.constant 2 : i32
      %mul3A_686 = arith.muli %mul3A_685, %squeeze3A : i32
      %add3A_687 = arith.constant 1 : i32
      %add3A_688 = arith.addi %mul3A_686, %add3A_687 : i32
      %get3A_689 = arith.index_cast %add3A_688 : i32 to index
      %get3A_690 = arith.constant 0 : index
      %get3A_691 = tpu.vector_load %arg8[%get3A_689, %get3A_690] {strides = array<i32>} : memref<900x128xf32, #tpu.memory_space<vmem>>, vector<16xf32>,
      %gt3A_692 = arith.cmpf ogt, %get3A_691, %select_n3A_680 : vector<16xf32>
      %select_n3A_693 = arith.select %gt3A_692, %get3A_691, %select_n3A_680 : vector<16xi1>, vector<16xf32>
      %add3A_694 = arith.constant 96 : i32
      %add3A_695 = vector.broadcast %add3A_694 : i32 to vector<16xi32>
      %add3A_696 = arith.addi %add3A_695, %iota3A : vector<16xi32>
      %select_n3A_697 = arith.select %gt3A_692, %add3A_696, %select_n3A_684 : vector<16xi1>, vector<16xi32>
      %mul3A_698 = arith.constant 2 : i32
      %mul3A_699 = arith.muli %mul3A_698, %squeeze3A : i32
      %add3A_700 = arith.constant 1 : i32
      %add3A_701 = arith.addi %mul3A_699, %add3A_700 : i32
      %get3A_702 = arith.index_cast %add3A_701 : i32 to index
      %get3A_703 = arith.constant 16 : index
      %get3A_704 = tpu.vector_load %arg8[%get3A_702, %get3A_703] {strides = array<i32>} : memref<900x128xf32, #tpu.memory_space<vmem>>, vector<16xf32>,
      %gt3A_705 = arith.cmpf ogt, %get3A_704, %select_n3A_693 : vector<16xf32>
      %select_n3A_706 = arith.select %gt3A_705, %get3A_704, %select_n3A_693 : vector<16xi1>, vector<16xf32>
      %add3A_707 = arith.constant 112 : i32
      %add3A_708 = vector.broadcast %add3A_707 : i32 to vector<16xi32>
      %add3A_709 = arith.addi %add3A_708, %iota3A : vector<16xi32>
      %select_n3A_710 = arith.select %gt3A_705, %add3A_709, %select_n3A_697 : vector<16xi1>, vector<16xi32>
      %mul3A_711 = arith.constant 2 : i32
      %mul3A_712 = arith.muli %mul3A_711, %squeeze3A : i32
      %add3A_713 = arith.constant 1 : i32
      %add3A_714 = arith.addi %mul3A_712, %add3A_713 : i32
      %get3A_715 = arith.index_cast %add3A_714 : i32 to index
      %get3A_716 = arith.constant 32 : index
      %get3A_717 = tpu.vector_load %arg8[%get3A_715, %get3A_716] {strides = array<i32>} : memref<900x128xf32, #tpu.memory_space<vmem>>, vector<16xf32>,
      %gt3A_718 = arith.cmpf ogt, %get3A_717, %select_n3A_706 : vector<16xf32>
      %select_n3A_719 = arith.select %gt3A_718, %get3A_717, %select_n3A_706 : vector<16xi1>, vector<16xf32>
      %add3A_720 = arith.constant 128 : i32
      %add3A_721 = vector.broadcast %add3A_720 : i32 to vector<16xi32>
      %add3A_722 = arith.addi %add3A_721, %iota3A : vector<16xi32>
      %select_n3A_723 = arith.select %gt3A_718, %add3A_722, %select_n3A_710 : vector<16xi1>, vector<16xi32>
      %mul3A_724 = arith.constant 2 : i32
      %mul3A_725 = arith.muli %mul3A_724, %squeeze3A : i32
      %add3A_726 = arith.constant 1 : i32
      %add3A_727 = arith.addi %mul3A_725, %add3A_726 : i32
      %get3A_728 = arith.index_cast %add3A_727 : i32 to index
      %get3A_729 = arith.constant 48 : index
      %get3A_730 = tpu.vector_load %arg8[%get3A_728, %get3A_729] {strides = array<i32>} : memref<900x128xf32, #tpu.memory_space<vmem>>, vector<16xf32>,
      %gt3A_731 = arith.cmpf ogt, %get3A_730, %select_n3A_719 : vector<16xf32>
      %select_n3A_732 = arith.select %gt3A_731, %get3A_730, %select_n3A_719 : vector<16xi1>, vector<16xf32>
      %add3A_733 = arith.constant 144 : i32
      %add3A_734 = vector.broadcast %add3A_733 : i32 to vector<16xi32>
      %add3A_735 = arith.addi %add3A_734, %iota3A : vector<16xi32>
      %select_n3A_736 = arith.select %gt3A_731, %add3A_735, %select_n3A_723 : vector<16xi1>, vector<16xi32>
      %mul3A_737 = arith.constant 2 : i32
      %mul3A_738 = arith.muli %mul3A_737, %squeeze3A : i32
      %add3A_739 = arith.constant 1 : i32
      %add3A_740 = arith.addi %mul3A_738, %add3A_739 : i32
      %get3A_741 = arith.index_cast %add3A_740 : i32 to index
      %get3A_742 = arith.constant 64 : index
      %get3A_743 = tpu.vector_load %arg8[%get3A_741, %get3A_742] {strides = array<i32>} : memref<900x128xf32, #tpu.memory_space<vmem>>, vector<16xf32>,
      %gt3A_744 = arith.cmpf ogt, %get3A_743, %select_n3A_732 : vector<16xf32>
      %select_n3A_745 = arith.select %gt3A_744, %get3A_743, %select_n3A_732 : vector<16xi1>, vector<16xf32>
      %add3A_746 = arith.constant 160 : i32
      %add3A_747 = vector.broadcast %add3A_746 : i32 to vector<16xi32>
      %add3A_748 = arith.addi %add3A_747, %iota3A : vector<16xi32>
      %select_n3A_749 = arith.select %gt3A_744, %add3A_748, %select_n3A_736 : vector<16xi1>, vector<16xi32>
      %mul3A_750 = arith.constant 2 : i32
      %mul3A_751 = arith.muli %mul3A_750, %squeeze3A : i32
      %add3A_752 = arith.constant 1 : i32
      %add3A_753 = arith.addi %mul3A_751, %add3A_752 : i32
      %get3A_754 = arith.index_cast %add3A_753 : i32 to index
      %get3A_755 = arith.constant 80 : index
      %get3A_756 = tpu.vector_load %arg8[%get3A_754, %get3A_755] {strides = array<i32>} : memref<900x128xf32, #tpu.memory_space<vmem>>, vector<16xf32>,
      %gt3A_757 = arith.cmpf ogt, %get3A_756, %select_n3A_745 : vector<16xf32>
      %select_n3A_758 = arith.select %gt3A_757, %get3A_756, %select_n3A_745 : vector<16xi1>, vector<16xf32>
      %add3A_759 = arith.constant 176 : i32
      %add3A_760 = vector.broadcast %add3A_759 : i32 to vector<16xi32>
      %add3A_761 = arith.addi %add3A_760, %iota3A : vector<16xi32>
      %select_n3A_762 = arith.select %gt3A_757, %add3A_761, %select_n3A_749 : vector<16xi1>, vector<16xi32>
      %eq3A_763 = arith.cmpf oeq, %select_n3A_758, %max3A_550 : vector<16xf32>
      %jit3A_764 = arith.constant 1073741824 : i32
      %broadcast_in_dim3A_765 = vector.broadcast %jit3A_764 : i32 to vector<16xi32>
      %select_n3A_766 = arith.select %eq3A_763, %select_n3A_762, %broadcast_in_dim3A_765 : vector<16xi1>, vector<16xi32>
      %xor3A_767 = arith.constant 1 : i32
      %xor3A_768 = vector.broadcast %xor3A_767 : i32 to vector<16xi32>
      %xor3A_769 = arith.xori %iota3A, %xor3A_768 : vector<16xi32>
      %lt3A_770 = arith.constant 0 : i32
      %lt3A_771 = vector.broadcast %lt3A_770 : i32 to vector<16xi32>
      %lt3A_772 = arith.cmpi slt, %xor3A_769, %lt3A_771 : vector<16xi32>
      %add3A_773 = arith.constant 16 : i32
      %add3A_774 = vector.broadcast %add3A_773 : i32 to vector<16xi32>
      %add3A_775 = arith.addi %xor3A_769, %add3A_774 : vector<16xi32>
      %select_n3A_776 = arith.select %lt3A_772, %add3A_775, %xor3A_769 : vector<16xi1>, vector<16xi32>
      %broadcast_in_dim3A_777 = vector.shape_cast %select_n3A_776 : vector<16xi32> to vector<16x1xi32>
      %gather3A_778 = vector.shape_cast %broadcast_in_dim3A_777 : vector<16x1xi32> to vector<16xi32>
      %gather3A_779 = tpu.dynamic_gather %select_n3A_766[%gather3A_778] in [0] : vector<16xi32>, vector<16xi32> -> vector<16xi32>
      %min3A_780 = arith.minsi %select_n3A_766, %gather3A_779 : vector<16xi32>
      %xor3A_781 = arith.constant 2 : i32
      %xor3A_782 = vector.broadcast %xor3A_781 : i32 to vector<16xi32>
      %xor3A_783 = arith.xori %iota3A, %xor3A_782 : vector<16xi32>
      %lt3A_784 = arith.constant 0 : i32
      %lt3A_785 = vector.broadcast %lt3A_784 : i32 to vector<16xi32>
      %lt3A_786 = arith.cmpi slt, %xor3A_783, %lt3A_785 : vector<16xi32>
      %add3A_787 = arith.constant 16 : i32
      %add3A_788 = vector.broadcast %add3A_787 : i32 to vector<16xi32>
      %add3A_789 = arith.addi %xor3A_783, %add3A_788 : vector<16xi32>
      %select_n3A_790 = arith.select %lt3A_786, %add3A_789, %xor3A_783 : vector<16xi1>, vector<16xi32>
      %broadcast_in_dim3A_791 = vector.shape_cast %select_n3A_790 : vector<16xi32> to vector<16x1xi32>
      %gather3A_792 = vector.shape_cast %broadcast_in_dim3A_791 : vector<16x1xi32> to vector<16xi32>
      %gather3A_793 = tpu.dynamic_gather %min3A_780[%gather3A_792] in [0] : vector<16xi32>, vector<16xi32> -> vector<16xi32>
      %min3A_794 = arith.minsi %min3A_780, %gather3A_793 : vector<16xi32>
      %xor3A_795 = arith.constant 4 : i32
      %xor3A_796 = vector.broadcast %xor3A_795 : i32 to vector<16xi32>
      %xor3A_797 = arith.xori %iota3A, %xor3A_796 : vector<16xi32>
      %lt3A_798 = arith.constant 0 : i32
      %lt3A_799 = vector.broadcast %lt3A_798 : i32 to vector<16xi32>
      %lt3A_800 = arith.cmpi slt, %xor3A_797, %lt3A_799 : vector<16xi32>
      %add3A_801 = arith.constant 16 : i32
      %add3A_802 = vector.broadcast %add3A_801 : i32 to vector<16xi32>
      %add3A_803 = arith.addi %xor3A_797, %add3A_802 : vector<16xi32>
      %select_n3A_804 = arith.select %lt3A_800, %add3A_803, %xor3A_797 : vector<16xi1>, vector<16xi32>
      %broadcast_in_dim3A_805 = vector.shape_cast %select_n3A_804 : vector<16xi32> to vector<16x1xi32>
      %gather3A_806 = vector.shape_cast %broadcast_in_dim3A_805 : vector<16x1xi32> to vector<16xi32>
      %gather3A_807 = tpu.dynamic_gather %min3A_794[%gather3A_806] in [0] : vector<16xi32>, vector<16xi32> -> vector<16xi32>
      %min3A_808 = arith.minsi %min3A_794, %gather3A_807 : vector<16xi32>
      %xor3A_809 = arith.constant 8 : i32
      %xor3A_810 = vector.broadcast %xor3A_809 : i32 to vector<16xi32>
      %xor3A_811 = arith.xori %iota3A, %xor3A_810 : vector<16xi32>
      %lt3A_812 = arith.constant 0 : i32
      %lt3A_813 = vector.broadcast %lt3A_812 : i32 to vector<16xi32>
      %lt3A_814 = arith.cmpi slt, %xor3A_811, %lt3A_813 : vector<16xi32>
      %add3A_815 = arith.constant 16 : i32
      %add3A_816 = vector.broadcast %add3A_815 : i32 to vector<16xi32>
      %add3A_817 = arith.addi %xor3A_811, %add3A_816 : vector<16xi32>
      %select_n3A_818 = arith.select %lt3A_814, %add3A_817, %xor3A_811 : vector<16xi1>, vector<16xi32>
      %broadcast_in_dim3A_819 = vector.shape_cast %select_n3A_818 : vector<16xi32> to vector<16x1xi32>
      %gather3A_820 = vector.shape_cast %broadcast_in_dim3A_819 : vector<16x1xi32> to vector<16xi32>
      %gather3A_821 = tpu.dynamic_gather %min3A_808[%gather3A_820] in [0] : vector<16xi32>, vector<16xi32> -> vector<16xi32>
      %min3A_822 = arith.minsi %min3A_808, %gather3A_821 : vector<16xi32>
      %slice3A_823 = vector.extract_strided_slice %min3A_822 {offsets = [0], sizes = [1], strides = [1]} : vector<16xi32> to vector<1xi32>
      %squeeze3A_824 = vector.extract %slice3A_823[0] : i32 from vector<1xi32>
      %ge3A = arith.constant 96 : i32
      %ge3A_825 = arith.cmpi sge, %squeeze3A_824, %ge3A : i32
      %convert_element_type3A = arith.extui %ge3A_825 : i1 to i32
      %mul3A_826 = arith.constant 2 : i32
      %mul3A_827 = arith.muli %mul3A_826, %squeeze3A : i32
      %add3A_828 = arith.addi %mul3A_827, %convert_element_type3A : i32
      %mul3A_829 = arith.constant 96 : i32
      %mul3A_830 = arith.muli %mul3A_829, %convert_element_type3A : i32
      %sub3A_831 = arith.subi %squeeze3A_824, %mul3A_830 : i32
      %and3A = arith.constant 15 : i32
      %and3A_832 = arith.andi %scan3A_491, %and3A : i32
      %sub3A_833 = arith.subi %scan3A_491, %and3A_832 : i32
      %get3A_834 = arith.index_cast %sub3A_833 : i32 to index
      %get3A_835 = tpu.vector_load %arg11[%get3A_834] {strides = array<i32>} : memref<64xf32, #tpu.memory_space<vmem>>, vector<16xf32>,
      %eq3A_836 = vector.broadcast %and3A_832 : i32 to vector<16xi32>
      %eq3A_837 = arith.cmpi eq, %iota3A, %eq3A_836 : vector<16xi32>
      %select_n3A_838 = arith.select %eq3A_837, %max3A_550, %get3A_835 : vector<16xi1>, vector<16xf32>
      %swap3A_839 = arith.index_cast %sub3A_833 : i32 to index
      %swap3A_840 = tpu.vector_load %arg11[%swap3A_839] {strides = array<i32>} : memref<64xf32, #tpu.memory_space<vmem>>, vector<16xf32>,
      tpu.vector_store %arg11[%swap3A_839], %select_n3A_838 {strides = array<i32>} : memref<64xf32, #tpu.memory_space<vmem>>, vector<16xf32>,
      %get3A_841 = arith.index_cast %sub3A_833 : i32 to index
      %get3A_842 = tpu.vector_load %arg12[%get3A_841] {strides = array<i32>} : memref<64xi32, #tpu.memory_space<vmem>>, vector<16xi32>,
      %eq3A_843 = vector.broadcast %and3A_832 : i32 to vector<16xi32>
      %eq3A_844 = arith.cmpi eq, %iota3A, %eq3A_843 : vector<16xi32>
      %broadcast_in_dim3A_845 = vector.broadcast %add3A_828 : i32 to vector<16xi32>
      %select_n3A_846 = arith.select %eq3A_844, %broadcast_in_dim3A_845, %get3A_842 : vector<16xi1>, vector<16xi32>
      %swap3A_847 = arith.index_cast %sub3A_833 : i32 to index
      %swap3A_848 = tpu.vector_load %arg12[%swap3A_847] {strides = array<i32>} : memref<64xi32, #tpu.memory_space<vmem>>, vector<16xi32>,
      tpu.vector_store %arg12[%swap3A_847], %select_n3A_846 {strides = array<i32>} : memref<64xi32, #tpu.memory_space<vmem>>, vector<16xi32>,
      %get3A_849 = arith.index_cast %sub3A_833 : i32 to index
      %get3A_850 = tpu.vector_load %arg14[%get3A_849] {strides = array<i32>} : memref<64xi32, #tpu.memory_space<vmem>>, vector<16xi32>,
      %eq3A_851 = vector.broadcast %and3A_832 : i32 to vector<16xi32>
      %eq3A_852 = arith.cmpi eq, %iota3A, %eq3A_851 : vector<16xi32>
      %broadcast_in_dim3A_853 = vector.broadcast %sub3A_831 : i32 to vector<16xi32>
      %select_n3A_854 = arith.select %eq3A_852, %broadcast_in_dim3A_853, %get3A_850 : vector<16xi1>, vector<16xi32>
      %swap3A_855 = arith.index_cast %sub3A_833 : i32 to index
      %swap3A_856 = tpu.vector_load %arg14[%swap3A_855] {strides = array<i32>} : memref<64xi32, #tpu.memory_space<vmem>>, vector<16xi32>,
      tpu.vector_store %arg14[%swap3A_855], %select_n3A_854 {strides = array<i32>} : memref<64xi32, #tpu.memory_space<vmem>>, vector<16xi32>,
      %and3A_857 = arith.constant 15 : i32
      %and3A_858 = arith.andi %sub3A_831, %and3A_857 : i32
      %sub3A_859 = arith.subi %sub3A_831, %and3A_858 : i32
      %get3A_860 = arith.index_cast %add3A_828 : i32 to index
      %get3A_861 = arith.index_cast %sub3A_859 : i32 to index
      %get3A_862 = tpu.vector_load %arg8[%get3A_860, %get3A_861] {strides = array<i32>} : memref<900x128xf32, #tpu.memory_space<vmem>>, vector<16xf32>,
      %eq3A_863 = vector.broadcast %and3A_858 : i32 to vector<16xi32>
      %eq3A_864 = arith.cmpi eq, %iota3A, %eq3A_863 : vector<16xi32>
      %jit3A_865 = arith.constant -2.000000e+00 : f32
      %broadcast_in_dim3A_866 = vector.broadcast %jit3A_865 : f32 to vector<16xf32>
      %select_n3A_867 = arith.select %eq3A_864, %broadcast_in_dim3A_866, %get3A_862 : vector<16xi1>, vector<16xf32>
      %swap3A_868 = arith.index_cast %add3A_828 : i32 to index
      %swap3A_869 = arith.index_cast %sub3A_859 : i32 to index
      %swap3A_870 = tpu.vector_load %arg8[%swap3A_868, %swap3A_869] {strides = array<i32>} : memref<900x128xf32, #tpu.memory_space<vmem>>, vector<16xf32>,
      tpu.vector_store %arg8[%swap3A_868, %swap3A_869], %select_n3A_867 {strides = array<i32>} : memref<900x128xf32, #tpu.memory_space<vmem>>, vector<16xf32>,
      %mul3A_871 = arith.constant 2 : i32
      %mul3A_872 = arith.muli %mul3A_871, %squeeze3A : i32
      %get3A_873 = arith.index_cast %mul3A_872 : i32 to index
      %get3A_874 = arith.constant 0 : index
      %get3A_875 = tpu.vector_load %arg8[%get3A_873, %get3A_874] {strides = array<i32>} : memref<900x128xf32, #tpu.memory_space<vmem>>, vector<16xf32>,
      %mul3A_876 = arith.constant 2 : i32
      %mul3A_877 = arith.muli %mul3A_876, %squeeze3A : i32
      %add3A_878 = arith.constant 0 : i32
      %add3A_879 = arith.addi %mul3A_877, %add3A_878 : i32
      %get3A_880 = arith.index_cast %add3A_879 : i32 to index
      %get3A_881 = arith.constant 16 : index
      %get3A_882 = tpu.vector_load %arg8[%get3A_880, %get3A_881] {strides = array<i32>} : memref<900x128xf32, #tpu.memory_space<vmem>>, vector<16xf32>,
      %max3A_883 = arith.maximumf %get3A_875, %get3A_882 : vector<16xf32>
      %mul3A_884 = arith.constant 2 : i32
      %mul3A_885 = arith.muli %mul3A_884, %squeeze3A : i32
      %add3A_886 = arith.constant 0 : i32
      %add3A_887 = arith.addi %mul3A_885, %add3A_886 : i32
      %get3A_888 = arith.index_cast %add3A_887 : i32 to index
      %get3A_889 = arith.constant 32 : index
      %get3A_890 = tpu.vector_load %arg8[%get3A_888, %get3A_889] {strides = array<i32>} : memref<900x128xf32, #tpu.memory_space<vmem>>, vector<16xf32>,
      %max3A_891 = arith.maximumf %max3A_883, %get3A_890 : vector<16xf32>
      %mul3A_892 = arith.constant 2 : i32
      %mul3A_893 = arith.muli %mul3A_892, %squeeze3A : i32
      %add3A_894 = arith.constant 0 : i32
      %add3A_895 = arith.addi %mul3A_893, %add3A_894 : i32
      %get3A_896 = arith.index_cast %add3A_895 : i32 to index
      %get3A_897 = arith.constant 48 : index
      %get3A_898 = tpu.vector_load %arg8[%get3A_896, %get3A_897] {strides = array<i32>} : memref<900x128xf32, #tpu.memory_space<vmem>>, vector<16xf32>,
      %max3A_899 = arith.maximumf %max3A_891, %get3A_898 : vector<16xf32>
      %mul3A_900 = arith.constant 2 : i32
      %mul3A_901 = arith.muli %mul3A_900, %squeeze3A : i32
      %add3A_902 = arith.constant 0 : i32
      %add3A_903 = arith.addi %mul3A_901, %add3A_902 : i32
      %get3A_904 = arith.index_cast %add3A_903 : i32 to index
      %get3A_905 = arith.constant 64 : index
      %get3A_906 = tpu.vector_load %arg8[%get3A_904, %get3A_905] {strides = array<i32>} : memref<900x128xf32, #tpu.memory_space<vmem>>, vector<16xf32>,
      %max3A_907 = arith.maximumf %max3A_899, %get3A_906 : vector<16xf32>
      %mul3A_908 = arith.constant 2 : i32
      %mul3A_909 = arith.muli %mul3A_908, %squeeze3A : i32
      %add3A_910 = arith.constant 0 : i32
      %add3A_911 = arith.addi %mul3A_909, %add3A_910 : i32
      %get3A_912 = arith.index_cast %add3A_911 : i32 to index
      %get3A_913 = arith.constant 80 : index
      %get3A_914 = tpu.vector_load %arg8[%get3A_912, %get3A_913] {strides = array<i32>} : memref<900x128xf32, #tpu.memory_space<vmem>>, vector<16xf32>,
      %max3A_915 = arith.maximumf %max3A_907, %get3A_914 : vector<16xf32>
      %mul3A_916 = arith.constant 2 : i32
      %mul3A_917 = arith.muli %mul3A_916, %squeeze3A : i32
      %add3A_918 = arith.constant 1 : i32
      %add3A_919 = arith.addi %mul3A_917, %add3A_918 : i32
      %get3A_920 = arith.index_cast %add3A_919 : i32 to index
      %get3A_921 = arith.constant 0 : index
      %get3A_922 = tpu.vector_load %arg8[%get3A_920, %get3A_921] {strides = array<i32>} : memref<900x128xf32, #tpu.memory_space<vmem>>, vector<16xf32>,
      %max3A_923 = arith.maximumf %max3A_915, %get3A_922 : vector<16xf32>
      %mul3A_924 = arith.constant 2 : i32
      %mul3A_925 = arith.muli %mul3A_924, %squeeze3A : i32
      %add3A_926 = arith.constant 1 : i32
      %add3A_927 = arith.addi %mul3A_925, %add3A_926 : i32
      %get3A_928 = arith.index_cast %add3A_927 : i32 to index
      %get3A_929 = arith.constant 16 : index
      %get3A_930 = tpu.vector_load %arg8[%get3A_928, %get3A_929] {strides = array<i32>} : memref<900x128xf32, #tpu.memory_space<vmem>>, vector<16xf32>,
      %max3A_931 = arith.maximumf %max3A_923, %get3A_930 : vector<16xf32>
      %mul3A_932 = arith.constant 2 : i32
      %mul3A_933 = arith.muli %mul3A_932, %squeeze3A : i32
      %add3A_934 = arith.constant 1 : i32
      %add3A_935 = arith.addi %mul3A_933, %add3A_934 : i32
      %get3A_936 = arith.index_cast %add3A_935 : i32 to index
      %get3A_937 = arith.constant 32 : index
      %get3A_938 = tpu.vector_load %arg8[%get3A_936, %get3A_937] {strides = array<i32>} : memref<900x128xf32, #tpu.memory_space<vmem>>, vector<16xf32>,
      %max3A_939 = arith.maximumf %max3A_931, %get3A_938 : vector<16xf32>
      %mul3A_940 = arith.constant 2 : i32
      %mul3A_941 = arith.muli %mul3A_940, %squeeze3A : i32
      %add3A_942 = arith.constant 1 : i32
      %add3A_943 = arith.addi %mul3A_941, %add3A_942 : i32
      %get3A_944 = arith.index_cast %add3A_943 : i32 to index
      %get3A_945 = arith.constant 48 : index
      %get3A_946 = tpu.vector_load %arg8[%get3A_944, %get3A_945] {strides = array<i32>} : memref<900x128xf32, #tpu.memory_space<vmem>>, vector<16xf32>,
      %max3A_947 = arith.maximumf %max3A_939, %get3A_946 : vector<16xf32>
      %mul3A_948 = arith.constant 2 : i32
      %mul3A_949 = arith.muli %mul3A_948, %squeeze3A : i32
      %add3A_950 = arith.constant 1 : i32
      %add3A_951 = arith.addi %mul3A_949, %add3A_950 : i32
      %get3A_952 = arith.index_cast %add3A_951 : i32 to index
      %get3A_953 = arith.constant 64 : index
      %get3A_954 = tpu.vector_load %arg8[%get3A_952, %get3A_953] {strides = array<i32>} : memref<900x128xf32, #tpu.memory_space<vmem>>, vector<16xf32>,
      %max3A_955 = arith.maximumf %max3A_947, %get3A_954 : vector<16xf32>
      %mul3A_956 = arith.constant 2 : i32
      %mul3A_957 = arith.muli %mul3A_956, %squeeze3A : i32
      %add3A_958 = arith.constant 1 : i32
      %add3A_959 = arith.addi %mul3A_957, %add3A_958 : i32
      %get3A_960 = arith.index_cast %add3A_959 : i32 to index
      %get3A_961 = arith.constant 80 : index
      %get3A_962 = tpu.vector_load %arg8[%get3A_960, %get3A_961] {strides = array<i32>} : memref<900x128xf32, #tpu.memory_space<vmem>>, vector<16xf32>,
      %max3A_963 = arith.maximumf %max3A_955, %get3A_962 : vector<16xf32>
      %xor3A_964 = arith.constant 1 : i32
      %xor3A_965 = vector.broadcast %xor3A_964 : i32 to vector<16xi32>
      %xor3A_966 = arith.xori %iota3A, %xor3A_965 : vector<16xi32>
      %lt3A_967 = arith.constant 0 : i32
      %lt3A_968 = vector.broadcast %lt3A_967 : i32 to vector<16xi32>
      %lt3A_969 = arith.cmpi slt, %xor3A_966, %lt3A_968 : vector<16xi32>
      %add3A_970 = arith.constant 16 : i32
      %add3A_971 = vector.broadcast %add3A_970 : i32 to vector<16xi32>
      %add3A_972 = arith.addi %xor3A_966, %add3A_971 : vector<16xi32>
      %select_n3A_973 = arith.select %lt3A_969, %add3A_972, %xor3A_966 : vector<16xi1>, vector<16xi32>
      %broadcast_in_dim3A_974 = vector.shape_cast %select_n3A_973 : vector<16xi32> to vector<16x1xi32>
      %gather3A_975 = vector.shape_cast %broadcast_in_dim3A_974 : vector<16x1xi32> to vector<16xi32>
      %gather3A_976 = tpu.dynamic_gather %max3A_963[%gather3A_975] in [0] : vector<16xf32>, vector<16xi32> -> vector<16xf32>
      %max3A_977 = arith.maximumf %max3A_963, %gather3A_976 : vector<16xf32>
      %xor3A_978 = arith.constant 2 : i32
      %xor3A_979 = vector.broadcast %xor3A_978 : i32 to vector<16xi32>
      %xor3A_980 = arith.xori %iota3A, %xor3A_979 : vector<16xi32>
      %lt3A_981 = arith.constant 0 : i32
      %lt3A_982 = vector.broadcast %lt3A_981 : i32 to vector<16xi32>
      %lt3A_983 = arith.cmpi slt, %xor3A_980, %lt3A_982 : vector<16xi32>
      %add3A_984 = arith.constant 16 : i32
      %add3A_985 = vector.broadcast %add3A_984 : i32 to vector<16xi32>
      %add3A_986 = arith.addi %xor3A_980, %add3A_985 : vector<16xi32>
      %select_n3A_987 = arith.select %lt3A_983, %add3A_986, %xor3A_980 : vector<16xi1>, vector<16xi32>
      %broadcast_in_dim3A_988 = vector.shape_cast %select_n3A_987 : vector<16xi32> to vector<16x1xi32>
      %gather3A_989 = vector.shape_cast %broadcast_in_dim3A_988 : vector<16x1xi32> to vector<16xi32>
      %gather3A_990 = tpu.dynamic_gather %max3A_977[%gather3A_989] in [0] : vector<16xf32>, vector<16xi32> -> vector<16xf32>
      %max3A_991 = arith.maximumf %max3A_977, %gather3A_990 : vector<16xf32>
      %xor3A_992 = arith.constant 4 : i32
      %xor3A_993 = vector.broadcast %xor3A_992 : i32 to vector<16xi32>
      %xor3A_994 = arith.xori %iota3A, %xor3A_993 : vector<16xi32>
      %lt3A_995 = arith.constant 0 : i32
      %lt3A_996 = vector.broadcast %lt3A_995 : i32 to vector<16xi32>
      %lt3A_997 = arith.cmpi slt, %xor3A_994, %lt3A_996 : vector<16xi32>
      %add3A_998 = arith.constant 16 : i32
      %add3A_999 = vector.broadcast %add3A_998 : i32 to vector<16xi32>
      %add3A_1000 = arith.addi %xor3A_994, %add3A_999 : vector<16xi32>
      %select_n3A_1001 = arith.select %lt3A_997, %add3A_1000, %xor3A_994 : vector<16xi1>, vector<16xi32>
      %broadcast_in_dim3A_1002 = vector.shape_cast %select_n3A_1001 : vector<16xi32> to vector<16x1xi32>
      %gather3A_1003 = vector.shape_cast %broadcast_in_dim3A_1002 : vector<16x1xi32> to vector<16xi32>
      %gather3A_1004 = tpu.dynamic_gather %max3A_991[%gather3A_1003] in [0] : vector<16xf32>, vector<16xi32> -> vector<16xf32>
      %max3A_1005 = arith.maximumf %max3A_991, %gather3A_1004 : vector<16xf32>
      %xor3A_1006 = arith.constant 8 : i32
      %xor3A_1007 = vector.broadcast %xor3A_1006 : i32 to vector<16xi32>
      %xor3A_1008 = arith.xori %iota3A, %xor3A_1007 : vector<16xi32>
      %lt3A_1009 = arith.constant 0 : i32
      %lt3A_1010 = vector.broadcast %lt3A_1009 : i32 to vector<16xi32>
      %lt3A_1011 = arith.cmpi slt, %xor3A_1008, %lt3A_1010 : vector<16xi32>
      %add3A_1012 = arith.constant 16 : i32
      %add3A_1013 = vector.broadcast %add3A_1012 : i32 to vector<16xi32>
      %add3A_1014 = arith.addi %xor3A_1008, %add3A_1013 : vector<16xi32>
      %select_n3A_1015 = arith.select %lt3A_1011, %add3A_1014, %xor3A_1008 : vector<16xi1>, vector<16xi32>
      %broadcast_in_dim3A_1016 = vector.shape_cast %select_n3A_1015 : vector<16xi32> to vector<16x1xi32>
      %gather3A_1017 = vector.shape_cast %broadcast_in_dim3A_1016 : vector<16x1xi32> to vector<16xi32>
      %gather3A_1018 = tpu.dynamic_gather %max3A_1005[%gather3A_1017] in [0] : vector<16xf32>, vector<16xi32> -> vector<16xf32>
      %max3A_1019 = arith.maximumf %max3A_1005, %gather3A_1018 : vector<16xf32>
      %and3A_1020 = arith.constant 15 : i32
      %and3A_1021 = arith.andi %squeeze3A, %and3A_1020 : i32
      %sub3A_1022 = arith.subi %squeeze3A, %and3A_1021 : i32
      %get3A_1023 = arith.index_cast %sub3A_1022 : i32 to index
      %get3A_1024 = tpu.vector_load %arg10[%get3A_1023] {strides = array<i32>} : memref<464xf32, #tpu.memory_space<vmem>>, vector<16xf32>,
      %eq3A_1025 = vector.broadcast %and3A_1021 : i32 to vector<16xi32>
      %eq3A_1026 = arith.cmpi eq, %iota3A, %eq3A_1025 : vector<16xi32>
      %select_n3A_1027 = arith.select %eq3A_1026, %max3A_1019, %get3A_1024 : vector<16xi1>, vector<16xf32>
      %swap3A_1028 = arith.index_cast %sub3A_1022 : i32 to index
      %swap3A_1029 = tpu.vector_load %arg10[%swap3A_1028] {strides = array<i32>} : memref<464xf32, #tpu.memory_space<vmem>>, vector<16xf32>,
      tpu.vector_store %arg10[%swap3A_1028], %select_n3A_1027 {strides = array<i32>} : memref<464xf32, #tpu.memory_space<vmem>>, vector<16xf32>,
      %scan3A_1030 = arith.constant 0 : i32
      scf.yield %scan3A_1030 : i32
    }
    %scan3A_268 = arith.constant 50 : i32
    %mul3A_269 = arith.constant 2 : i32
    %mul3A_270 = arith.muli %mul3A_269, %add3A_252 : i32
    %broadcast_in_dim3A_271 = vector.broadcast %mul3A_270 : i32 to vector<16xi32>
    %gather3A_272 = tpu.vector_load_idx %arg13[%broadcast_in_dim3A_271] : memref<128xf32, #tpu.memory_space<vmem>>[vector<16xi32>], vector<16xf32>,
    %mul3A_273 = arith.constant 2 : i32
    %mul3A_274 = arith.muli %mul3A_273, %add3A_252 : i32
    %add3A_275 = arith.constant 1 : i32
    %add3A_276 = arith.addi %mul3A_274, %add3A_275 : i32
    %broadcast_in_dim3A_277 = vector.broadcast %add3A_276 : i32 to vector<16xi32>
    %gather3A_278 = tpu.vector_load_idx %arg13[%broadcast_in_dim3A_277] : memref<128xf32, #tpu.memory_space<vmem>>[vector<16xi32>], vector<16xf32>,
    %get3A_279 = arith.constant 0 : index
    %get3A_280 = tpu.vector_load %arg12[%get3A_279] {strides = array<i32>} : memref<64xi32, #tpu.memory_space<vmem>>, vector<16xi32>,
    %mul3A_281 = arith.constant 4 : i32
    %mul3A_282 = vector.broadcast %mul3A_281 : i32 to vector<16xi32>
    %mul3A_283 = arith.muli %get3A_280, %mul3A_282 : vector<16xi32>
    %gather3A_284 = tpu.vector_load_idx %arg9[%mul3A_283] : memref<3600xf32, #tpu.memory_space<vmem>>[vector<16xi32>], vector<16xf32>,
    %add3A_285 = arith.constant 1 : i32
    %add3A_286 = vector.broadcast %add3A_285 : i32 to vector<16xi32>
    %add3A_287 = arith.addi %mul3A_283, %add3A_286 : vector<16xi32>
    %gather3A_288 = tpu.vector_load_idx %arg9[%add3A_287] : memref<3600xf32, #tpu.memory_space<vmem>>[vector<16xi32>], vector<16xf32>,
    %add3A_289 = arith.constant 2 : i32
    %add3A_290 = vector.broadcast %add3A_289 : i32 to vector<16xi32>
    %add3A_291 = arith.addi %mul3A_283, %add3A_290 : vector<16xi32>
    %gather3A_292 = tpu.vector_load_idx %arg9[%add3A_291] : memref<3600xf32, #tpu.memory_space<vmem>>[vector<16xi32>], vector<16xf32>,
    %add3A_293 = arith.constant 3 : i32
    %add3A_294 = vector.broadcast %add3A_293 : i32 to vector<16xi32>
    %add3A_295 = arith.addi %mul3A_283, %add3A_294 : vector<16xi32>
    %gather3A_296 = tpu.vector_load_idx %arg9[%add3A_295] : memref<3600xf32, #tpu.memory_space<vmem>>[vector<16xi32>], vector<16xf32>,
    %mul3A_297 = arith.constant 5.000000e-01 : f32
    %mul3A_298 = vector.broadcast %mul3A_297 : f32 to vector<16xf32>
    %mul3A_299 = arith.mulf %mul3A_298, %gather3A_292 : vector<16xf32>
    %sub3A_300 = arith.subf %gather3A_284, %mul3A_299 : vector<16xf32>
    %mul3A_301 = arith.mulf %sub3A_300, %gather3A_278 : vector<16xf32>
    %mul3A_302 = arith.constant 5.000000e-01 : f32
    %mul3A_303 = vector.broadcast %mul3A_302 : f32 to vector<16xf32>
    %mul3A_304 = arith.mulf %mul3A_303, %gather3A_296 : vector<16xf32>
    %sub3A_305 = arith.subf %gather3A_288, %mul3A_304 : vector<16xf32>
    %mul3A_306 = arith.mulf %sub3A_305, %gather3A_272 : vector<16xf32>
    %mul3A_307 = arith.constant 5.000000e-01 : f32
    %mul3A_308 = vector.broadcast %mul3A_307 : f32 to vector<16xf32>
    %mul3A_309 = arith.mulf %mul3A_308, %gather3A_292 : vector<16xf32>
    %add3A_310 = arith.addf %gather3A_284, %mul3A_309 : vector<16xf32>
    %mul3A_311 = arith.mulf %add3A_310, %gather3A_278 : vector<16xf32>
    %mul3A_312 = arith.constant 5.000000e-01 : f32
    %mul3A_313 = vector.broadcast %mul3A_312 : f32 to vector<16xf32>
    %mul3A_314 = arith.mulf %mul3A_313, %gather3A_296 : vector<16xf32>
    %add3A_315 = arith.addf %gather3A_288, %mul3A_314 : vector<16xf32>
    %mul3A_316 = arith.mulf %add3A_315, %gather3A_272 : vector<16xf32>
    %add3A_317 = arith.constant 0 : i32
    %add3A_318 = vector.broadcast %add3A_317 : i32 to vector<16xi32>
    %add3A_319 = arith.addi %add3A_318, %iota3A : vector<16xi32>
    %mul3A_320 = arith.constant 4 : i32
    %mul3A_321 = vector.broadcast %mul3A_320 : i32 to vector<16xi32>
    %mul3A_322 = arith.muli %add3A_319, %mul3A_321 : vector<16xi32>
    tpu.vector_store_idx %arg15[%mul3A_322], %mul3A_301 : memref<256xf32, #tpu.memory_space<vmem>>[vector<16xi32>], vector<16xf32>,
    %add3A_323 = arith.constant 1 : i32
    %add3A_324 = vector.broadcast %add3A_323 : i32 to vector<16xi32>
    %add3A_325 = arith.addi %mul3A_322, %add3A_324 : vector<16xi32>
    tpu.vector_store_idx %arg15[%add3A_325], %mul3A_306 : memref<256xf32, #tpu.memory_space<vmem>>[vector<16xi32>], vector<16xf32>,
    %add3A_326 = arith.constant 2 : i32
    %add3A_327 = vector.broadcast %add3A_326 : i32 to vector<16xi32>
    %add3A_328 = arith.addi %mul3A_322, %add3A_327 : vector<16xi32>
    tpu.vector_store_idx %arg15[%add3A_328], %mul3A_311 : memref<256xf32, #tpu.memory_space<vmem>>[vector<16xi32>], vector<16xf32>,
    %add3A_329 = arith.constant 3 : i32
    %add3A_330 = vector.broadcast %add3A_329 : i32 to vector<16xi32>
    %add3A_331 = arith.addi %mul3A_322, %add3A_330 : vector<16xi32>
    tpu.vector_store_idx %arg15[%add3A_331], %mul3A_316 : memref<256xf32, #tpu.memory_space<vmem>>[vector<16xi32>], vector<16xf32>,
    %get3A_332 = arith.constant 16 : index
    %get3A_333 = tpu.vector_load %arg12[%get3A_332] {strides = array<i32>} : memref<64xi32, #tpu.memory_space<vmem>>, vector<16xi32>,
    %mul3A_334 = arith.constant 4 : i32
    %mul3A_335 = vector.broadcast %mul3A_334 : i32 to vector<16xi32>
    %mul3A_336 = arith.muli %get3A_333, %mul3A_335 : vector<16xi32>
    %gather3A_337 = tpu.vector_load_idx %arg9[%mul3A_336] : memref<3600xf32, #tpu.memory_space<vmem>>[vector<16xi32>], vector<16xf32>,
    %add3A_338 = arith.constant 1 : i32
    %add3A_339 = vector.broadcast %add3A_338 : i32 to vector<16xi32>
    %add3A_340 = arith.addi %mul3A_336, %add3A_339 : vector<16xi32>
    %gather3A_341 = tpu.vector_load_idx %arg9[%add3A_340] : memref<3600xf32, #tpu.memory_space<vmem>>[vector<16xi32>], vector<16xf32>,
    %add3A_342 = arith.constant 2 : i32
    %add3A_343 = vector.broadcast %add3A_342 : i32 to vector<16xi32>
    %add3A_344 = arith.addi %mul3A_336, %add3A_343 : vector<16xi32>
    %gather3A_345 = tpu.vector_load_idx %arg9[%add3A_344] : memref<3600xf32, #tpu.memory_space<vmem>>[vector<16xi32>], vector<16xf32>,
    %add3A_346 = arith.constant 3 : i32
    %add3A_347 = vector.broadcast %add3A_346 : i32 to vector<16xi32>
    %add3A_348 = arith.addi %mul3A_336, %add3A_347 : vector<16xi32>
    %gather3A_349 = tpu.vector_load_idx %arg9[%add3A_348] : memref<3600xf32, #tpu.memory_space<vmem>>[vector<16xi32>], vector<16xf32>,
    %mul3A_350 = arith.constant 5.000000e-01 : f32
    %mul3A_351 = vector.broadcast %mul3A_350 : f32 to vector<16xf32>
    %mul3A_352 = arith.mulf %mul3A_351, %gather3A_345 : vector<16xf32>
    %sub3A_353 = arith.subf %gather3A_337, %mul3A_352 : vector<16xf32>
    %mul3A_354 = arith.mulf %sub3A_353, %gather3A_278 : vector<16xf32>
    %mul3A_355 = arith.constant 5.000000e-01 : f32
    %mul3A_356 = vector.broadcast %mul3A_355 : f32 to vector<16xf32>
    %mul3A_357 = arith.mulf %mul3A_356, %gather3A_349 : vector<16xf32>
    %sub3A_358 = arith.subf %gather3A_341, %mul3A_357 : vector<16xf32>
    %mul3A_359 = arith.mulf %sub3A_358, %gather3A_272 : vector<16xf32>
    %mul3A_360 = arith.constant 5.000000e-01 : f32
    %mul3A_361 = vector.broadcast %mul3A_360 : f32 to vector<16xf32>
    %mul3A_362 = arith.mulf %mul3A_361, %gather3A_345 : vector<16xf32>
    %add3A_363 = arith.addf %gather3A_337, %mul3A_362 : vector<16xf32>
    %mul3A_364 = arith.mulf %add3A_363, %gather3A_278 : vector<16xf32>
    %mul3A_365 = arith.constant 5.000000e-01 : f32
    %mul3A_366 = vector.broadcast %mul3A_365 : f32 to vector<16xf32>
    %mul3A_367 = arith.mulf %mul3A_366, %gather3A_349 : vector<16xf32>
    %add3A_368 = arith.addf %gather3A_341, %mul3A_367 : vector<16xf32>
    %mul3A_369 = arith.mulf %add3A_368, %gather3A_272 : vector<16xf32>
    %add3A_370 = arith.constant 16 : i32
    %add3A_371 = vector.broadcast %add3A_370 : i32 to vector<16xi32>
    %add3A_372 = arith.addi %add3A_371, %iota3A : vector<16xi32>
    %mul3A_373 = arith.constant 4 : i32
    %mul3A_374 = vector.broadcast %mul3A_373 : i32 to vector<16xi32>
    %mul3A_375 = arith.muli %add3A_372, %mul3A_374 : vector<16xi32>
    tpu.vector_store_idx %arg15[%mul3A_375], %mul3A_354 : memref<256xf32, #tpu.memory_space<vmem>>[vector<16xi32>], vector<16xf32>,
    %add3A_376 = arith.constant 1 : i32
    %add3A_377 = vector.broadcast %add3A_376 : i32 to vector<16xi32>
    %add3A_378 = arith.addi %mul3A_375, %add3A_377 : vector<16xi32>
    tpu.vector_store_idx %arg15[%add3A_378], %mul3A_359 : memref<256xf32, #tpu.memory_space<vmem>>[vector<16xi32>], vector<16xf32>,
    %add3A_379 = arith.constant 2 : i32
    %add3A_380 = vector.broadcast %add3A_379 : i32 to vector<16xi32>
    %add3A_381 = arith.addi %mul3A_375, %add3A_380 : vector<16xi32>
    tpu.vector_store_idx %arg15[%add3A_381], %mul3A_364 : memref<256xf32, #tpu.memory_space<vmem>>[vector<16xi32>], vector<16xf32>,
    %add3A_382 = arith.constant 3 : i32
    %add3A_383 = vector.broadcast %add3A_382 : i32 to vector<16xi32>
    %add3A_384 = arith.addi %mul3A_375, %add3A_383 : vector<16xi32>
    tpu.vector_store_idx %arg15[%add3A_384], %mul3A_369 : memref<256xf32, #tpu.memory_space<vmem>>[vector<16xi32>], vector<16xf32>,
    %get3A_385 = arith.constant 32 : index
    %get3A_386 = tpu.vector_load %arg12[%get3A_385] {strides = array<i32>} : memref<64xi32, #tpu.memory_space<vmem>>, vector<16xi32>,
    %mul3A_387 = arith.constant 4 : i32
    %mul3A_388 = vector.broadcast %mul3A_387 : i32 to vector<16xi32>
    %mul3A_389 = arith.muli %get3A_386, %mul3A_388 : vector<16xi32>
    %gather3A_390 = tpu.vector_load_idx %arg9[%mul3A_389] : memref<3600xf32, #tpu.memory_space<vmem>>[vector<16xi32>], vector<16xf32>,
    %add3A_391 = arith.constant 1 : i32
    %add3A_392 = vector.broadcast %add3A_391 : i32 to vector<16xi32>
    %add3A_393 = arith.addi %mul3A_389, %add3A_392 : vector<16xi32>
    %gather3A_394 = tpu.vector_load_idx %arg9[%add3A_393] : memref<3600xf32, #tpu.memory_space<vmem>>[vector<16xi32>], vector<16xf32>,
    %add3A_395 = arith.constant 2 : i32
    %add3A_396 = vector.broadcast %add3A_395 : i32 to vector<16xi32>
    %add3A_397 = arith.addi %mul3A_389, %add3A_396 : vector<16xi32>
    %gather3A_398 = tpu.vector_load_idx %arg9[%add3A_397] : memref<3600xf32, #tpu.memory_space<vmem>>[vector<16xi32>], vector<16xf32>,
    %add3A_399 = arith.constant 3 : i32
    %add3A_400 = vector.broadcast %add3A_399 : i32 to vector<16xi32>
    %add3A_401 = arith.addi %mul3A_389, %add3A_400 : vector<16xi32>
    %gather3A_402 = tpu.vector_load_idx %arg9[%add3A_401] : memref<3600xf32, #tpu.memory_space<vmem>>[vector<16xi32>], vector<16xf32>,
    %mul3A_403 = arith.constant 5.000000e-01 : f32
    %mul3A_404 = vector.broadcast %mul3A_403 : f32 to vector<16xf32>
    %mul3A_405 = arith.mulf %mul3A_404, %gather3A_398 : vector<16xf32>
    %sub3A_406 = arith.subf %gather3A_390, %mul3A_405 : vector<16xf32>
    %mul3A_407 = arith.mulf %sub3A_406, %gather3A_278 : vector<16xf32>
    %mul3A_408 = arith.constant 5.000000e-01 : f32
    %mul3A_409 = vector.broadcast %mul3A_408 : f32 to vector<16xf32>
    %mul3A_410 = arith.mulf %mul3A_409, %gather3A_402 : vector<16xf32>
    %sub3A_411 = arith.subf %gather3A_394, %mul3A_410 : vector<16xf32>
    %mul3A_412 = arith.mulf %sub3A_411, %gather3A_272 : vector<16xf32>
    %mul3A_413 = arith.constant 5.000000e-01 : f32
    %mul3A_414 = vector.broadcast %mul3A_413 : f32 to vector<16xf32>
    %mul3A_415 = arith.mulf %mul3A_414, %gather3A_398 : vector<16xf32>
    %add3A_416 = arith.addf %gather3A_390, %mul3A_415 : vector<16xf32>
    %mul3A_417 = arith.mulf %add3A_416, %gather3A_278 : vector<16xf32>
    %mul3A_418 = arith.constant 5.000000e-01 : f32
    %mul3A_419 = vector.broadcast %mul3A_418 : f32 to vector<16xf32>
    %mul3A_420 = arith.mulf %mul3A_419, %gather3A_402 : vector<16xf32>
    %add3A_421 = arith.addf %gather3A_394, %mul3A_420 : vector<16xf32>
    %mul3A_422 = arith.mulf %add3A_421, %gather3A_272 : vector<16xf32>
    %add3A_423 = arith.constant 32 : i32
    %add3A_424 = vector.broadcast %add3A_423 : i32 to vector<16xi32>
    %add3A_425 = arith.addi %add3A_424, %iota3A : vector<16xi32>
    %mul3A_426 = arith.constant 4 : i32
    %mul3A_427 = vector.broadcast %mul3A_426 : i32 to vector<16xi32>
    %mul3A_428 = arith.muli %add3A_425, %mul3A_427 : vector<16xi32>
    tpu.vector_store_idx %arg15[%mul3A_428], %mul3A_407 : memref<256xf32, #tpu.memory_space<vmem>>[vector<16xi32>], vector<16xf32>,
    %add3A_429 = arith.constant 1 : i32
    %add3A_430 = vector.broadcast %add3A_429 : i32 to vector<16xi32>
    %add3A_431 = arith.addi %mul3A_428, %add3A_430 : vector<16xi32>
    tpu.vector_store_idx %arg15[%add3A_431], %mul3A_412 : memref<256xf32, #tpu.memory_space<vmem>>[vector<16xi32>], vector<16xf32>,
    %add3A_432 = arith.constant 2 : i32
    %add3A_433 = vector.broadcast %add3A_432 : i32 to vector<16xi32>
    %add3A_434 = arith.addi %mul3A_428, %add3A_433 : vector<16xi32>
    tpu.vector_store_idx %arg15[%add3A_434], %mul3A_417 : memref<256xf32, #tpu.memory_space<vmem>>[vector<16xi32>], vector<16xf32>,
    %add3A_435 = arith.constant 3 : i32
    %add3A_436 = vector.broadcast %add3A_435 : i32 to vector<16xi32>
    %add3A_437 = arith.addi %mul3A_428, %add3A_436 : vector<16xi32>
    tpu.vector_store_idx %arg15[%add3A_437], %mul3A_422 : memref<256xf32, #tpu.memory_space<vmem>>[vector<16xi32>], vector<16xf32>,
    %get3A_438 = arith.constant 48 : index
    %get3A_439 = tpu.vector_load %arg12[%get3A_438] {strides = array<i32>} : memref<64xi32, #tpu.memory_space<vmem>>, vector<16xi32>,
    %mul3A_440 = arith.constant 4 : i32
    %mul3A_441 = vector.broadcast %mul3A_440 : i32 to vector<16xi32>
    %mul3A_442 = arith.muli %get3A_439, %mul3A_441 : vector<16xi32>
    %gather3A_443 = tpu.vector_load_idx %arg9[%mul3A_442] : memref<3600xf32, #tpu.memory_space<vmem>>[vector<16xi32>], vector<16xf32>,
    %add3A_444 = arith.constant 1 : i32
    %add3A_445 = vector.broadcast %add3A_444 : i32 to vector<16xi32>
    %add3A_446 = arith.addi %mul3A_442, %add3A_445 : vector<16xi32>
    %gather3A_447 = tpu.vector_load_idx %arg9[%add3A_446] : memref<3600xf32, #tpu.memory_space<vmem>>[vector<16xi32>], vector<16xf32>,
    %add3A_448 = arith.constant 2 : i32
    %add3A_449 = vector.broadcast %add3A_448 : i32 to vector<16xi32>
    %add3A_450 = arith.addi %mul3A_442, %add3A_449 : vector<16xi32>
    %gather3A_451 = tpu.vector_load_idx %arg9[%add3A_450] : memref<3600xf32, #tpu.memory_space<vmem>>[vector<16xi32>], vector<16xf32>,
    %add3A_452 = arith.constant 3 : i32
    %add3A_453 = vector.broadcast %add3A_452 : i32 to vector<16xi32>
    %add3A_454 = arith.addi %mul3A_442, %add3A_453 : vector<16xi32>
    %gather3A_455 = tpu.vector_load_idx %arg9[%add3A_454] : memref<3600xf32, #tpu.memory_space<vmem>>[vector<16xi32>], vector<16xf32>,
    %mul3A_456 = arith.constant 5.000000e-01 : f32
    %mul3A_457 = vector.broadcast %mul3A_456 : f32 to vector<16xf32>
    %mul3A_458 = arith.mulf %mul3A_457, %gather3A_451 : vector<16xf32>
    %sub3A_459 = arith.subf %gather3A_443, %mul3A_458 : vector<16xf32>
    %mul3A_460 = arith.mulf %sub3A_459, %gather3A_278 : vector<16xf32>
    %mul3A_461 = arith.constant 5.000000e-01 : f32
    %mul3A_462 = vector.broadcast %mul3A_461 : f32 to vector<16xf32>
    %mul3A_463 = arith.mulf %mul3A_462, %gather3A_455 : vector<16xf32>
    %sub3A_464 = arith.subf %gather3A_447, %mul3A_463 : vector<16xf32>
    %mul3A_465 = arith.mulf %sub3A_464, %gather3A_272 : vector<16xf32>
    %mul3A_466 = arith.constant 5.000000e-01 : f32
    %mul3A_467 = vector.broadcast %mul3A_466 : f32 to vector<16xf32>
    %mul3A_468 = arith.mulf %mul3A_467, %gather3A_451 : vector<16xf32>
    %add3A_469 = arith.addf %gather3A_443, %mul3A_468 : vector<16xf32>
    %mul3A_470 = arith.mulf %add3A_469, %gather3A_278 : vector<16xf32>
    %mul3A_471 = arith.constant 5.000000e-01 : f32
    %mul3A_472 = vector.broadcast %mul3A_471 : f32 to vector<16xf32>
    %mul3A_473 = arith.mulf %mul3A_472, %gather3A_455 : vector<16xf32>
    %add3A_474 = arith.addf %gather3A_447, %mul3A_473 : vector<16xf32>
    %mul3A_475 = arith.mulf %add3A_474, %gather3A_272 : vector<16xf32>
    %add3A_476 = arith.constant 48 : i32
    %add3A_477 = vector.broadcast %add3A_476 : i32 to vector<16xi32>
    %add3A_478 = arith.addi %add3A_477, %iota3A : vector<16xi32>
    %mul3A_479 = arith.constant 4 : i32
    %mul3A_480 = vector.broadcast %mul3A_479 : i32 to vector<16xi32>
    %mul3A_481 = arith.muli %add3A_478, %mul3A_480 : vector<16xi32>
    tpu.vector_store_idx %arg15[%mul3A_481], %mul3A_460 : memref<256xf32, #tpu.memory_space<vmem>>[vector<16xi32>], vector<16xf32>,
    %add3A_482 = arith.constant 1 : i32
    %add3A_483 = vector.broadcast %add3A_482 : i32 to vector<16xi32>
    %add3A_484 = arith.addi %mul3A_481, %add3A_483 : vector<16xi32>
    tpu.vector_store_idx %arg15[%add3A_484], %mul3A_465 : memref<256xf32, #tpu.memory_space<vmem>>[vector<16xi32>], vector<16xf32>,
    %add3A_485 = arith.constant 2 : i32
    %add3A_486 = vector.broadcast %add3A_485 : i32 to vector<16xi32>
    %add3A_487 = arith.addi %mul3A_481, %add3A_486 : vector<16xi32>
    tpu.vector_store_idx %arg15[%add3A_487], %mul3A_470 : memref<256xf32, #tpu.memory_space<vmem>>[vector<16xi32>], vector<16xf32>,
    %add3A_488 = arith.constant 3 : i32
    %add3A_489 = vector.broadcast %add3A_488 : i32 to vector<16xi32>
    %add3A_490 = arith.addi %mul3A_481, %add3A_489 : vector<16xi32>
    tpu.vector_store_idx %arg15[%add3A_490], %mul3A_475 : memref<256xf32, #tpu.memory_space<vmem>>[vector<16xi32>], vector<16xf32>,
    "tpu.region"() ({
      %run_scoped3A = tpu.sem_alloc : memref<!tpu.dma_semaphore, #tpu.memory_space<semaphore_mem>>
      %dma_start3A = arith.constant 0 : i32
      %dma_start3A_491 = tpu.memref_slice %arg5[%add3A_252, %dma_start3A] : memref<64x64xf32, #tpu.memory_space<hbm>> -> memref<1x64xf32, #tpu.memory_space<hbm>>
      %dma_start3A_492 = tpu.memref_squeeze %dma_start3A_491 : memref<1x64xf32, #tpu.memory_space<hbm>> -> memref<64xf32, #tpu.memory_space<hbm>>
      %dma_start3A_493 = arith.constant 0 : i32
      %dma_start3A_494 = tpu.memref_slice %arg5[%add3A_252, %dma_start3A_493] : memref<64x64xf32, #tpu.memory_space<hbm>> -> memref<1x64xf32, #tpu.memory_space<hbm>>
      %dma_start3A_495 = tpu.memref_squeeze %dma_start3A_494 : memref<1x64xf32, #tpu.memory_space<hbm>> -> memref<64xf32, #tpu.memory_space<hbm>>
      tpu.enqueue_dma source(%arg11 : memref<64xf32, #tpu.memory_space<vmem>>) target(%dma_start3A_495 : memref<64xf32, #tpu.memory_space<hbm>>) target_semaphore(%run_scoped3A : memref<!tpu.dma_semaphore, #tpu.memory_space<semaphore_mem>>)
      %dma_wait3A = arith.constant 0 : i32
      %dma_wait3A_496 = tpu.memref_slice %arg5[%add3A_252, %dma_wait3A] : memref<64x64xf32, #tpu.memory_space<hbm>> -> memref<1x64xf32, #tpu.memory_space<hbm>>
      %dma_wait3A_497 = tpu.memref_squeeze %dma_wait3A_496 : memref<1x64xf32, #tpu.memory_space<hbm>> -> memref<64xf32, #tpu.memory_space<hbm>>
      %dma_wait3A_498 = arith.constant 0 : i32
      %dma_wait3A_499 = tpu.memref_slice %arg5[%add3A_252, %dma_wait3A_498] : memref<64x64xf32, #tpu.memory_space<hbm>> -> memref<1x64xf32, #tpu.memory_space<hbm>>
      %dma_wait3A_500 = tpu.memref_squeeze %dma_wait3A_499 : memref<1x64xf32, #tpu.memory_space<hbm>> -> memref<64xf32, #tpu.memory_space<hbm>>
      tpu.wait_dma2 semaphore(%run_scoped3A : memref<!tpu.dma_semaphore, #tpu.memory_space<semaphore_mem>>) src(%arg11 : memref<64xf32, #tpu.memory_space<vmem>>) dst(%dma_wait3A_500 : memref<64xf32, #tpu.memory_space<hbm>>)
      tpu.yield
    }) : () -> ()
    "tpu.region"() ({
      %run_scoped3A = tpu.sem_alloc : memref<!tpu.dma_semaphore, #tpu.memory_space<semaphore_mem>>
      %dma_start3A = arith.constant 0 : i32
      %dma_start3A_491 = tpu.memref_slice %arg6[%add3A_252, %dma_start3A] : memref<64x64xi32, #tpu.memory_space<hbm>> -> memref<1x64xi32, #tpu.memory_space<hbm>>
      %dma_start3A_492 = tpu.memref_squeeze %dma_start3A_491 : memref<1x64xi32, #tpu.memory_space<hbm>> -> memref<64xi32, #tpu.memory_space<hbm>>
      %dma_start3A_493 = arith.constant 0 : i32
      %dma_start3A_494 = tpu.memref_slice %arg6[%add3A_252, %dma_start3A_493] : memref<64x64xi32, #tpu.memory_space<hbm>> -> memref<1x64xi32, #tpu.memory_space<hbm>>
      %dma_start3A_495 = tpu.memref_squeeze %dma_start3A_494 : memref<1x64xi32, #tpu.memory_space<hbm>> -> memref<64xi32, #tpu.memory_space<hbm>>
      tpu.enqueue_dma source(%arg14 : memref<64xi32, #tpu.memory_space<vmem>>) target(%dma_start3A_495 : memref<64xi32, #tpu.memory_space<hbm>>) target_semaphore(%run_scoped3A : memref<!tpu.dma_semaphore, #tpu.memory_space<semaphore_mem>>)
      %dma_wait3A = arith.constant 0 : i32
      %dma_wait3A_496 = tpu.memref_slice %arg6[%add3A_252, %dma_wait3A] : memref<64x64xi32, #tpu.memory_space<hbm>> -> memref<1x64xi32, #tpu.memory_space<hbm>>
      %dma_wait3A_497 = tpu.memref_squeeze %dma_wait3A_496 : memref<1x64xi32, #tpu.memory_space<hbm>> -> memref<64xi32, #tpu.memory_space<hbm>>
      %dma_wait3A_498 = arith.constant 0 : i32
      %dma_wait3A_499 = tpu.memref_slice %arg6[%add3A_252, %dma_wait3A_498] : memref<64x64xi32, #tpu.memory_space<hbm>> -> memref<1x64xi32, #tpu.memory_space<hbm>>
      %dma_wait3A_500 = tpu.memref_squeeze %dma_wait3A_499 : memref<1x64xi32, #tpu.memory_space<hbm>> -> memref<64xi32, #tpu.memory_space<hbm>>
      tpu.wait_dma2 semaphore(%run_scoped3A : memref<!tpu.dma_semaphore, #tpu.memory_space<semaphore_mem>>) src(%arg14 : memref<64xi32, #tpu.memory_space<vmem>>) dst(%dma_wait3A_500 : memref<64xi32, #tpu.memory_space<hbm>>)
      tpu.yield
    }) : () -> ()
    "tpu.region"() ({
      %run_scoped3A = tpu.sem_alloc : memref<!tpu.dma_semaphore, #tpu.memory_space<semaphore_mem>>
      %dma_start3A = arith.constant 0 : i32
      %dma_start3A_491 = tpu.memref_slice %arg7[%add3A_252, %dma_start3A] : memref<64x256xf32, #tpu.memory_space<hbm>> -> memref<1x256xf32, #tpu.memory_space<hbm>>
      %dma_start3A_492 = tpu.memref_squeeze %dma_start3A_491 : memref<1x256xf32, #tpu.memory_space<hbm>> -> memref<256xf32, #tpu.memory_space<hbm>>
      %dma_start3A_493 = arith.constant 0 : i32
      %dma_start3A_494 = tpu.memref_slice %arg7[%add3A_252, %dma_start3A_493] : memref<64x256xf32, #tpu.memory_space<hbm>> -> memref<1x256xf32, #tpu.memory_space<hbm>>
      %dma_start3A_495 = tpu.memref_squeeze %dma_start3A_494 : memref<1x256xf32, #tpu.memory_space<hbm>> -> memref<256xf32, #tpu.memory_space<hbm>>
      tpu.enqueue_dma source(%arg15 : memref<256xf32, #tpu.memory_space<vmem>>) target(%dma_start3A_495 : memref<256xf32, #tpu.memory_space<hbm>>) target_semaphore(%run_scoped3A : memref<!tpu.dma_semaphore, #tpu.memory_space<semaphore_mem>>)
      %dma_wait3A = arith.constant 0 : i32
      %dma_wait3A_496 = tpu.memref_slice %arg7[%add3A_252, %dma_wait3A] : memref<64x256xf32, #tpu.memory_space<hbm>> -> memref<1x256xf32, #tpu.memory_space<hbm>>
      %dma_wait3A_497 = tpu.memref_squeeze %dma_wait3A_496 : memref<1x256xf32, #tpu.memory_space<hbm>> -> memref<256xf32, #tpu.memory_space<hbm>>
      %dma_wait3A_498 = arith.constant 0 : i32
      %dma_wait3A_499 = tpu.memref_slice %arg7[%add3A_252, %dma_wait3A_498] : memref<64x256xf32, #tpu.memory_space<hbm>> -> memref<1x256xf32, #tpu.memory_space<hbm>>
      %dma_wait3A_500 = tpu.memref_squeeze %dma_wait3A_499 : memref<1x256xf32, #tpu.memory_space<hbm>> -> memref<256xf32, #tpu.memory_space<hbm>>
      tpu.wait_dma2 semaphore(%run_scoped3A : memref<!tpu.dma_semaphore, #tpu.memory_space<semaphore_mem>>) src(%arg15 : memref<256xf32, #tpu.memory_space<vmem>>) dst(%dma_wait3A_500 : memref<256xf32, #tpu.memory_space<hbm>>)
      tpu.yield
    }) : () -> ()
    return
  }
}

</mosaic_0001>

<sc_bundles>
// kernel: kernel.3.cloned.1.call-start
scs
__scs_entry_jumppad:
0x0: {  	(pc) =	sbr.rel $0x88, $3  }
0x1: {  	(tag) =	ssettag $0x0;
	lr =	simm.s32 $0x1  }
0x2: {  	[smem:$0x3F9E] =	sst lr;
	_ =	strace $0xD0000000  }
0x3: {  	_ = 	snop  }
0x4: {  	_ = 	snop  }
0x5: {  	_ = 	snop  }
0x6: {  	_ = 	snop  }
0x7: {  	_ = 	snop  }
__scs_overlays_trampoline_lowered:
0x8: {  	[smem:$0x3FAD] =	sst s0  }
0x9: {  	[smem:$0x3FAE] =	sst s1  }
0xa: {  	[smem:$0x3FAF] =	sst s2  }
0xb: {  	[smem:$0x3FB0] =	sst s3  }
0xc: {  	[smem:$0x3FB1] =	sst s4  }
0xd: {  	[smem:$0x3FB2] =	sst s5  }
0xe: {  	[smem:$0x3FB3] =	sst s6  }
0xf: {  	[smem:$0x3FB4] =	sst s7  }
0x10: {  	[smem:$0x3FB5] =	sst s8  }
0x11: {  	[smem:$0x3FB6] =	sst s9;
	s0 =	simm.s32 @!p0 $0x0  }
0x12: {  	s1 =	sld [smem:$0x3F9C];
	s0 =	simm.s32 @p0 $0x1  }
0x13: {  	[smem:$0x3FB7] =	sst s0;
	s0 =	simm.s32 @!p1 $0x0  }
0x14: {  	s2 =	sld [smem:$0x3F9B];
	s0 =	simm.s32 @p1 $0x1  }
0x15: {  	[smem:$0x3FB8] =	sst s0;
	s0 =	simm.s32 @!p2 $0x0  }
0x16: {  	s3 =	sld [smem:$0x3FDB];
	s0 =	simm.s32 @p2 $0x1  }
0x17: {  	s4 =	simm.s32 $0x1BF5;
	[smem:$0x3FBA] =	sst s0  }
0x18: {  	s0 =	sld [smem:$0x3F9D];
	_ =	swait.ge [sflag:s4], $0x0  }
0x19: {  	s7 =	sld [smem:$0x3F9E]  }
0x1a: {  	s8 =	sadd.s32 $0xFFFFE003, lr  }
0x1b: {  	s9 =	sadd.s32 $0xFFFFFEF7, lr;
	s5 =	simm.s32 $0xFFFFFFFF;
	p2 =	slt.u32 s8, $0xFFFFF086  }
0x1c: {  	p1 =	slt.u32 s9, $0xF7A;
	s5 =	simm.s32 @!p2 $0x0  }
0x1d: {  	s5 =	simm.s32 @p1 $0x1;
	p0 =	seq.s32 s7, s2  }
0x1e: {  	s7 =	smul.u32 @!p0 $0xF7A, s2;
	p2 =	seq.s32 @!p0 s5, $0x0  }
0x1f: {  	s9 =	smul.u32 $0xF7A, s1;
	s8 =	simm.s32 @!p0 $0x1BF5;
	p2 =	por !p2, p0  }
0x20: {  	[sflag:s8] =	ssyncset.s32 @!p0 $0xFFFFF086;
	s6 =	sadd.s32 @!p0 s3, s7;
	s7 =	simm.s32 @!p0 $0x108  }
0x21: {  	s3 =	sadd.s32 s3, s9;
	s6 =	sadd.s32 @!p0 $0x88, s6;
	s7 =	simm.s32 @p2 $0x1082  }
0x22: {  	[simem:s7], [sflag:s8] =	dma.local @!p0 [hbm:s6], $0xF7A  }
0x23: {  	s9 =	sor.u32 $0xD0000000, s2;
	s6 =	simm.s32 $0x108;
	_ =	swait.ge @!p0 [sflag:s8], $0x0  }
0x24: {  	s3 =	sadd.s32 $0x88, s3;
	s6 =	simm.s32 @!p1 $0x1082;
	[sflag:s4] =	ssyncset.s32 $0xFFFFF086  }
0x25: {  	[simem:s6], [sflag:s4] =	dma.local [hbm:s3], $0xF7A  }
0x26: {  	[smem:$0x3F9E] =	sst s1;
	(tag) =	ssettag s2;
	_ =	strace s9  }
0x27: {  	s1 =	sld [smem:$0x3FAE]  }
0x28: {  	s2 =	sld [smem:$0x3FAF]  }
0x29: {  	s4 =	sld [smem:$0x3FB1]  }
0x2a: {  	p0 =	seq.s32 s5, $0x0;
	s5 =	sld [smem:$0x3FB2]  }
0x2b: {  	s6 =	sld [smem:$0x3FB3]  }
0x2c: {  	s7 =	sld [smem:$0x3FB4]  }
0x2d: {  	s3 =	simm.s32 $0x108;
	s8 =	sld [smem:$0x3FB5]  }
0x2e: {  	s3 =	simm.s32 @!p0 $0x1082;
	s9 =	sld [smem:$0x3FB6]  }
0x2f: {  	lr =	sadd.s32 s0, s3;
	s0 =	sld [smem:$0x3FAD]  }
0x30: {  	s3 =	sld [smem:$0x3FB0]  }
0x31: {  	[smem:$0x3FB9] =	sst s10  }
0x32: {  	s10 =	sld [smem:$0x3FB7];
	_ =	sdelay $0x3  }
0x33: {  	p0 =	seq.s32 s10, $0x1;
	s10 =	sld [smem:$0x3FB9];
	_ =	sdelay $0x3  }
0x34: {  	[smem:$0x3FB9] =	sst s10  }
0x35: {  	s10 =	sld [smem:$0x3FB8];
	_ =	sdelay $0x3  }
0x36: {  	p1 =	seq.s32 s10, $0x1;
	s10 =	sld [smem:$0x3FB9];
	_ =	sdelay $0x3  }
0x37: {  	[smem:$0x3FB9] =	sst s10  }
0x38: {  	s10 =	sld [smem:$0x3FBA]  }
0x39: {  	_ = 	snop;
	(pc) =	sbr.ind lr, $3  }
0x3a: {  	_ = 	snop  }
0x3b: {  	_ = 	snop  }
0x3c: {  	p2 =	seq.s32 s10, $0x1;
	s10 =	sld [smem:$0x3FB9]  }
0x3d: {  	_ =	shalt  }
0x3e: {  	_ =	shalt  }
0x3f: {  	_ =	shalt  }
0x40: {  	_ =	shalt  }
0x41: {  	_ =	shalt  }
0x42: {  	_ =	shalt  }
0x43: {  	_ =	shalt  }
0x44: {  	_ =	shalt  }
0x45: {  	_ =	shalt  }
0x46: {  	_ =	shalt  }
0x47: {  	_ =	shalt  }
0x48: {  	_ =	shalt  }
0x49: {  	_ =	shalt  }
0x4a: {  	_ =	shalt  }
0x4b: {  	_ =	shalt  }
0x4c: {  	_ =	shalt  }
0x4d: {  	_ =	shalt  }
0x4e: {  	_ =	shalt  }
0x4f: {  	_ =	shalt  }
0x50: {  	_ =	shalt  }
0x51: {  	_ =	shalt  }
0x52: {  	_ =	shalt  }
0x53: {  	_ =	shalt  }
0x54: {  	_ =	shalt  }
0x55: {  	_ =	shalt  }
0x56: {  	_ =	shalt  }
0x57: {  	_ =	shalt  }
0x58: {  	_ =	shalt  }
0x59: {  	_ =	shalt  }
0x5a: {  	_ =	shalt  }
0x5b: {  	_ =	shalt  }
0x5c: {  	_ =	shalt  }
0x5d: {  	_ =	shalt  }
0x5e: {  	_ =	shalt  }
0x5f: {  	_ =	shalt  }
0x60: {  	_ =	shalt  }
0x61: {  	_ =	shalt  }
0x62: {  	_ =	shalt  }
0x63: {  	_ =	shalt  }
0x64: {  	_ =	shalt  }
0x65: {  	_ =	shalt  }
0x66: {  	_ =	shalt  }
0x67: {  	_ =	shalt  }
0x68: {  	_ =	shalt  }
0x69: {  	_ =	shalt  }
0x6a: {  	_ =	shalt  }
0x6b: {  	_ =	shalt  }
0x6c: {  	_ =	shalt  }
0x6d: {  	_ =	shalt  }
0x6e: {  	_ =	shalt  }
0x6f: {  	_ =	shalt  }
0x70: {  	_ =	shalt  }
0x71: {  	_ =	shalt  }
0x72: {  	_ =	shalt  }
0x73: {  	_ =	shalt  }
0x74: {  	_ =	shalt  }
0x75: {  	_ =	shalt  }
0x76: {  	_ =	shalt  }
0x77: {  	_ =	shalt  }
0x78: {  	_ =	shalt  }
0x79: {  	_ =	shalt  }
0x7a: {  	_ =	shalt  }
0x7b: {  	_ =	shalt  }
0x7c: {  	_ =	shalt  }
0x7d: {  	_ =	shalt  }
0x7e: {  	_ =	shalt  }
0x7f: {  	_ =	shalt  }
0x80: {  	_ =	shalt  }
0x81: {  	_ =	shalt  }
0x82: {  	_ =	shalt  }
0x83: {  	_ =	shalt  }
0x84: {  	_ =	shalt  }
0x85: {  	_ =	shalt  }
0x86: {  	_ =	shalt  }
0x87: {  	_ =	shalt  }
.Lfunc_end0:
.L_simem_size_0:
called_computation_lowered:
.L_overlay_start_0:
0x88: {  	s2 =	sld [smem:$0x3FD9]  }
0x89: {  	s3 =	sld [smem:$0x3FFE];
	_ =	sdelay $0x1  }
0x8a: {  	s1 =	srdreg.scid  }
0x8b: {  	s0 =	sand.u32 $0x1, s1  }
0x8c: {  	s14 =	sshll.u32 s0, $0xA;
	s2 =	sadd.s32 s3, s2  }
0x8d: {  	s2 =	sadd.s32 s2, s14  }
0x8e: {  	[smem:$0x3FC5] =	sst s2  }
0x8f: {  	_ = 	snop  }
0x90: {  	s2 =	sld [smem:$0x3FD0];
	_ =	sdelay $0x2  }
0x91: {  	s15 =	simm.s32 $0xA;
	s4 =	simm.s32 $0x10  }
0x92: {  	[smem:s4], [sflag:s15] =	dma.local [hbm:s2], $0x1  }
0x93: {  	_ =	swait.eq [sflag:s15], $0x1  }
0x94: {  	[sflag:s15] =	ssyncset.done $0x0  }
0x95: {  	s16 =	sld [smem:$0x11];
	[sflag:s15] =	ssyncadd.s32 $0xFFFFFFFF  }
0x96: {  	s17 =	sld [smem:$0x12];
	(tm) =	ssettm $0x1  }
0x97: {  	s18 =	sld [smem:$0x3FFB];
	_ =	sdelay $0x3  }
0x98: {  	_ =	strace s18  }
0x99: {  	s4 =	sld [smem:$0x3FFC];
	_ =	sdelay $0x3  }
0x9a: {  	_ =	strace s4  }
0x9b: {  	s4 =	sld [smem:$0x3FFD];
	_ =	sdelay $0x3  }
0x9c: {  	_ =	strace s4  }
0x9d: {  	_ =	strace $0x8FFFFFFF  }
0x9e: {  	s19 =	sld [smem:$0x3FDB];
	_ =	sdelay $0x1  }
0x9f: {  	s5 =	simm.s32 $_scs_section_size  }
0xa0: {  	s6 =	simm.s32 $_size__tile_overlayer_lowered;
	s7 =	simm.s32 $_tile_overlayer_lowered  }
0xa1: {  	s22 =	simm.s32 $0x1BFF;
	s21 =	sshll.u32 s7, $0x1;
	s4 =	sadd.s32 s5, s19  }
0xa2: {  	s8 =	simm.s32 $0x0;
	s20 =	sshll.u32 s6, $0x1;
	s6 =	sadd.s32 s21, s4  }
0xa3: {  	[timem:s8], [sflag:s22] =	dma.local [hbm:s6], s20  }
0xa4: {  	_ =	swait.ge [sflag:s22], s20  }
0xa5: {  	s5 =	ssub.s32 $0x0, s20;
	[sflag:s22] =	ssyncset.done $0x0  }
0xa6: {  	[sflag:s22] =	ssyncadd.s32 s5;
	_ =	sdelay $0x1  }
0xa7: {  	s23 =	simm.s32 $0x1B8B  }
0xa8: {  	_ =	swait.ge [sflag:s23], $0x1  }
0xa9: {  	[sflag:s23] =	ssyncset.done $0x0  }
0xaa: {  	s25 =	simm.s32 $0x1B8E;
	s24 =	sld [smem:$0x3FFE];
	[sflag:s23] =	ssyncadd.s32 $0xFFFFFFFF  }
0xab: {  	s26 =	simm.s32 $execute0_lowered;
	[smem:$0x3FD2] =	sst s25  }
0xac: {  	s6 =	sshll.u32 s26, $0x1;
	_ =	strace $0x80000046;
	[dreg:$0x1] =	wrdreg $0xFFFFFFFF  }
0xad: {  	s28 =	simm.s32 $_size_execute0_lowered;
	s4 =	sadd.s32 s4, s6;
	[dreg:$0x0] =	wrdreg $0x0  }
0xae: {  	s6 =	sshll.u32 s28, $0x1;
	[dreg:$0x2] =	wrdreg s4  }
0xaf: {  	[dreg:$0x3] =	wrdreg s6  }
0xb0: {  	[dreg:$0x4] =	wrdreg $0xC0  }
0xb1: {  	_ =	task [dreg:s8], $0x5FFFF  }
0xb2: {  	[dreg:$0x1] =	wrdreg $0xFFFFFFFF  }
0xb3: {  	[dreg:$0x0] =	wrdreg $0x60  }
0xb4: {  	[dreg:$0x2] =	wrdreg s24  }
0xb5: {  	[dreg:$0x3] =	wrdreg s16  }
0xb6: {  	[dreg:$0x4] =	wrdreg s17  }
0xb7: {  	[dreg:$0x5] =	wrdreg $0x9  }
0xb8: {  	_ =	task.clear_ibuf [dreg:s8], $0x6FFFF;
	_ =	strace $0x90000046  }
0xb9: {  	s29 =	simm.s32 $0x9;
	_ =	strace $0x80000048  }
0xba: {  	_ =	swait.ge [sflag:s29], $0x1  }
0xbb: {  	[sflag:s29] =	ssyncadd.s32 $0xFFFFFFFF  }
0xbc: {  	_ =	strace $0x90000048  }
0xbd: {  	_ =	sfence  }
0xbe: {  	s30 =	sld [smem:$0x0];
	_ =	sdelay $0x2  }
0xbf: {  	s31 =	sshll.u32 s1, $0xD;
	s1 =	sshrl.u32 s1, $0x2  }
0xc0: {  	s3 =	sand.u32 $0x4000, s31;
	s1 =	sadd.s32 s1, s30  }
0xc1: {  	s0 =	sor.u32 s3, s0;
	s1 =	sshll.u32 s1, $0x11  }
0xc2: {  	s0 =	sor.u32 s1, s0  }
0xc3: {  	s0 =	sadd.s32 $0x8F2B, s0  }
0xc4: {  	[sflag:s0] =	ssyncadd.remote.s32 $0x1  }
0xc5: {  	_ =	sfence.sel $0xFFFF  }
0xc6: {  	[dreg:$0x0] =	wrdreg $0xFFFFFFFF;
	(pc) =	sbr.abs _section_cstart, $3  }
0xc7: {  	[dreg:$0x1] =	wrdreg $0xFFFFFFFF  }
0xc8: {  	_ =	task.clear_ibuf [dreg:s8], $0x2FFFF;
	_ =	strace $0x9FFFFFFF  }
0xc9: {  	(tm) =	ssettm $0x7FFFFFFF  }
tec
execute0_lowered:
.L_overlay_start_1:
0x0: {  	(tag) =	ssettag $0x1  }
0x1: {  	s4 =	rddreg [dreg:$0x0];
	s1 =	srdreg.scid  }
0x2: {  	s0 =	stileid.u32;
	s13 =	rddreg [dreg:$0x2]  }
0x3: {  	s3 =	simm.s32 $0x0;
	v2 =	vimm.s32 $0xEFCDAB89;
	s21 =	simm.s32 $0x1D600;
	s5 =	sand.u32 $0x1, s1  }
0x4: {  	v4 =	vimm.s32 $0x67452301;
	v7 =	vimm.s32 $0xDCFE98BA;
	s22 =	sshll.u32 s0, $0x1;
	[smem:$0x7FF] =	sst s3;
	s9 =	sadd.s32 $0xC00, s4  }
0x5: {  	v8 =	vimm.s32 $0x54761032;
	s10 =	sadd.s32 $0xE2C00, s4;
	s11 =	sadd.s32 $0xEA000, s4;
	s12 =	sadd.s32 $0xEA400, s4  }
0x6: {  	v9 =	vimm.s32 $0xBA98FEDC;
	v10 =	vimm.s32 $0xFEDCBA98;
	s14 =	sshrl.u32 s0, $0x1;
	s6 =	sor.u32 s5, s22;
	_ =	strace $0x80000047  }
0x7: {  	v11 =	vimm.s32 $0x32107654;
	v12 =	vimm.s32 $0x76543210;
	s5 =	ssub.s32 $0x2, s5;
	s15 =	smul.u32 $0x7400, s14;
	s18 =	sshll.u32 s14, $0xA  }
0x8: {  	v5 =	vunpack.c.l.s4.s8 v2;
	v6 =	vunpack.c.l.s4.s8 v4;
	v4 =	vimm.s32 $0x0;
	s14 =	sshll.u32 s14, $0xB;
	s22 =	simm.s32 $0x80;
	s7 =	sshll.u32 s6, $0x2  }
0x9: {  	v7 =	vunpack.c.l.s4.s8 v7;
	v8 =	vunpack.c.l.s4.s8 v8;
	v10 =	vunpack.c.l.s4.s8 v10;
	s23 =	sshllo.u32 s6, $0x1;
	s26 =	smul.u32 $0x7100, s6;
	s28 =	sshrl.u32 s5, $0x1  }
0xa: {  	v9 =	vunpack.c.l.s4.s8 v9;
	v11 =	vunpack.c.l.s4.s8 v11;
	v12 =	vunpack.c.l.s4.s8 v12;
	s6 =	sshll.u32 s6, $0x8;
	s8 =	sor.u32 $0x1, s7;
	s24 =	sshll.u32 s23, $0x1  }
0xb: {  	v5 =	vunpack.c.0.s8.s32 v5;
	v6 =	vunpack.c.0.s8.s32 v6;
	v7 =	vunpack.c.0.s8.s32 v7;
	s25 =	sshllo.u32 s23, $0x1;
	s16 =	ssub.s32 s5, s28;
	s17 =	sand.u32 $0x300, s6  }
0xc: {  	v8 =	vunpack.c.0.s8.s32 v8;
	v10 =	vunpack.c.0.s8.s32 v10;
	v9 =	vunpack.c.0.s8.s32 v9;
	s19 =	smul.u32 $0x3880, s23;
	s20 =	sshll.u32 s23, $0x7;
	s23 =	simm.s32 $0x0  }
0xd: {  	v11 =	vunpack.c.0.s8.s32 v11;
	v12 =	vunpack.c.0.s8.s32 v12;
	v0 =	vmov s7;
	s4 =	sadd.s32 s9, s26;
	s29 =	sor.u32 s15, s17;
	s6 =	sor.u32 s18, s17  }
0xe: {  	v1 =	vmov s8;
	v0 =	vbroadcast v0, $0x0;
	v3 =	vmov s24;
	s17 =	sor.u32 s14, s17;
	s31 =	sand.u32 $0x380, s20;
	s20 =	simm.s32 $0x1D480  }
0xf: {  	v5 =	vcombine.low v6, v5;
	v6 =	vcombine.low v8, v7;
	v10 =	vand.u32 $0xF, v10;
	s5 =	sshrl.u32 s29, $0x3;
	s30 =	sshrl.u32 s6, $0x3;
	s17 =	sshrl.u32 s17, $0x3  }
0x10: {  	v7 =	vimm.f32 $-3.000000000e+00;
	v8 =	vcombine.low v11, v9;
	v1 =	vbroadcast v1, $0x0;
	s9 =	sadd.s32 s9, s19;
	s15 =	sor.u32 s15, s31;
	s18 =	sor.u32 s18, s31  }
0x11: {  	v2 =	vbroadcast v3, $0x0;
	v3 =	vmov s25;
	s14 =	sor.u32 s14, s31;
	v9 =	vcombine.low v10, v12;
	s19 =	simm.s32 $0x1D680;
	s5 =	sadd.s32 s10, s5  }
0x12: {  	v10 =	vlaneseq.u32;
	s6 =	sadd.s32 s11, s30;
	s7 =	sadd.s32 s12, s30;
	s8 =	sadd.s32 s13, s17;
	v11 =	vand.u32 $0xF, v5;
	v12 =	vand.u32 $0xF, v6  }
0x13: {  	s15 =	sshrl.u32 s15, $0x3;
	s18 =	sshrl.u32 s18, $0x3;
	s14 =	sshrl.u32 s14, $0x3;
	v13 =	vand.u32 $0xF, v8;
	v14 =	vor.u32 $0x10, v10;
	v15 =	vor.u32 $0x20, v10  }
0x14: {  	s17 =	simm.s32 $0x400;
	v16 =	vor.u32 $0x30, v10;
	v17 =	vor.u32 $0x40, v10;
	v18 =	vor.u32 $0x50, v10;
	s10 =	sadd.s32 s10, s15;
	s11 =	sadd.s32 s11, s18  }
0x15: {  	v19 =	vor.u32 $0x60, v10;
	v20 =	vor.u32 $0x70, v10;
	v21 =	vor.u32 $0x80, v10;
	s12 =	sadd.s32 s12, s18;
	s13 =	sadd.s32 s13, s14;
	s14 =	smax.u32 s16, $0x1  }
0x16: {  	v22 =	vor.u32 $0x90, v10;
	v23 =	vor.u32 $0xA0, v10;
	v24 =	vor.u32 $0xB0, v10;
	s15 =	simm.s32 $0x1D580;
	s16 =	simm.s32 $0x1;
	s18 =	simm.s32 $0x1C400  }
.LBB2_1:
0x17: {  	[tilespmem:$0x1D500] =	vst v4  }
0x18: {  	[tilespmem:$0x1D510] =	vst v4  }
0x19: {  	[tilespmem:$0x1D520] =	vst v4  }
0x1a: {  	[tilespmem:$0x1D530] =	vst v4;
	s0 =	rddreg [dreg:$0x1]  }
0x1b: {  	[tilespmem:s15], [sflag:$0x1] =	stream.linear.gather [hbm4b:s0+s3], $0x80, $0x38;
	[tilespmem:$0x1D780] =	vst v63  }
0x1c: {  	_ =	swait.ge [sflag:s16], $0x80  }
0x1d: {  	[sflag:s16] =	ssyncset.done $0x0  }
0x1e: {  	[sflag:s16] =	ssyncadd.s32 $0xFFFFFF80  }
0x1f: {  	[tilespmem:s3], [sflag:$0x1] =	stream.linear.gather [hbm4b:s4+s3], $0x1C200, $0x38;
	[tilespmem:$0x1D780] =	vst v63  }
0x20: {  	_ =	swait.ge [sflag:s16], $0x1C200  }
0x21: {  	[sflag:s16] =	ssyncset.done $0x0  }
0x22: {  	[sflag:s16] =	ssyncadd.s32 $0xFFFE3E00  }
0x23: {  	[tilespmem:s18], [sflag:$0x1] =	stream.strided.gather [hbm4b:s5+s22], $0xE80, s17, s22, $0x38;
	[tilespmem:$0x1D780] =	vst v63  }
0x24: {  	_ =	swait.ge [sflag:s16], $0xE80  }
0x25: {  	[sflag:s16] =	ssyncset.done $0x0  }
0x26: {  	[sflag:s16] =	ssyncadd.s32 $0xFFFFF180  }
0x27: {  	[tilespmem:$0x1D440] =	vst v7  }
0x28: {  	v25 =	vld [tilespmem:s22+$0xFFFFFF90]  }
0x29: {  	s26 =	simm.s32 $0x1;
	s25 =	simm.s32 $0x80;
	s24 =	simm.s32 $0x0;
	v26 =	vld [tilespmem:s22+$0xFFFFFF80]  }
.LBB2_2:
0x2a: {  	p0 =	sne.s32 s26, $0x1C1;
	v27 =	vld [tilespmem:s25+$0xFFFFFFA0]  }
0x2b: {  	v28 =	vld [tilespmem:s25+$0xFFFFFFB0]  }
0x2c: {  	v29 =	vld [tilespmem:s25+$0xFFFFFFC0]  }
0x2d: {  	v30 =	vld [tilespmem:s25+$0xFFFFFFD0]  }
0x2e: {  	v25 =	vmax.f32 v26, v25;
	v26 =	vld [tilespmem:s25+$0x0]  }
0x2f: {  	v25 =	vmax.f32 v25, v27;
	v27 =	vld [tilespmem:s25+$0x10]  }
0x30: {  	v25 =	vmax.f32 v25, v28;
	v28 =	vld [tilespmem:s25+$0x20]  }
0x31: {  	v25 =	vmax.f32 v25, v29;
	v29 =	vld [tilespmem:s25+$0x30]  }
0x32: {  	v25 =	vmax.f32 v25, v30;
	v30 =	vld [tilespmem:s25+$0x40]  }
0x33: {  	v25 =	vmax.f32 v25, v26;
	v26 =	vld [tilespmem:s25+$0x50]  }
0x34: {  	v25 =	vmax.f32 v25, v27  }
0x35: {  	v25 =	vmax.f32 v25, v28  }
0x36: {  	v25 =	vmax.f32 v25, v29  }
0x37: {  	v25 =	vmax.f32 v25, v30  }
0x38: {  	v25 =	vmax.f32 v25, v26  }
0x39: {  	v26 =	vperm.xlane v25, v5;
	_ =	sdelay $0x1  }
0x3a: {  	v25 =	vmax.f32 v25, v26  }
0x3b: {  	v26 =	vperm.xlane v25, v6;
	_ =	sdelay $0x1  }
0x3c: {  	v25 =	vmax.f32 v25, v26  }
0x3d: {  	s28 =	sand.u32 $0x1F0, s24;
	v26 =	vperm.xlane v25, v8  }
0x3e: {  	v27 =	vld [tilespmem:s28+$0x1D280]  }
0x3f: {  	v25 =	vmax.f32 v25, v26  }
0x40: {  	s29 =	sand.u32 $0xF, s24;
	s24 =	smov.u32 s26;
	v26 =	vperm.xlane v25, v9  }
0x41: {  	v28 =	vmov s29  }
.Ltmp0:
0x42: {  	vm0 =	veq.s32 v28, v10;
	v25 =	vmax.f32 v25, v26;
	(pc) =	sbr.rel @p0 .LBB2_2-.Ltmp0, $4  }
0x43: {  	v25 =	vsel vm0, v25, v27  }
0x44: {  	s25 =	sadd.s32 $0x100, s25;
	[tilespmem:s28+$0x1D280] =	vst v25  }
0x45: {  	v25 =	vld [tilespmem:s25+$0xFFFFFF90]  }
0x46: {  	s26 =	sadd.s32 $0x1, s26;
	v26 =	vld [tilespmem:s25+$0xFFFFFF80]  }
0x47: {  	v27 =	vld [tilespmem:s25+$0xFFFFFFA0]  }
0x48: {  	v28 =	vld [tilespmem:s25+$0xFFFFFFB0]  }
0x49: {  	v29 =	vld [tilespmem:s25+$0xFFFFFFC0]  }
0x4a: {  	v30 =	vld [tilespmem:s25+$0xFFFFFFD0]  }
0x4b: {  	v25 =	vmax.f32 v26, v25;
	v26 =	vld [tilespmem:s25+$0x0]  }
0x4c: {  	v25 =	vmax.f32 v25, v27;
	v27 =	vld [tilespmem:s25+$0x10]  }
0x4d: {  	v60 =	vld [tilespmem:s25+$0x20];
	v25 =	vmax.f32 v25, v28  }
0x4e: {  	v61 =	vld [tilespmem:s25+$0x30];
	v25 =	vmax.f32 v25, v29  }
0x4f: {  	v62 =	vld [tilespmem:s25+$0x40];
	v25 =	vmax.f32 v25, v30  }
0x50: {  	v25 =	vmax.f32 v25, v26;
	v26 =	vld [tilespmem:s25+$0x50]  }
0x51: {  	v25 =	vmax.f32 v25, v27  }
0x52: {  	v25 =	vmax.f32 v25, v60  }
0x53: {  	v25 =	vmax.f32 v25, v61  }
0x54: {  	v25 =	vmax.f32 v25, v62  }
0x55: {  	v25 =	vmax.f32 v25, v26  }
0x56: {  	v26 =	vperm.xlane v25, v5;
	_ =	sdelay $0x1  }
0x57: {  	v25 =	vmax.f32 v25, v26  }
0x58: {  	v26 =	vperm.xlane v25, v6;
	_ =	sdelay $0x1  }
0x59: {  	v25 =	vmax.f32 v25, v26  }
0x5a: {  	s30 =	sand.u32 $0x1F0, s24;
	v26 =	vperm.xlane v25, v8  }
0x5b: {  	v27 =	vld [tilespmem:s30+$0x1D280]  }
0x5c: {  	v25 =	vmax.f32 v25, v26  }
0x5d: {  	s31 =	sand.u32 $0xF, s24;
	v26 =	vperm.xlane v25, v9  }
0x5e: {  	v63 =	vmov s31  }
0x5f: {  	vm0 =	veq.s32 v63, v10;
	v25 =	vmax.f32 v25, v26  }
0x60: {  	v25 =	vsel vm0, v25, v27  }
0x61: {  	s24 =	simm.s32 $0x0;
	s25 =	simm.s32 $0x0;
	[tilespmem:s30+$0x1D280] =	vst v25  }
.LBB2_4:
0x62: {  	s26 =	simm.s32 $0x1D280  }
0x63: {  	v26 =	vld [tilespmem:s26+$0x0];
	_ =	sdelay $0x3  }
0x64: {  	v27 =	vimm.f32 $-3.000000000e+00  }
0x65: {  	v25 =	vimm.s32 $0x0;
	v28 =	vor.u32 s24, v10;
	s28 =	simm.s32 $0x1D290;
	s26 =	simm.s32 $0x10;
	vm0 =	vgt.f32 v26, v27  }
.LBB2_5:
0x66: {  	p0 =	sne.s32 s26, $0x1C0;
	v27 =	vsel vm0, v26, v27;
	v26 =	vld [tilespmem:s28+$0x0];
	v25 =	vsel vm0, v28, v25;
	s29 =	smov.u32 s26;
	s26 =	sadd.s32 $0x10, s26  }
.Ltmp1:
0x67: {  	(pc) =	sbr.rel @p0 .LBB2_5-.Ltmp1, $2  }
0x68: {  	_ =	sdelay $0x2  }
0x69: {  	s28 =	sadd.s32 $0x10, s28;
	v28 =	vor.u32 s29, v10;
	vm0 =	vgt.f32 v26, v27  }
0x6a: {  	v26 =	vsel vm0, v26, v27  }
0x6b: {  	v27 =	vperm.xlane v26, v11;
	_ =	sdelay $0x1  }
0x6c: {  	v27 =	vmax.f32 v26, v27  }
0x6d: {  	v29 =	vperm.xlane v27, v12;
	_ =	sdelay $0x1  }
0x6e: {  	v27 =	vmax.f32 v27, v29  }
0x6f: {  	v29 =	vperm.xlane v27, v13;
	_ =	sdelay $0x1  }
0x70: {  	v27 =	vmax.f32 v27, v29  }
0x71: {  	v29 =	vperm.xlane v27, v9;
	_ =	sdelay $0x1  }
0x72: {  	v27 =	vmax.f32 v27, v29  }
0x73: {  	v25 =	vsel vm0, v28, v25;
	vm14 =	veq.f32 v26, v27  }
0x74: {  	v25 =	vnsel vm14, $0x40000000, v25  }
0x75: {  	v26 =	vperm.xlane v25, v11;
	_ =	sdelay $0x1  }
0x76: {  	vm0 =	vlt.s32 v25, v26  }
0x77: {  	v25 =	vsel vm0, v25, v26  }
0x78: {  	v26 =	vperm.xlane v25, v12;
	_ =	sdelay $0x1  }
0x79: {  	vm0 =	vlt.s32 v25, v26  }
0x7a: {  	v25 =	vsel vm0, v25, v26  }
0x7b: {  	v26 =	vperm.xlane v25, v13;
	_ =	sdelay $0x1  }
0x7c: {  	vm0 =	vlt.s32 v25, v26  }
0x7d: {  	v25 =	vsel vm0, v25, v26  }
0x7e: {  	v26 =	vperm.xlane v25, v9;
	_ =	sdelay $0x1  }
0x7f: {  	vm0 =	vlt.s32 v25, v26  }
0x80: {  	v25 =	vsel vm0, v25, v26  }
0x81: {  	(v2sf) =	vpush v25, $0x0;
	_ =	sdelay $0xe  }
0x82: {  	s26 =	spop (v2sf)  }
0x83: {  	s28 =	sshll.u32 s26, $0xA  }
0x84: {  	s28 =	sshra.s32 s28, $0x2  }
0x85: {  	v25 =	vld [tilespmem:s28+$0x0];
	_ =	sdelay $0x1  }
0x86: {  	v26 =	vld [tilespmem:s28+$0x10];
	_ =	sdelay $0x1  }
0x87: {  	v47 =	vld [tilespmem:s28+$0x20]  }
0x88: {  	vm15 =	vgt.f32 v25, $-3.000000000e+00  }
0x89: {  	v48 =	vld [tilespmem:s28+$0x30];
	v25 =	vnsel vm15, $0xC0400000, v25  }
0x8a: {  	vm1 =	vgt.f32 v26, v25  }
0x8b: {  	v25 =	vsel vm1, v26, v25;
	v26 =	vld [tilespmem:s28+$0x40]  }
0x8c: {  	vm2 =	vgt.f32 v47, v25  }
0x8d: {  	v49 =	vld [tilespmem:s28+$0x50];
	v25 =	vsel vm2, v47, v25  }
0x8e: {  	vm3 =	vgt.f32 v48, v25  }
0x8f: {  	v50 =	vld [tilespmem:s28+$0x80];
	v25 =	vsel vm3, v48, v25  }
0x90: {  	vm4 =	vgt.f32 v26, v25  }
0x91: {  	v25 =	vsel vm4, v26, v25;
	v26 =	vld [tilespmem:s28+$0x90]  }
0x92: {  	vm5 =	vgt.f32 v49, v25  }
0x93: {  	v51 =	vld [tilespmem:s28+$0xA0];
	v25 =	vsel vm5, v49, v25  }
0x94: {  	vm6 =	vgt.f32 v50, v25  }
0x95: {  	v52 =	vld [tilespmem:s28+$0xB0];
	v30 =	vnsel vm15, $0x0, v10;
	v25 =	vsel vm6, v50, v25  }
0x96: {  	v30 =	vsel vm1, v14, v30;
	vm7 =	vgt.f32 v26, v25  }
0x97: {  	v30 =	vsel vm2, v15, v30;
	v25 =	vsel vm7, v26, v25;
	v26 =	vld [tilespmem:s28+$0xC0]  }
0x98: {  	v30 =	vsel vm3, v16, v30;
	vm8 =	vgt.f32 v51, v25  }
0x99: {  	v53 =	vld [tilespmem:s28+$0xD0];
	v30 =	vsel vm4, v17, v30;
	v25 =	vsel vm8, v51, v25  }
0x9a: {  	v30 =	vsel vm5, v18, v30;
	vm9 =	vgt.f32 v52, v25  }
0x9b: {  	v30 =	vsel vm6, v19, v30;
	v25 =	vsel vm9, v52, v25  }
0x9c: {  	v54 =	vsel vm7, v20, v30;
	vm10 =	vgt.f32 v26, v25  }
0x9d: {  	v29 =	vsel vm8, v21, v54;
	v25 =	vsel vm10, v26, v25  }
0x9e: {  	v26 =	vsel vm9, v22, v29;
	vm11 =	vgt.f32 v53, v25  }
0x9f: {  	v26 =	vsel vm10, v23, v26;
	v25 =	vsel vm11, v53, v25  }
0xa0: {  	v26 =	vsel vm11, v24, v26;
	vm12 =	veq.f32 v25, v27  }
0xa1: {  	v25 =	vnsel vm12, $0x40000000, v26  }
0xa2: {  	v26 =	vperm.xlane v25, v11;
	_ =	sdelay $0x1  }
0xa3: {  	vm0 =	vlt.s32 v25, v26  }
0xa4: {  	v25 =	vsel vm0, v25, v26  }
0xa5: {  	v26 =	vperm.xlane v25, v12;
	_ =	sdelay $0x1  }
0xa6: {  	vm0 =	vlt.s32 v25, v26  }
0xa7: {  	v25 =	vsel vm0, v25, v26  }
0xa8: {  	v26 =	vperm.xlane v25, v13;
	_ =	sdelay $0x1  }
0xa9: {  	vm0 =	vlt.s32 v25, v26  }
0xaa: {  	v25 =	vsel vm0, v25, v26  }
0xab: {  	v26 =	vperm.xlane v25, v9;
	_ =	sdelay $0x1  }
0xac: {  	vm0 =	vlt.s32 v25, v26  }
0xad: {  	v25 =	vsel vm0, v25, v26  }
0xae: {  	(v2sf) =	vpush v25, $0x0;
	_ =	sdelay $0xc  }
0xaf: {  	s29 =	sand.u32 $0x30, s25  }
0xb0: {  	v25 =	vld [tilespmem:s29+$0x1D480]  }
0xb1: {  	s31 =	simm.s32 $0x1;
	v26 =	vld [tilespmem:s29+$0x1D500];
	s30 =	spop (v2sf)  }
0xb2: {  	s1 =	simm.s32 $0xFFFFFFA0;
	s0 =	sand.u32 $0xF, s25;
	v55 =	vld [tilespmem:s29+$0x1D600];
	p0 =	sgt.s32 s30, $0x5F  }
0xb3: {  	v56 =	vmov s0;
	s2 =	sshll.u32 s26, $0x1;
	s31 =	simm.s32 @!p0 $0x0;
	s1 =	simm.s32 @!p0 $0x0  }
0xb4: {  	vm13 =	veq.s32 v56, v10;
	s0 =	sor.u32 s31, s2;
	s1 =	sadd.s32 s30, s1;
	s2 =	sand.u32 $0xF, s30  }
0xb5: {  	v25 =	vsel vm13, v27, v25;
	s30 =	ssub.s32 s1, s2;
	s31 =	sshll.u32 s0, $0x9  }
0xb6: {  	[tilespmem:s29+$0x1D480] =	vst v25;
	v25 =	vsel vm13, s0, v26;
	s0 =	sand.u32 $0xFFFFFF80, s30;
	s31 =	sshra.s32 s31, $0x2  }
0xb7: {  	v26 =	vsel vm13, s1, v55;
	[tilespmem:s29+$0x1D500] =	vst v25;
	s30 =	sand.u32 $0x7F, s30;
	s0 =	sadd.s32 s0, s31  }
0xb8: {  	[tilespmem:s29+$0x1D600] =	vst v26;
	s0 =	sor.u32 s30, s0  }
0xb9: {  	v25 =	vld [tilespmem:s0+$0x0];
	_ =	sdelay $0x2  }
0xba: {  	v26 =	vmov s2  }
0xbb: {  	vm14 =	veq.s32 v26, v10  }
0xbc: {  	v25 =	vsel vm14, $0xC0000000, v25  }
0xbd: {  	[tilespmem:s0+$0x0] =	vst v25  }
0xbe: {  	v25 =	vld [tilespmem:s28+$0x0]  }
0xbf: {  	v26 =	vld [tilespmem:s28+$0x10]  }
0xc0: {  	v27 =	vld [tilespmem:s28+$0x20]  }
0xc1: {  	v57 =	vld [tilespmem:s28+$0x30]  }
0xc2: {  	v58 =	vld [tilespmem:s28+$0x40]  }
0xc3: {  	v59 =	vld [tilespmem:s28+$0x50]  }
0xc4: {  	v25 =	vmax.f32 v25, v26;
	v26 =	vld [tilespmem:s28+$0x80]  }
0xc5: {  	v25 =	vmax.f32 v25, v27;
	v27 =	vld [tilespmem:s28+$0x90]  }
0xc6: {  	v60 =	vld [tilespmem:s28+$0xA0];
	v25 =	vmax.f32 v25, v57  }
0xc7: {  	v61 =	vld [tilespmem:s28+$0xB0];
	v25 =	vmax.f32 v25, v58  }
0xc8: {  	v62 =	vld [tilespmem:s28+$0xC0];
	v25 =	vmax.f32 v25, v59  }
0xc9: {  	v25 =	vmax.f32 v25, v26;
	v26 =	vld [tilespmem:s28+$0xD0]  }
0xca: {  	v25 =	vmax.f32 v25, v27  }
0xcb: {  	v25 =	vmax.f32 v25, v60  }
0xcc: {  	v25 =	vmax.f32 v25, v61  }
0xcd: {  	v25 =	vmax.f32 v25, v62  }
0xce: {  	v25 =	vmax.f32 v25, v26  }
0xcf: {  	v26 =	vperm.xlane v25, v11;
	_ =	sdelay $0x1  }
0xd0: {  	v25 =	vmax.f32 v25, v26  }
0xd1: {  	v26 =	vperm.xlane v25, v12;
	_ =	sdelay $0x1  }
0xd2: {  	v25 =	vmax.f32 v25, v26  }
0xd3: {  	s30 =	sand.u32 $0xFFFFFFF0, s26;
	v26 =	vperm.xlane v25, v13  }
0xd4: {  	s25 =	sadd.s32 $0x1, s25;
	v27 =	vld [tilespmem:s30+$0x1D280]  }
0xd5: {  	p0 =	sne.s32 s25, $0x32;
	v25 =	vmax.f32 v25, v26  }
.Ltmp2:
0xd6: {  	s31 =	sand.u32 $0xF, s26;
	v26 =	vperm.xlane v25, v9;
	(pc) =	sbr.rel @p0 .LBB2_4-.Ltmp2, $4  }
0xd7: {  	v63 =	vmov s31  }
0xd8: {  	vm15 =	veq.s32 v63, v10;
	v25 =	vmax.f32 v25, v26  }
0xd9: {  	v25 =	vsel vm15, v25, v27  }
0xda: {  	[tilespmem:s30+$0x1D280] =	vst v25  }
0xdb: {  	v25 =	vld [tilespmem:$0x1D500];
	_ =	sdelay $0x4  }
0xdc: {  	v25 =	vshll.u32 v25, $0x2  }
0xdd: {  	v26 =	vor.u32 $0x2, v25  }
0xde: {  	v27 =	vor.u32 $0x3, v25;
	_ =	sdelay $0x1  }
0xdf: {  	v28 =	vor.u32 $0x1, v25;
	_ =	sdelay $0x1  }
0xe0: {  	v26 =	vld.idx.msk [tilespmem:v26+s18+$0x0], $0xffff  }
0xe1: {  	v27 =	vld.idx.msk [tilespmem:v27+s18+$0x0], $0xffff  }
0xe2: {  	v29 =	vld.idx.msk [tilespmem:v25+s18+$0x0], $0xffff  }
0xe3: {  	v30 =	vld.idx.msk [tilespmem:v28+s18+$0x0], $0xffff  }
0xe4: {  	v41 =	vld.idx.msk [tilespmem:v1+s15+$0x0], $0xffff  }
0xe5: {  	v42 =	vld.idx.msk [tilespmem:v0+s15+$0x0], $0xffff;
	v25 =	vmul.u32 $0x4, v10;
	v28 =	vmul.f32 $5.000000000e-01, v26  }
0xe6: {  	v31 =	vmul.f32 $5.000000000e-01, v27  }
0xe7: {  	v26 =	vor.u32 $0x1, v25;
	v32 =	vsub.f32 v29, v28  }
0xe8: {  	v27 =	vor.u32 $0x2, v25;
	v33 =	vsub.f32 v30, v31  }
0xe9: {  	v29 =	vadd.f32 v28, v29;
	v28 =	vor.u32 $0x3, v25;
	v32 =	vmul.f32 v32, v41  }
0xea: {  	v30 =	vadd.f32 v31, v30;
	v33 =	vmul.f32 v33, v42  }
0xeb: {  	v29 =	vmul.f32 v29, v41;
	[tilespmem:v25+s19+$0x0] =	vst.idx.msk $0xffff, v32  }
0xec: {  	v30 =	vmul.f32 v30, v42;
	[tilespmem:v26+s19+$0x0] =	vst.idx.msk $0xffff, v33  }
0xed: {  	[tilespmem:v27+s19+$0x0] =	vst.idx.msk $0xffff, v29  }
0xee: {  	[tilespmem:v28+s19+$0x0] =	vst.idx.msk $0xffff, v30  }
0xef: {  	v29 =	vld [tilespmem:$0x1D510];
	_ =	sdelay $0x4  }
0xf0: {  	v29 =	vshll.u32 v29, $0x2  }
0xf1: {  	v30 =	vor.u32 $0x2, v29  }
0xf2: {  	v31 =	vor.u32 $0x3, v29;
	_ =	sdelay $0x1  }
0xf3: {  	v53 =	vor.u32 $0x1, v29;
	_ =	sdelay $0x1  }
0xf4: {  	v30 =	vld.idx.msk [tilespmem:v30+s18+$0x0], $0xffff  }
0xf5: {  	v31 =	vld.idx.msk [tilespmem:v31+s18+$0x0], $0xffff  }
0xf6: {  	v33 =	vld.idx.msk [tilespmem:v29+s18+$0x0], $0xffff  }
0xf7: {  	v34 =	vld.idx.msk [tilespmem:v53+s18+$0x0], $0xffff;
	_ =	sdelay $0x1  }
0xf8: {  	v54 =	vmul.f32 $5.000000000e-01, v30  }
0xf9: {  	v29 =	vor.u32 $0x40, v25;
	v35 =	vmul.f32 $5.000000000e-01, v31  }
0xfa: {  	v30 =	vor.u32 $0x41, v25;
	v36 =	vsub.f32 v33, v54  }
0xfb: {  	v31 =	vor.u32 $0x42, v25;
	v37 =	vsub.f32 v34, v35  }
0xfc: {  	v32 =	vor.u32 $0x43, v25;
	v33 =	vadd.f32 v54, v33;
	v36 =	vmul.f32 v36, v41  }
0xfd: {  	v34 =	vadd.f32 v35, v34;
	v37 =	vmul.f32 v37, v42  }
0xfe: {  	v33 =	vmul.f32 v33, v41;
	[tilespmem:v29+s19+$0x0] =	vst.idx.msk $0xffff, v36  }
0xff: {  	v34 =	vmul.f32 v34, v42;
	[tilespmem:v30+s19+$0x0] =	vst.idx.msk $0xffff, v37  }
0x100: {  	[tilespmem:v31+s19+$0x0] =	vst.idx.msk $0xffff, v33  }
0x101: {  	[tilespmem:v32+s19+$0x0] =	vst.idx.msk $0xffff, v34  }
0x102: {  	v33 =	vld [tilespmem:$0x1D520];
	_ =	sdelay $0x4  }
0x103: {  	v33 =	vshll.u32 v33, $0x2  }
0x104: {  	v55 =	vor.u32 $0x2, v33  }
0x105: {  	v56 =	vor.u32 $0x3, v33;
	_ =	sdelay $0x1  }
0x106: {  	v57 =	vor.u32 $0x1, v33;
	_ =	sdelay $0x1  }
0x107: {  	v34 =	vld.idx.msk [tilespmem:v55+s18+$0x0], $0xffff  }
0x108: {  	v35 =	vld.idx.msk [tilespmem:v56+s18+$0x0], $0xffff  }
0x109: {  	v37 =	vld.idx.msk [tilespmem:v33+s18+$0x0], $0xffff  }
0x10a: {  	v38 =	vld.idx.msk [tilespmem:v57+s18+$0x0], $0xffff;
	_ =	sdelay $0x1  }
0x10b: {  	v58 =	vmul.f32 $5.000000000e-01, v34  }
0x10c: {  	v33 =	vor.u32 $0x80, v25;
	v39 =	vmul.f32 $5.000000000e-01, v35  }
0x10d: {  	v34 =	vor.u32 $0x81, v25;
	v40 =	vsub.f32 v37, v58  }
0x10e: {  	v35 =	vor.u32 $0x82, v25;
	v43 =	vsub.f32 v38, v39  }
0x10f: {  	v36 =	vor.u32 $0x83, v25;
	v37 =	vadd.f32 v58, v37;
	v40 =	vmul.f32 v40, v41  }
0x110: {  	v38 =	vadd.f32 v39, v38;
	v43 =	vmul.f32 v43, v42  }
0x111: {  	v37 =	vmul.f32 v37, v41;
	[tilespmem:v33+s19+$0x0] =	vst.idx.msk $0xffff, v40  }
0x112: {  	v38 =	vmul.f32 v38, v42;
	[tilespmem:v34+s19+$0x0] =	vst.idx.msk $0xffff, v43  }
0x113: {  	[tilespmem:v35+s19+$0x0] =	vst.idx.msk $0xffff, v37  }
0x114: {  	[tilespmem:v36+s19+$0x0] =	vst.idx.msk $0xffff, v38  }
0x115: {  	v37 =	vld [tilespmem:$0x1D530];
	_ =	sdelay $0x4  }
0x116: {  	v37 =	vshll.u32 v37, $0x2  }
0x117: {  	v59 =	vor.u32 $0x2, v37  }
0x118: {  	v60 =	vor.u32 $0x3, v37;
	_ =	sdelay $0x1  }
0x119: {  	v61 =	vor.u32 $0x1, v37;
	_ =	sdelay $0x1  }
0x11a: {  	v38 =	vld.idx.msk [tilespmem:v59+s18+$0x0], $0xffff  }
0x11b: {  	v39 =	vld.idx.msk [tilespmem:v60+s18+$0x0], $0xffff  }
0x11c: {  	v43 =	vld.idx.msk [tilespmem:v37+s18+$0x0], $0xffff  }
0x11d: {  	v44 =	vld.idx.msk [tilespmem:v61+s18+$0x0], $0xffff;
	_ =	sdelay $0x1  }
0x11e: {  	v62 =	vmul.f32 $5.000000000e-01, v38  }
0x11f: {  	v37 =	vor.u32 $0xC0, v25;
	v45 =	vmul.f32 $5.000000000e-01, v39  }
0x120: {  	v38 =	vor.u32 $0xC1, v25;
	v46 =	vsub.f32 v43, v62  }
0x121: {  	v39 =	vor.u32 $0xC2, v25;
	v47 =	vsub.f32 v44, v45  }
0x122: {  	v40 =	vor.u32 $0xC3, v25;
	v43 =	vadd.f32 v62, v43;
	v46 =	vmul.f32 v46, v41  }
0x123: {  	v44 =	vadd.f32 v45, v44;
	v63 =	vmul.f32 v47, v42  }
0x124: {  	v41 =	vmul.f32 v43, v41;
	[tilespmem:v37+s19+$0x0] =	vst.idx.msk $0xffff, v46  }
0x125: {  	v42 =	vmul.f32 v44, v42;
	[tilespmem:v38+s19+$0x0] =	vst.idx.msk $0xffff, v63  }
0x126: {  	[tilespmem:v39+s19+$0x0] =	vst.idx.msk $0xffff, v41  }
0x127: {  	s24 =	simm.s32 $0x0;
	[tilespmem:v40+s19+$0x0] =	vst.idx.msk $0xffff, v42  }
0x128: {  	[hbm4b:s6+s24] =	stream.linear.scatter [tilespmem:s20], [sflag:$0x1], $0x80, $0x38;
	[tilespmem:$0x1D780] =	vst v63  }
0x129: {  	_ =	swait.ge [sflag:s16], $0x80  }
0x12a: {  	[sflag:s16] =	ssyncset.done $0x0  }
0x12b: {  	[sflag:s16] =	ssyncadd.s32 $0xFFFFFF80  }
0x12c: {  	[hbm4b:s7+s24] =	stream.linear.scatter [tilespmem:s21], [sflag:$0x1], $0x80, $0x38;
	[tilespmem:$0x1D780] =	vst v63  }
0x12d: {  	_ =	swait.ge [sflag:s16], $0x80  }
0x12e: {  	[sflag:s16] =	ssyncset.done $0x0  }
0x12f: {  	s25 =	simm.s32 $0x80;
	[sflag:s16] =	ssyncadd.s32 $0xFFFFFF80  }
0x130: {  	[hbm4b:s8+s25] =	stream.strided.scatter [tilespmem:s19], [sflag:$0x1], $0x100, s17, s25, $0x38;
	[tilespmem:$0x1D780] =	vst v63  }
0x131: {  	_ =	swait.ge [sflag:s16], $0x100  }
0x132: {  	[sflag:s16] =	ssyncset.done $0x0  }
0x133: {  	[sflag:s16] =	ssyncadd.s32 $0xFFFFFF00  }
0x134: {  	[tilespmem:s24], [sflag:$0x1] =	stream.linear.gather [hbm4b:s9+s24], $0x1C200, $0x38;
	[tilespmem:$0x1D780] =	vst v63  }
0x135: {  	_ =	swait.ge [sflag:s16], $0x1C200  }
0x136: {  	[sflag:s16] =	ssyncset.done $0x0  }
0x137: {  	[sflag:s16] =	ssyncadd.s32 $0xFFFE3E00  }
0x138: {  	[tilespmem:s18], [sflag:$0x1] =	stream.strided.gather [hbm4b:s10+s25], $0xE80, s17, s25, $0x38;
	[tilespmem:$0x1D780] =	vst v63  }
0x139: {  	_ =	swait.ge [sflag:s16], $0xE80  }
0x13a: {  	[sflag:s16] =	ssyncset.done $0x0  }
0x13b: {  	[sflag:s16] =	ssyncadd.s32 $0xFFFFF180  }
0x13c: {  	[tilespmem:$0x1D440] =	vst v7  }
0x13d: {  	v41 =	vld [tilespmem:s25+$0xFFFFFF90]  }
0x13e: {  	s28 =	simm.s32 $0x1;
	s26 =	simm.s32 $0x0;
	v42 =	vld [tilespmem:s25+$0xFFFFFF80]  }
.LBB2_8:
0x13f: {  	p0 =	sne.s32 s28, $0x1C1;
	v43 =	vld [tilespmem:s25+$0xFFFFFFA0]  }
0x140: {  	v44 =	vld [tilespmem:s25+$0xFFFFFFB0]  }
0x141: {  	v45 =	vld [tilespmem:s25+$0xFFFFFFC0]  }
0x142: {  	v46 =	vld [tilespmem:s25+$0xFFFFFFD0]  }
0x143: {  	v41 =	vmax.f32 v42, v41;
	v42 =	vld [tilespmem:s25+$0x0]  }
0x144: {  	v41 =	vmax.f32 v41, v43;
	v43 =	vld [tilespmem:s25+$0x10]  }
0x145: {  	v41 =	vmax.f32 v41, v44;
	v44 =	vld [tilespmem:s25+$0x20]  }
0x146: {  	v41 =	vmax.f32 v41, v45;
	v45 =	vld [tilespmem:s25+$0x30]  }
0x147: {  	v41 =	vmax.f32 v41, v46;
	v46 =	vld [tilespmem:s25+$0x40]  }
0x148: {  	v41 =	vmax.f32 v41, v42;
	v42 =	vld [tilespmem:s25+$0x50]  }
0x149: {  	v41 =	vmax.f32 v41, v43  }
0x14a: {  	v41 =	vmax.f32 v41, v44  }
0x14b: {  	v41 =	vmax.f32 v41, v45  }
0x14c: {  	v41 =	vmax.f32 v41, v46  }
0x14d: {  	v41 =	vmax.f32 v41, v42  }
0x14e: {  	v42 =	vperm.xlane v41, v5;
	_ =	sdelay $0x1  }
0x14f: {  	v41 =	vmax.f32 v41, v42  }
0x150: {  	v42 =	vperm.xlane v41, v6;
	_ =	sdelay $0x1  }
0x151: {  	v41 =	vmax.f32 v41, v42  }
0x152: {  	s0 =	sand.u32 $0x1F0, s26;
	v42 =	vperm.xlane v41, v8  }
0x153: {  	v43 =	vld [tilespmem:s0+$0x1D280]  }
0x154: {  	v41 =	vmax.f32 v41, v42  }
0x155: {  	s1 =	sand.u32 $0xF, s26;
	s26 =	smov.u32 s28;
	v42 =	vperm.xlane v41, v9  }
0x156: {  	v44 =	vmov s1  }
.Ltmp3:
0x157: {  	vm0 =	veq.s32 v44, v10;
	v41 =	vmax.f32 v41, v42;
	(pc) =	sbr.rel @p0 .LBB2_8-.Ltmp3, $4  }
0x158: {  	v41 =	vsel vm0, v41, v43  }
0x159: {  	s25 =	sadd.s32 $0x100, s25;
	[tilespmem:s0+$0x1D280] =	vst v41  }
0x15a: {  	v41 =	vld [tilespmem:s25+$0xFFFFFF90]  }
0x15b: {  	s28 =	sadd.s32 $0x1, s28;
	v42 =	vld [tilespmem:s25+$0xFFFFFF80]  }
0x15c: {  	v43 =	vld [tilespmem:s25+$0xFFFFFFA0]  }
0x15d: {  	v44 =	vld [tilespmem:s25+$0xFFFFFFB0]  }
0x15e: {  	v45 =	vld [tilespmem:s25+$0xFFFFFFC0]  }
0x15f: {  	v46 =	vld [tilespmem:s25+$0xFFFFFFD0]  }
0x160: {  	v56 =	vld [tilespmem:s25+$0x0];
	v41 =	vmax.f32 v42, v41  }
0x161: {  	v57 =	vld [tilespmem:s25+$0x10];
	v41 =	vmax.f32 v41, v43  }
0x162: {  	v58 =	vld [tilespmem:s25+$0x20];
	v41 =	vmax.f32 v41, v44  }
0x163: {  	v59 =	vld [tilespmem:s25+$0x30];
	v41 =	vmax.f32 v41, v45  }
0x164: {  	v60 =	vld [tilespmem:s25+$0x40];
	v41 =	vmax.f32 v41, v46  }
0x165: {  	v61 =	vld [tilespmem:s25+$0x50];
	v41 =	vmax.f32 v41, v56  }
0x166: {  	v41 =	vmax.f32 v41, v57  }
0x167: {  	v41 =	vmax.f32 v41, v58  }
0x168: {  	v41 =	vmax.f32 v41, v59  }
0x169: {  	v41 =	vmax.f32 v41, v60  }
0x16a: {  	v41 =	vmax.f32 v41, v61  }
0x16b: {  	v42 =	vperm.xlane v41, v5;
	_ =	sdelay $0x1  }
0x16c: {  	v41 =	vmax.f32 v41, v42  }
0x16d: {  	v42 =	vperm.xlane v41, v6;
	_ =	sdelay $0x1  }
0x16e: {  	v41 =	vmax.f32 v41, v42  }
0x16f: {  	s0 =	sand.u32 $0x1F0, s26;
	v42 =	vperm.xlane v41, v8  }
0x170: {  	v62 =	vld [tilespmem:s0+$0x1D280]  }
0x171: {  	v41 =	vmax.f32 v41, v42  }
0x172: {  	s1 =	sand.u32 $0xF, s26;
	v42 =	vperm.xlane v41, v9  }
0x173: {  	v63 =	vmov s1  }
0x174: {  	vm0 =	veq.s32 v63, v10;
	v41 =	vmax.f32 v41, v42  }
0x175: {  	v41 =	vsel vm0, v41, v62  }
0x176: {  	[tilespmem:s0+$0x1D280] =	vst v41  }
.LBB2_10:
0x177: {  	s0 =	simm.s32 $0x1D280  }
0x178: {  	v42 =	vld [tilespmem:s0+$0x0];
	_ =	sdelay $0x3  }
0x179: {  	v43 =	vimm.f32 $-3.000000000e+00;
	s31 =	simm.s32 $0x0  }
0x17a: {  	v41 =	vimm.s32 $0x0;
	s25 =	simm.s32 $0x10;
	s26 =	simm.s32 $0x1D290;
	v44 =	vor.u32 s31, v10;
	vm0 =	vgt.f32 v42, v43  }
.LBB2_11:
0x17b: {  	p0 =	sne.s32 s25, $0x1C0;
	v43 =	vsel vm0, v42, v43;
	v42 =	vld [tilespmem:s26+$0x0];
	v41 =	vsel vm0, v44, v41;
	s0 =	smov.u32 s25;
	s25 =	sadd.s32 $0x10, s25  }
.Ltmp4:
0x17c: {  	(pc) =	sbr.rel @p0 .LBB2_11-.Ltmp4, $2  }
0x17d: {  	_ =	sdelay $0x2  }
0x17e: {  	s26 =	sadd.s32 $0x10, s26;
	v44 =	vor.u32 s0, v10;
	vm0 =	vgt.f32 v42, v43  }
0x17f: {  	v42 =	vsel vm0, v42, v43  }
0x180: {  	v43 =	vperm.xlane v42, v11;
	_ =	sdelay $0x1  }
0x181: {  	v43 =	vmax.f32 v42, v43  }
0x182: {  	v45 =	vperm.xlane v43, v12;
	_ =	sdelay $0x1  }
0x183: {  	v43 =	vmax.f32 v43, v45  }
0x184: {  	v45 =	vperm.xlane v43, v13;
	_ =	sdelay $0x1  }
0x185: {  	v43 =	vmax.f32 v43, v45  }
0x186: {  	v45 =	vperm.xlane v43, v9;
	_ =	sdelay $0x1  }
0x187: {  	v43 =	vmax.f32 v43, v45  }
0x188: {  	v41 =	vsel vm0, v44, v41;
	vm14 =	veq.f32 v42, v43  }
0x189: {  	v41 =	vnsel vm14, $0x40000000, v41  }
0x18a: {  	v61 =	vperm.xlane v41, v11;
	_ =	sdelay $0x1  }
0x18b: {  	vm0 =	vlt.s32 v41, v61  }
0x18c: {  	v41 =	vsel vm0, v41, v61  }
0x18d: {  	v42 =	vperm.xlane v41, v12;
	_ =	sdelay $0x1  }
0x18e: {  	vm0 =	vlt.s32 v41, v42  }
0x18f: {  	v41 =	vsel vm0, v41, v42  }
0x190: {  	v42 =	vperm.xlane v41, v13;
	_ =	sdelay $0x1  }
0x191: {  	vm0 =	vlt.s32 v41, v42  }
0x192: {  	v41 =	vsel vm0, v41, v42  }
0x193: {  	v42 =	vperm.xlane v41, v9;
	_ =	sdelay $0x1  }
0x194: {  	vm0 =	vlt.s32 v41, v42  }
0x195: {  	v41 =	vsel vm0, v41, v42  }
0x196: {  	(v2sf) =	vpush v41, $0x0;
	_ =	sdelay $0xe  }
0x197: {  	s25 =	spop (v2sf)  }
0x198: {  	s0 =	sshll.u32 s25, $0xA  }
0x199: {  	s26 =	sshra.s32 s0, $0x2  }
0x19a: {  	v62 =	vld [tilespmem:s26+$0x0];
	_ =	sdelay $0x1  }
0x19b: {  	v63 =	vld [tilespmem:s26+$0x10];
	_ =	sdelay $0x1  }
0x19c: {  	v48 =	vld [tilespmem:s26+$0x20]  }
0x19d: {  	vm15 =	vgt.f32 v62, $-3.000000000e+00  }
0x19e: {  	v49 =	vld [tilespmem:s26+$0x30];
	v41 =	vnsel vm15, $0xC0400000, v62  }
0x19f: {  	vm1 =	vgt.f32 v63, v41  }
0x1a0: {  	v50 =	vld [tilespmem:s26+$0x40];
	v41 =	vsel vm1, v63, v41  }
0x1a1: {  	vm2 =	vgt.f32 v48, v41  }
0x1a2: {  	v51 =	vld [tilespmem:s26+$0x50];
	v41 =	vsel vm2, v48, v41  }
0x1a3: {  	vm3 =	vgt.f32 v49, v41  }
0x1a4: {  	v52 =	vld [tilespmem:s26+$0x80];
	v41 =	vsel vm3, v49, v41  }
0x1a5: {  	vm4 =	vgt.f32 v50, v41  }
0x1a6: {  	v53 =	vld [tilespmem:s26+$0x90];
	v41 =	vsel vm4, v50, v41  }
0x1a7: {  	vm5 =	vgt.f32 v51, v41  }
0x1a8: {  	v54 =	vld [tilespmem:s26+$0xA0];
	v41 =	vsel vm5, v51, v41  }
0x1a9: {  	vm6 =	vgt.f32 v52, v41  }
0x1aa: {  	v55 =	vld [tilespmem:s26+$0xB0];
	v46 =	vnsel vm15, $0x0, v10;
	v41 =	vsel vm6, v52, v41  }
0x1ab: {  	v46 =	vsel vm1, v14, v46;
	vm7 =	vgt.f32 v53, v41  }
0x1ac: {  	v56 =	vld [tilespmem:s26+$0xC0];
	v46 =	vsel vm2, v15, v46;
	v41 =	vsel vm7, v53, v41  }
0x1ad: {  	v46 =	vsel vm3, v16, v46;
	vm8 =	vgt.f32 v54, v41  }
0x1ae: {  	v57 =	vld [tilespmem:s26+$0xD0];
	v46 =	vsel vm4, v17, v46;
	v41 =	vsel vm8, v54, v41  }
0x1af: {  	v46 =	vsel vm5, v18, v46;
	vm9 =	vgt.f32 v55, v41  }
0x1b0: {  	v46 =	vsel vm6, v19, v46;
	v41 =	vsel vm9, v55, v41  }
0x1b1: {  	v58 =	vsel vm7, v20, v46;
	vm10 =	vgt.f32 v56, v41  }
0x1b2: {  	v45 =	vsel vm8, v21, v58;
	v41 =	vsel vm10, v56, v41  }
0x1b3: {  	v59 =	vsel vm9, v22, v45;
	vm11 =	vgt.f32 v57, v41  }
0x1b4: {  	v42 =	vsel vm10, v23, v59;
	v41 =	vsel vm11, v57, v41  }
0x1b5: {  	v42 =	vsel vm11, v24, v42;
	vm12 =	veq.f32 v41, v43  }
0x1b6: {  	v41 =	vnsel vm12, $0x40000000, v42  }
0x1b7: {  	v42 =	vperm.xlane v41, v11;
	_ =	sdelay $0x1  }
0x1b8: {  	vm0 =	vlt.s32 v41, v42  }
0x1b9: {  	v41 =	vsel vm0, v41, v42  }
0x1ba: {  	v42 =	vperm.xlane v41, v12;
	_ =	sdelay $0x1  }
0x1bb: {  	vm0 =	vlt.s32 v41, v42  }
0x1bc: {  	v41 =	vsel vm0, v41, v42  }
0x1bd: {  	v42 =	vperm.xlane v41, v13;
	_ =	sdelay $0x1  }
0x1be: {  	vm0 =	vlt.s32 v41, v42  }
0x1bf: {  	v41 =	vsel vm0, v41, v42  }
0x1c0: {  	v42 =	vperm.xlane v41, v9;
	_ =	sdelay $0x1  }
0x1c1: {  	vm0 =	vlt.s32 v41, v42  }
0x1c2: {  	v41 =	vsel vm0, v41, v42  }
0x1c3: {  	(v2sf) =	vpush v41, $0x0;
	_ =	sdelay $0xc  }
0x1c4: {  	s0 =	sand.u32 $0x30, s24  }
0x1c5: {  	v60 =	vld [tilespmem:s0+$0x1D480]  }
0x1c6: {  	s2 =	simm.s32 $0x1;
	v61 =	vld [tilespmem:s0+$0x1D500];
	s1 =	spop (v2sf)  }
0x1c7: {  	s28 =	simm.s32 $0xFFFFFFA0;
	s29 =	sand.u32 $0xF, s24;
	v62 =	vld [tilespmem:s0+$0x1D600];
	p0 =	sgt.s32 s1, $0x5F  }
0x1c8: {  	s30 =	sshll.u32 s25, $0x1;
	v63 =	vmov s29;
	s2 =	simm.s32 @!p0 $0x0;
	s28 =	simm.s32 @!p0 $0x0  }
0x1c9: {  	vm13 =	veq.s32 v63, v10;
	s2 =	sor.u32 s2, s30;
	s28 =	sadd.s32 s1, s28;
	s1 =	sand.u32 $0xF, s1  }
0x1ca: {  	v41 =	vsel vm13, v43, v60;
	s31 =	ssub.s32 s28, s1;
	s30 =	sshll.u32 s2, $0x9  }
0x1cb: {  	[tilespmem:s0+$0x1D480] =	vst v41;
	v48 =	vsel vm13, s2, v61;
	s2 =	sand.u32 $0xFFFFFF80, s31;
	s30 =	sshra.s32 s30, $0x2  }
0x1cc: {  	v49 =	vsel vm13, s28, v62;
	[tilespmem:s0+$0x1D500] =	vst v48;
	s31 =	sand.u32 $0x7F, s31;
	s2 =	sadd.s32 s2, s30  }
0x1cd: {  	[tilespmem:s0+$0x1D600] =	vst v49;
	s29 =	sor.u32 s31, s2  }
0x1ce: {  	v41 =	vld [tilespmem:s29+$0x0];
	_ =	sdelay $0x2  }
0x1cf: {  	v50 =	vmov s1  }
0x1d0: {  	vm14 =	veq.s32 v50, v10  }
0x1d1: {  	v41 =	vsel vm14, $0xC0000000, v41  }
0x1d2: {  	[tilespmem:s29+$0x0] =	vst v41  }
0x1d3: {  	v41 =	vld [tilespmem:s26+$0x0]  }
0x1d4: {  	v51 =	vld [tilespmem:s26+$0x10]  }
0x1d5: {  	v52 =	vld [tilespmem:s26+$0x20]  }
0x1d6: {  	v53 =	vld [tilespmem:s26+$0x30]  }
0x1d7: {  	v54 =	vld [tilespmem:s26+$0x40]  }
0x1d8: {  	v55 =	vld [tilespmem:s26+$0x50]  }
0x1d9: {  	v56 =	vld [tilespmem:s26+$0x80];
	v41 =	vmax.f32 v41, v51  }
0x1da: {  	v57 =	vld [tilespmem:s26+$0x90];
	v41 =	vmax.f32 v41, v52  }
0x1db: {  	v58 =	vld [tilespmem:s26+$0xA0];
	v41 =	vmax.f32 v41, v53  }
0x1dc: {  	v59 =	vld [tilespmem:s26+$0xB0];
	v41 =	vmax.f32 v41, v54  }
0x1dd: {  	v60 =	vld [tilespmem:s26+$0xC0];
	v41 =	vmax.f32 v41, v55  }
0x1de: {  	v61 =	vld [tilespmem:s26+$0xD0];
	v41 =	vmax.f32 v41, v56  }
0x1df: {  	v41 =	vmax.f32 v41, v57  }
0x1e0: {  	v41 =	vmax.f32 v41, v58  }
0x1e1: {  	v41 =	vmax.f32 v41, v59  }
0x1e2: {  	v41 =	vmax.f32 v41, v60  }
0x1e3: {  	v41 =	vmax.f32 v41, v61  }
0x1e4: {  	v42 =	vperm.xlane v41, v11;
	_ =	sdelay $0x1  }
0x1e5: {  	v41 =	vmax.f32 v41, v42  }
0x1e6: {  	v42 =	vperm.xlane v41, v12;
	_ =	sdelay $0x1  }
0x1e7: {  	v41 =	vmax.f32 v41, v42  }
0x1e8: {  	s30 =	sand.u32 $0xFFFFFFF0, s25;
	v42 =	vperm.xlane v41, v13  }
0x1e9: {  	s24 =	sadd.s32 $0x1, s24;
	v62 =	vld [tilespmem:s30+$0x1D280]  }
0x1ea: {  	p0 =	sne.s32 s24, $0x32;
	v41 =	vmax.f32 v41, v42  }
.Ltmp5:
0x1eb: {  	s31 =	sand.u32 $0xF, s25;
	v42 =	vperm.xlane v41, v9;
	(pc) =	sbr.rel @p0 .LBB2_10-.Ltmp5, $4  }
0x1ec: {  	v63 =	vmov s31  }
0x1ed: {  	vm15 =	veq.s32 v63, v10;
	v41 =	vmax.f32 v41, v42  }
0x1ee: {  	v41 =	vsel vm15, v41, v62  }
0x1ef: {  	[tilespmem:s30+$0x1D280] =	vst v41  }
0x1f0: {  	v41 =	vld [tilespmem:$0x1D500];
	_ =	sdelay $0x4  }
0x1f1: {  	v41 =	vshll.u32 v41, $0x2  }
0x1f2: {  	v42 =	vor.u32 $0x2, v41  }
0x1f3: {  	v43 =	vor.u32 $0x3, v41;
	_ =	sdelay $0x1  }
0x1f4: {  	v44 =	vor.u32 $0x1, v41;
	_ =	sdelay $0x1  }
0x1f5: {  	v42 =	vld.idx.msk [tilespmem:v42+s18+$0x0], $0xffff  }
0x1f6: {  	v43 =	vld.idx.msk [tilespmem:v43+s18+$0x0], $0xffff  }
0x1f7: {  	v41 =	vld.idx.msk [tilespmem:v41+s18+$0x0], $0xffff  }
0x1f8: {  	v44 =	vld.idx.msk [tilespmem:v44+s18+$0x0], $0xffff  }
0x1f9: {  	v45 =	vld.idx.msk [tilespmem:v3+s15+$0x0], $0xffff  }
0x1fa: {  	v46 =	vld.idx.msk [tilespmem:v2+s15+$0x0], $0xffff;
	v42 =	vmul.f32 $5.000000000e-01, v42  }
0x1fb: {  	v43 =	vmul.f32 $5.000000000e-01, v43  }
0x1fc: {  	v47 =	vsub.f32 v41, v42  }
0x1fd: {  	v48 =	vsub.f32 v44, v43  }
0x1fe: {  	v41 =	vadd.f32 v42, v41;
	v47 =	vmul.f32 v47, v45  }
0x1ff: {  	v43 =	vadd.f32 v43, v44;
	v54 =	vmul.f32 v48, v46  }
0x200: {  	v41 =	vmul.f32 v41, v45;
	[tilespmem:v25+s19+$0x0] =	vst.idx.msk $0xffff, v47  }
0x201: {  	v25 =	vmul.f32 v43, v46;
	[tilespmem:v26+s19+$0x0] =	vst.idx.msk $0xffff, v54  }
0x202: {  	[tilespmem:v27+s19+$0x0] =	vst.idx.msk $0xffff, v41  }
0x203: {  	[tilespmem:v28+s19+$0x0] =	vst.idx.msk $0xffff, v25  }
0x204: {  	v25 =	vld [tilespmem:$0x1D510];
	_ =	sdelay $0x4  }
0x205: {  	v25 =	vshll.u32 v25, $0x2  }
0x206: {  	v26 =	vor.u32 $0x2, v25  }
0x207: {  	v27 =	vor.u32 $0x3, v25;
	_ =	sdelay $0x1  }
0x208: {  	v55 =	vor.u32 $0x1, v25;
	_ =	sdelay $0x1  }
0x209: {  	v26 =	vld.idx.msk [tilespmem:v26+s18+$0x0], $0xffff  }
0x20a: {  	v27 =	vld.idx.msk [tilespmem:v27+s18+$0x0], $0xffff  }
0x20b: {  	v25 =	vld.idx.msk [tilespmem:v25+s18+$0x0], $0xffff  }
0x20c: {  	v28 =	vld.idx.msk [tilespmem:v55+s18+$0x0], $0xffff;
	_ =	sdelay $0x1  }
0x20d: {  	v26 =	vmul.f32 $5.000000000e-01, v26  }
0x20e: {  	v27 =	vmul.f32 $5.000000000e-01, v27  }
0x20f: {  	v56 =	vsub.f32 v25, v26  }
0x210: {  	v57 =	vsub.f32 v28, v27  }
0x211: {  	v25 =	vadd.f32 v26, v25;
	v41 =	vmul.f32 v56, v45  }
0x212: {  	v27 =	vadd.f32 v27, v28;
	v26 =	vmul.f32 v57, v46  }
0x213: {  	v25 =	vmul.f32 v25, v45;
	[tilespmem:v29+s19+$0x0] =	vst.idx.msk $0xffff, v41  }
0x214: {  	v27 =	vmul.f32 v27, v46;
	[tilespmem:v30+s19+$0x0] =	vst.idx.msk $0xffff, v26  }
0x215: {  	[tilespmem:v31+s19+$0x0] =	vst.idx.msk $0xffff, v25  }
0x216: {  	[tilespmem:v32+s19+$0x0] =	vst.idx.msk $0xffff, v27  }
0x217: {  	v25 =	vld [tilespmem:$0x1D520];
	_ =	sdelay $0x4  }
0x218: {  	v25 =	vshll.u32 v25, $0x2  }
0x219: {  	v26 =	vor.u32 $0x2, v25  }
0x21a: {  	v27 =	vor.u32 $0x3, v25;
	_ =	sdelay $0x1  }
0x21b: {  	v58 =	vor.u32 $0x1, v25;
	_ =	sdelay $0x1  }
0x21c: {  	v26 =	vld.idx.msk [tilespmem:v26+s18+$0x0], $0xffff  }
0x21d: {  	v27 =	vld.idx.msk [tilespmem:v27+s18+$0x0], $0xffff  }
0x21e: {  	v25 =	vld.idx.msk [tilespmem:v25+s18+$0x0], $0xffff  }
0x21f: {  	v28 =	vld.idx.msk [tilespmem:v58+s18+$0x0], $0xffff;
	_ =	sdelay $0x1  }
0x220: {  	v26 =	vmul.f32 $5.000000000e-01, v26  }
0x221: {  	v27 =	vmul.f32 $5.000000000e-01, v27  }
0x222: {  	v59 =	vsub.f32 v25, v26  }
0x223: {  	v60 =	vsub.f32 v28, v27  }
0x224: {  	v25 =	vadd.f32 v26, v25;
	v29 =	vmul.f32 v59, v45  }
0x225: {  	v27 =	vadd.f32 v27, v28;
	v26 =	vmul.f32 v60, v46  }
0x226: {  	v25 =	vmul.f32 v25, v45;
	[tilespmem:v33+s19+$0x0] =	vst.idx.msk $0xffff, v29  }
0x227: {  	v27 =	vmul.f32 v27, v46;
	[tilespmem:v34+s19+$0x0] =	vst.idx.msk $0xffff, v26  }
0x228: {  	[tilespmem:v35+s19+$0x0] =	vst.idx.msk $0xffff, v25  }
0x229: {  	[tilespmem:v36+s19+$0x0] =	vst.idx.msk $0xffff, v27  }
0x22a: {  	v25 =	vld [tilespmem:$0x1D530];
	_ =	sdelay $0x4  }
0x22b: {  	v25 =	vshll.u32 v25, $0x2  }
0x22c: {  	v26 =	vor.u32 $0x2, v25  }
0x22d: {  	v27 =	vor.u32 $0x3, v25;
	_ =	sdelay $0x1  }
0x22e: {  	v61 =	vor.u32 $0x1, v25;
	_ =	sdelay $0x1  }
0x22f: {  	v26 =	vld.idx.msk [tilespmem:v26+s18+$0x0], $0xffff  }
0x230: {  	v27 =	vld.idx.msk [tilespmem:v27+s18+$0x0], $0xffff  }
0x231: {  	v25 =	vld.idx.msk [tilespmem:v25+s18+$0x0], $0xffff  }
0x232: {  	v28 =	vld.idx.msk [tilespmem:v61+s18+$0x0], $0xffff;
	_ =	sdelay $0x1  }
0x233: {  	v26 =	vmul.f32 $5.000000000e-01, v26  }
0x234: {  	v27 =	vmul.f32 $5.000000000e-01, v27  }
0x235: {  	v62 =	vsub.f32 v25, v26  }
0x236: {  	v63 =	vsub.f32 v28, v27  }
0x237: {  	v25 =	vadd.f32 v26, v25;
	v29 =	vmul.f32 v62, v45  }
0x238: {  	v27 =	vadd.f32 v27, v28;
	v26 =	vmul.f32 v63, v46  }
0x239: {  	v25 =	vmul.f32 v25, v45;
	[tilespmem:v37+s19+$0x0] =	vst.idx.msk $0xffff, v29  }
0x23a: {  	v27 =	vmul.f32 v27, v46;
	[tilespmem:v38+s19+$0x0] =	vst.idx.msk $0xffff, v26  }
0x23b: {  	[tilespmem:v39+s19+$0x0] =	vst.idx.msk $0xffff, v25  }
0x23c: {  	[tilespmem:v40+s19+$0x0] =	vst.idx.msk $0xffff, v27  }
0x23d: {  	[hbm4b:s11+s3] =	stream.linear.scatter [tilespmem:s20], [sflag:$0x1], $0x80, $0x38;
	[tilespmem:$0x1D780] =	vst v63  }
0x23e: {  	_ =	swait.ge [sflag:s16], $0x80  }
0x23f: {  	[sflag:s16] =	ssyncset.done $0x0  }
0x240: {  	[sflag:s16] =	ssyncadd.s32 $0xFFFFFF80  }
0x241: {  	[hbm4b:s12+s3] =	stream.linear.scatter [tilespmem:s21], [sflag:$0x1], $0x80, $0x38;
	[tilespmem:$0x1D780] =	vst v63  }
0x242: {  	s23 =	sadd.s32 $0x1, s23;
	_ =	swait.ge [sflag:s16], $0x80  }
0x243: {  	p0 =	sne.s32 s23, s14;
	[sflag:s16] =	ssyncset.done $0x0  }
.Ltmp6:
0x244: {  	[sflag:s16] =	ssyncadd.s32 $0xFFFFFF80;
	(pc) =	sbr.rel @p0 .LBB2_1-.Ltmp6, $4  }
0x245: {  	[hbm4b:s13+s22] =	stream.strided.scatter [tilespmem:s19], [sflag:$0x1], $0x100, s17, s22, $0x38;
	[tilespmem:$0x1D780] =	vst v63  }
0x246: {  	_ =	swait.ge [sflag:s16], $0x100  }
0x247: {  	[sflag:s16] =	ssyncset.done $0x0  }
0x248: {  	[sflag:s16] =	ssyncadd.s32 $0xFFFFFF00  }
0x249: {  	_ =	sfence.sel $0x180000  }
0x24a: {  	[bflag:$0x0] =	sbarrier.arrive $0xFFFF  }
0x24b: {  	_ =	strace $0x90000047  }
0x24c: {  	s0 =	stileid.u32;
	[bflag:$0x2] =	sbarrier.arrive $0xFFFF  }
0x24d: {  	p0 =	sne.s32 s0, $0x0;
	s0 =	rddreg [dreg:$0x3]  }
0x24e: {  	s0 =	sadd.s32 @!p0 $0x100000, s0  }
0x24f: {  	[sflag:s0] =	ssyncadd.tile.s32 @!p0 $0x1;
	_ =	shalt  }
.Lfunc_end2:
_tile_overlayer_lowered:
.L_overlay_start_2:
0x250: {  	(tag) =	ssettag $0x2  }
0x251: {  	s0 =	rddreg [dreg:$0x0];
	s2 =	stileid.u32  }
0x252: {  	s1 =	rddreg [dreg:$0x1];
	p0 =	sne.s32 s2, $0x0  }
0x253: {  	s3 =	rddreg [dreg:$0x2];
	[bflag:$0x3] =	sbarrier.arrive $0xFFFF;
	s2 =	simm.s32 @!p0 $0x1C01  }
0x254: {  	[timem:s3], [sflag:s2] =	dma.local @!p0 [hbm:s0], s1  }
0x255: {  	s0 =	simm.s32 @!p0 $0x1  }
0x256: {  	_ =	swait.ge @!p0 [sflag:s0], s1  }
0x257: {  	s1 =	ssub.s32 @!p0 $0x0, s1;
	[sflag:s0] =	ssyncset.done @!p0 $0x0  }
0x258: {  	[sflag:s0] =	ssyncadd.s32 @!p0 s1  }
0x259: {  	[bflag:$0x3] =	sbarrier.arrive $0xFFFF  }
0x25a: {  	_ =	shalt  }

</sc_bundles>
